<compile_context>
chip_gen: v7x
topology: tpu7x:2x2x1
jax: 0.10.2.dev20260603
libtpu: 0.0.44.dev20260713+nightly
codegen_flags: <defaults>
</compile_context>

<pallas_src>
import functools

import jax
import jax.numpy as jnp
from jax import lax
from jax.experimental import pallas as pl
from jax.experimental.pallas import tpu as pltpu
from jax.experimental.pallas import tpu_sc as plsc

B = 16384
D = 2049
DM = 2048
L = 16
DPAD = 2176
NC, NS = 2, 16
NW = NC * NS

BSC = 5120
BOFF = B - BSC
NG = 8
BPW = BSC // NG
NJ = BPW // L
NQ = 4
KQ = DM // NQ
KCH = 64
NCH = KQ // KCH

TB = 1024


def _sc_body(inp_t, idxa, out2, table, y_out,
             buf0, buf1, embv, out2v, yv, tlv, tmp, idxv, shared,
             sem0, sem1):
    cid = lax.axis_index("c")
    sid = lax.axis_index("s")
    g_loc = lax.rem(sid, NG // NC)
    q = lax.div(sid, NG // NC)
    b0 = BOFF + (cid * (NG // NC) + g_loc) * BPW
    kq0 = q * KQ

    pltpu.sync_copy(idxa, idxv)
    pltpu.sync_copy(out2.at[pl.ds(b0, BPW)], out2v)
    pltpu.sync_copy(inp_t.at[pl.ds(DM, 1), pl.ds(b0, BPW)], tlv)
    pltpu.async_copy(table.at[idxv], embv, sem0).wait()

    zero = jnp.zeros((L,), jnp.float32)
    z16 = jnp.zeros((L,), jnp.int32)
    emb_t = plsc.load_gather(embv, [z16, jnp.full((L,), DM, jnp.int32)])
    emb_t = emb_t * jnp.where(q == NQ - 1, 1.0, 0.0).astype(jnp.float32)

    bufs = (buf0, buf1)
    sems = (sem0, sem1)

    for b in range(2):
        pltpu.async_copy(
            inp_t.at[pl.ds(kq0 + b * KCH, KCH), pl.ds(b0, BPW)],
            bufs[b], sems[b])

    def pair(g, accs):
        for b in range(2):
            ch = 2 * g + b
            buf = bufs[b]
            sem = sems[b]
            k0 = kq0 + ch * KCH
            pltpu.make_async_copy(
                inp_t.at[pl.ds(k0, KCH), pl.ds(b0, BPW)], buf, sem).wait()

            new = []
            for half in range(2):
                sub = accs[half * (NJ // 2):(half + 1) * (NJ // 2)]

                def kstep(kk, a, _half=half):
                    ebk = plsc.load_gather(embv, [z16, z16 + (k0 + kk)])
                    off = _half * (NJ // 2) * L
                    return tuple(
                        a[j] + buf[kk, pl.ds(off + j * L, L)] * ebk
                        for j in range(NJ // 2))

                new.extend(lax.fori_loop(0, KCH, kstep, tuple(sub)))
            accs = tuple(new)

            @pl.when(ch + 2 < NCH)
            def _():
                pltpu.async_copy(
                    inp_t.at[pl.ds(k0 + 2 * KCH, KCH), pl.ds(b0, BPW)],
                    buf, sem)
        return accs

    accs = lax.fori_loop(0, NCH // 2, pair, tuple(zero for _ in range(NJ)))

    for j in range(NJ):
        yv[pl.ds(j * L, L)] = accs[j] + tlv[0, pl.ds(j * L, L)] * emb_t
    pltpu.sync_copy(yv, shared.at[sid])
    plsc.subcore_barrier()

    @pl.when(q == 0)
    def _():
        for qq in range(1, NQ):
            pltpu.sync_copy(shared.at[g_loc + qq * (NG // NC)], tmp)
            for j in range(NJ):
                yv[pl.ds(j * L, L)] = (yv[pl.ds(j * L, L)]
                                       + tmp[pl.ds(j * L, L)])
        for j in range(NJ):
            yv[pl.ds(j * L, L)] = jnp.minimum(yv[pl.ds(j * L, L)],
                                              out2v[pl.ds(j * L, L)])
        pltpu.sync_copy(
            yv, y_out.at[pl.ds((cid * (NG // NC) + g_loc) * BPW, BPW)])


_sc_call = pl.kernel(
    _sc_body,
    out_type=jax.ShapeDtypeStruct((BSC,), jnp.float32),
    mesh=plsc.VectorSubcoreMesh(core_axis_name="c", subcore_axis_name="s",
                                num_cores=NC, num_subcores=NS),
    scratch_types=[
        pltpu.VMEM((KCH, BPW), jnp.float32),
        pltpu.VMEM((KCH, BPW), jnp.float32),
        pltpu.VMEM((1, DPAD), jnp.float32),
        pltpu.VMEM((BPW,), jnp.float32),
        pltpu.VMEM((BPW,), jnp.float32),
        pltpu.VMEM((1, BPW), jnp.float32),
        pltpu.VMEM((BPW,), jnp.float32),
        pltpu.VMEM((1,), jnp.int32),
        pltpu.VMEM_SHARED((NS, BPW), jnp.float32),
        pltpu.SemaphoreType.DMA,
        pltpu.SemaphoreType.DMA,
    ],
    compiler_params=pltpu.CompilerParams(needs_layout_passes=False,
                                         skip_device_barrier=True,
                                         disable_semaphore_checks=True,
                                         disable_bounds_checks=True),
)


def _tc_body(idx_ref, x_ref, emb_ref, out2_ref, o_ref):
    ids = lax.broadcasted_iota(jnp.int32, (1, 7), 1)
    sel = (ids == idx_ref[0]).astype(jnp.float32)
    e = jax.lax.dot_general(sel, emb_ref[...], (((1,), (0,)), ((), ())),
                            preferred_element_type=jnp.float32)
    y = jax.lax.dot_general(e, x_ref[...], (((1,), (0,)), ((), ())),
                            preferred_element_type=jnp.float32)
    o_ref[...] = jnp.minimum(y, out2_ref[...])


def _tc_call(inp_t, idxa, out2_2d, emb_tab):
    return pl.pallas_call(
        _tc_body,
        out_shape=jax.ShapeDtypeStruct((1, BOFF), jnp.float32),
        grid=(BOFF // TB,),
        in_specs=[
            pl.BlockSpec(memory_space=pltpu.SMEM),
            pl.BlockSpec((D, TB), lambda i: (0, i)),
            pl.BlockSpec((7, D), lambda i: (0, 0)),
            pl.BlockSpec((1, TB), lambda i: (0, i)),
        ],
        out_specs=pl.BlockSpec((1, TB), lambda i: (0, i)),
    )(idxa, inp_t, emb_tab, out2_2d)


def _max_body(y_ref, o_ref):
    o_ref[0, 0] = jnp.max(y_ref[...])


def _final_max(y):
    return pl.pallas_call(
        _max_body,
        out_shape=jax.ShapeDtypeStruct((1, 1), jnp.float32),
        out_specs=pl.BlockSpec(memory_space=pltpu.SMEM),
    )(y.reshape(B // 128, 128))


def kernel(input, idx, out2, emb_table):
    idxa = jnp.full((1,), idx, jnp.int32)
    table = jnp.pad(emb_table, ((0, 0), (0, DPAD - D)))
    inp_t = input.T
    y_sc = _sc_call(inp_t, idxa, out2, table)
    y_tc = _tc_call(inp_t, idxa, out2.reshape(1, B), emb_table)
    y = jnp.concatenate([y_tc.reshape(BOFF), y_sc])
    out = _final_max(y).reshape(1)
    return (out, y.reshape(1, B))

# --- scband reference (transcript-rebuilt; emitter-appended) ---
"""Pipeline reference for scband-filter-part-37795712205047 (READ-ONLY COPY).

The authoritative reference and input builder live on the scoring server;
editing this copy changes nothing except your own understanding.
"""

import jax, jax.numpy as jnp
import numpy as np


def setup_inputs(seed: int = 0) -> dict:
    key = jax.random.key(seed)
    k1, k2, k3 = jax.random.split(key, 3)
    B = 16384
    inp = jax.random.normal(k1, (B, 2049), dtype=jnp.float32)
    out2 = jax.random.normal(k2, (B,), dtype=jnp.float32)
    emb_table = jax.random.normal(k3, (7, 2049), dtype=jnp.float32)
    idx = 3
    return {"input": inp, "idx": idx, "out2": out2, "emb_table": emb_table}


def reference(input, idx, out2, emb_table):
    # default path: query=False, count=False
    # idx becomes a length-1 index tensor; loop runs once
    emb = emb_table[idx]                      # [2049] embedding lookup (gather)
    emb_b = jnp.broadcast_to(emb[None, :], input.shape)  # expand to [B, 2049]
    output_i = emb_b * input                  # [B, 2049]
    output = output_i.sum(-1)[None, :]        # [1, B]
    output = jnp.minimum(output, out2)        # broadcast min with out2 [B]
    output2 = output                          # detach().clone() equivalent (value copy)
    out = jnp.max(output, axis=1)             # [1]
    return (out, output2)

if __name__ == "__main__":
    import jax
    _d = setup_inputs()
    print(jax.jit(kernel)(*tuple(_d.values())))

</pallas_src>

<mosaic_0001>
#map = affine_map<(d0, d1) -> (0, 0)>
#map1 = affine_map<(d0, d1) -> (0)>
module attributes {stable_mosaic.version = 14 : i64} {
  func.func @_sc_body(%arg0: i32, %arg1: i32, %arg2: memref<2049x16384xf32, #tpu.memory_space<hbm>>, %arg3: memref<1xi32, #tpu.memory_space<hbm>>, %arg4: memref<16384xf32, #tpu.memory_space<hbm>>, %arg5: memref<7x2176xf32, #tpu.memory_space<hbm>>, %arg6: memref<5120xf32, #tpu.memory_space<hbm>>, %arg7: memref<64x640xf32, #tpu.memory_space<vmem>>, %arg8: memref<64x640xf32, #tpu.memory_space<vmem>>, %arg9: memref<1x2176xf32, #tpu.memory_space<vmem>>, %arg10: memref<640xf32, #tpu.memory_space<vmem>>, %arg11: memref<640xf32, #tpu.memory_space<vmem>>, %arg12: memref<1x640xf32, #tpu.memory_space<vmem>>, %arg13: memref<640xf32, #tpu.memory_space<vmem>>, %arg14: memref<1xi32, #tpu.memory_space<vmem>>, %arg15: memref<16x640xf32, #tpu.memory_space<vmem_shared>>, %arg16: memref<!tpu.dma_semaphore, #tpu.memory_space<semaphore_mem>>, %arg17: memref<!tpu.dma_semaphore, #tpu.memory_space<semaphore_mem>>) attributes {dimension_semantics = [#tpu.dimension_semantics<core_parallel>, #tpu.dimension_semantics<subcore_parallel>], iteration_bounds = array<i64: 2, 16>, scalar_prefetch = 0 : i64, scratch_operands = 11 : i64, tpu.core_type = #tpu.core_type<sc_vector_subcore>, window_params = [{transform_indices = #map}, {transform_indices = #map1}, {transform_indices = #map1}, {transform_indices = #map}, {transform_indices = #map1}]} {
    %rem3A = arith.constant 4 : i32
    %rem3A_0 = arith.remsi %arg1, %rem3A : i32
    %div3A = arith.constant 4 : i32
    %div3A_1 = arith.divsi %arg1, %div3A : i32
    %mul3A = arith.constant 4 : i32
    %mul3A_2 = arith.muli %arg0, %mul3A : i32
    %add3A = arith.addi %mul3A_2, %rem3A_0 : i32
    %mul3A_3 = arith.constant 640 : i32
    %mul3A_4 = arith.muli %add3A, %mul3A_3 : i32
    %add3A_5 = arith.constant 11264 : i32
    %add3A_6 = arith.addi %add3A_5, %mul3A_4 : i32
    %mul3A_7 = arith.constant 512 : i32
    %mul3A_8 = arith.muli %div3A_1, %mul3A_7 : i32
    "tpu.region"() ({
      %run_scoped3A = tpu.sem_alloc : memref<!tpu.dma_semaphore, #tpu.memory_space<semaphore_mem>>
      tpu.enqueue_dma source(%arg3 : memref<1xi32, #tpu.memory_space<hbm>>) target(%arg14 : memref<1xi32, #tpu.memory_space<vmem>>) target_semaphore(%run_scoped3A : memref<!tpu.dma_semaphore, #tpu.memory_space<semaphore_mem>>)
      tpu.wait_dma2 semaphore(%run_scoped3A : memref<!tpu.dma_semaphore, #tpu.memory_space<semaphore_mem>>) src(%arg3 : memref<1xi32, #tpu.memory_space<hbm>>) dst(%arg14 : memref<1xi32, #tpu.memory_space<vmem>>)
      tpu.yield
    }) : () -> ()
    "tpu.region"() ({
      %run_scoped3A = tpu.sem_alloc : memref<!tpu.dma_semaphore, #tpu.memory_space<semaphore_mem>>
      %dma_start3A_356 = tpu.memref_slice %arg4[%add3A_6] : memref<16384xf32, #tpu.memory_space<hbm>> -> memref<640xf32, #tpu.memory_space<hbm>>
      %dma_start3A_357 = tpu.memref_slice %arg4[%add3A_6] : memref<16384xf32, #tpu.memory_space<hbm>> -> memref<640xf32, #tpu.memory_space<hbm>>
      tpu.enqueue_dma source(%dma_start3A_357 : memref<640xf32, #tpu.memory_space<hbm>>) target(%arg10 : memref<640xf32, #tpu.memory_space<vmem>>) target_semaphore(%run_scoped3A : memref<!tpu.dma_semaphore, #tpu.memory_space<semaphore_mem>>)
      %dma_wait3A_358 = tpu.memref_slice %arg4[%add3A_6] : memref<16384xf32, #tpu.memory_space<hbm>> -> memref<640xf32, #tpu.memory_space<hbm>>
      %dma_wait3A_359 = tpu.memref_slice %arg4[%add3A_6] : memref<16384xf32, #tpu.memory_space<hbm>> -> memref<640xf32, #tpu.memory_space<hbm>>
      tpu.wait_dma2 semaphore(%run_scoped3A : memref<!tpu.dma_semaphore, #tpu.memory_space<semaphore_mem>>) src(%dma_wait3A_359 : memref<640xf32, #tpu.memory_space<hbm>>) dst(%arg10 : memref<640xf32, #tpu.memory_space<vmem>>)
      tpu.yield
    }) : () -> ()
    "tpu.region"() ({
      %run_scoped3A = tpu.sem_alloc : memref<!tpu.dma_semaphore, #tpu.memory_space<semaphore_mem>>
      %dma_start3A_356 = arith.constant 2048 : i32
      %dma_start3A_357 = tpu.memref_slice %arg2[%dma_start3A_356, %add3A_6] : memref<2049x16384xf32, #tpu.memory_space<hbm>> -> memref<1x640xf32, #tpu.memory_space<hbm>>
      %dma_start3A_358 = arith.constant 2048 : i32
      %dma_start3A_359 = tpu.memref_slice %arg2[%dma_start3A_358, %add3A_6] : memref<2049x16384xf32, #tpu.memory_space<hbm>> -> memref<1x640xf32, #tpu.memory_space<hbm>>
      tpu.enqueue_dma source(%dma_start3A_359 : memref<1x640xf32, #tpu.memory_space<hbm>>) target(%arg12 : memref<1x640xf32, #tpu.memory_space<vmem>>) target_semaphore(%run_scoped3A : memref<!tpu.dma_semaphore, #tpu.memory_space<semaphore_mem>>)
      %dma_wait3A_360 = arith.constant 2048 : i32
      %dma_wait3A_361 = tpu.memref_slice %arg2[%dma_wait3A_360, %add3A_6] : memref<2049x16384xf32, #tpu.memory_space<hbm>> -> memref<1x640xf32, #tpu.memory_space<hbm>>
      %dma_wait3A_362 = arith.constant 2048 : i32
      %dma_wait3A_363 = tpu.memref_slice %arg2[%dma_wait3A_362, %add3A_6] : memref<2049x16384xf32, #tpu.memory_space<hbm>> -> memref<1x640xf32, #tpu.memory_space<hbm>>
      tpu.wait_dma2 semaphore(%run_scoped3A : memref<!tpu.dma_semaphore, #tpu.memory_space<semaphore_mem>>) src(%dma_wait3A_363 : memref<1x640xf32, #tpu.memory_space<hbm>>) dst(%arg12 : memref<1x640xf32, #tpu.memory_space<vmem>>)
      tpu.yield
    }) : () -> ()
    %dma_start3A = arith.constant 0 : i32
    %dma_start3A_9 = arith.constant 0 : i32
    %dma_start3A_10 = tpu.memref_slice %arg5[%dma_start3A, %dma_start3A_9] : memref<7x2176xf32, #tpu.memory_space<hbm>> -> memref<7x2176xf32, #tpu.memory_space<hbm>>
    tpu.enqueue_indirect_dma source(%dma_start3A_10 : memref<7x2176xf32, #tpu.memory_space<hbm>>) target(%arg9 : memref<1x2176xf32, #tpu.memory_space<vmem>>) offsets(%arg14 : memref<1xi32, #tpu.memory_space<vmem>>) semaphore(%arg16 : memref<!tpu.dma_semaphore, #tpu.memory_space<semaphore_mem>>)
    %dma_wait3A = arith.constant 0 : i32
    %dma_wait3A_11 = arith.constant 0 : i32
    %dma_wait3A_12 = tpu.memref_slice %arg5[%dma_wait3A, %dma_wait3A_11] : memref<7x2176xf32, #tpu.memory_space<hbm>> -> memref<7x2176xf32, #tpu.memory_space<hbm>>
    tpu.wait_indirect_dma semaphore(%arg16 : memref<!tpu.dma_semaphore, #tpu.memory_space<semaphore_mem>>) src(%dma_wait3A_12 : memref<7x2176xf32, #tpu.memory_space<hbm>>) dst(%arg9 : memref<1x2176xf32, #tpu.memory_space<vmem>>)
    %broadcast_in_dim3A = arith.constant 0.000000e+00 : f32
    %broadcast_in_dim3A_13 = vector.broadcast %broadcast_in_dim3A : f32 to vector<16xf32>
    %broadcast_in_dim3A_14 = arith.constant 0 : i32
    %broadcast_in_dim3A_15 = vector.broadcast %broadcast_in_dim3A_14 : i32 to vector<16xi32>
    %broadcast_in_dim3A_16 = arith.constant 2048 : i32
    %broadcast_in_dim3A_17 = vector.broadcast %broadcast_in_dim3A_16 : i32 to vector<16xi32>
    %gather3A = tpu.vector_load_idx %arg9[%broadcast_in_dim3A_15, %broadcast_in_dim3A_17] : memref<1x2176xf32, #tpu.memory_space<vmem>>[vector<16xi32>, vector<16xi32>], vector<16xf32>,
    %eq3A = arith.constant 3 : i32
    %eq3A_18 = arith.cmpi eq, %div3A_1, %eq3A : i32
    %jit3A = arith.constant 1.000000e+00 : f32
    %jit3A_19 = arith.constant 0.000000e+00 : f32
    %select_n3A = arith.select %eq3A_18, %jit3A, %jit3A_19 : f32
    %mul3A_20 = vector.broadcast %select_n3A : f32 to vector<16xf32>
    %mul3A_21 = arith.mulf %gather3A, %mul3A_20 : vector<16xf32>
    %add3A_22 = arith.constant 0 : i32
    %add3A_23 = arith.addi %mul3A_8, %add3A_22 : i32
    %dma_start3A_24 = tpu.memref_slice %arg2[%add3A_23, %add3A_6] : memref<2049x16384xf32, #tpu.memory_space<hbm>> -> memref<64x640xf32, #tpu.memory_space<hbm>>
    %dma_start3A_25 = tpu.memref_slice %arg2[%add3A_23, %add3A_6] : memref<2049x16384xf32, #tpu.memory_space<hbm>> -> memref<64x640xf32, #tpu.memory_space<hbm>>
    tpu.enqueue_dma source(%dma_start3A_25 : memref<64x640xf32, #tpu.memory_space<hbm>>) target(%arg7 : memref<64x640xf32, #tpu.memory_space<vmem>>) target_semaphore(%arg16 : memref<!tpu.dma_semaphore, #tpu.memory_space<semaphore_mem>>)
    %add3A_26 = arith.constant 64 : i32
    %add3A_27 = arith.addi %mul3A_8, %add3A_26 : i32
    %dma_start3A_28 = tpu.memref_slice %arg2[%add3A_27, %add3A_6] : memref<2049x16384xf32, #tpu.memory_space<hbm>> -> memref<64x640xf32, #tpu.memory_space<hbm>>
    %dma_start3A_29 = tpu.memref_slice %arg2[%add3A_27, %add3A_6] : memref<2049x16384xf32, #tpu.memory_space<hbm>> -> memref<64x640xf32, #tpu.memory_space<hbm>>
    tpu.enqueue_dma source(%dma_start3A_29 : memref<64x640xf32, #tpu.memory_space<hbm>>) target(%arg8 : memref<64x640xf32, #tpu.memory_space<vmem>>) target_semaphore(%arg17 : memref<!tpu.dma_semaphore, #tpu.memory_space<semaphore_mem>>)
    %scan3A = arith.constant 0 : i32
    %scan3A_30 = arith.constant 4 : i32
    %scan3A_31 = arith.addi %scan3A, %scan3A_30 : i32
    %scan3A_32 = arith.constant 1 : i32
    %scan3A_33:40 = scf.for %scan3A_356 = %scan3A to %scan3A_31 step %scan3A_32 iter_args(%scan3A_357 = %broadcast_in_dim3A_13, %scan3A_358 = %broadcast_in_dim3A_13, %scan3A_359 = %broadcast_in_dim3A_13, %scan3A_360 = %broadcast_in_dim3A_13, %scan3A_361 = %broadcast_in_dim3A_13, %scan3A_362 = %broadcast_in_dim3A_13, %scan3A_363 = %broadcast_in_dim3A_13, %scan3A_364 = %broadcast_in_dim3A_13, %scan3A_365 = %broadcast_in_dim3A_13, %scan3A_366 = %broadcast_in_dim3A_13, %scan3A_367 = %broadcast_in_dim3A_13, %scan3A_368 = %broadcast_in_dim3A_13, %scan3A_369 = %broadcast_in_dim3A_13, %scan3A_370 = %broadcast_in_dim3A_13, %scan3A_371 = %broadcast_in_dim3A_13, %scan3A_372 = %broadcast_in_dim3A_13, %scan3A_373 = %broadcast_in_dim3A_13, %scan3A_374 = %broadcast_in_dim3A_13, %scan3A_375 = %broadcast_in_dim3A_13, %scan3A_376 = %broadcast_in_dim3A_13, %scan3A_377 = %broadcast_in_dim3A_13, %scan3A_378 = %broadcast_in_dim3A_13, %scan3A_379 = %broadcast_in_dim3A_13, %scan3A_380 = %broadcast_in_dim3A_13, %scan3A_381 = %broadcast_in_dim3A_13, %scan3A_382 = %broadcast_in_dim3A_13, %scan3A_383 = %broadcast_in_dim3A_13, %scan3A_384 = %broadcast_in_dim3A_13, %scan3A_385 = %broadcast_in_dim3A_13, %scan3A_386 = %broadcast_in_dim3A_13, %scan3A_387 = %broadcast_in_dim3A_13, %scan3A_388 = %broadcast_in_dim3A_13, %scan3A_389 = %broadcast_in_dim3A_13, %scan3A_390 = %broadcast_in_dim3A_13, %scan3A_391 = %broadcast_in_dim3A_13, %scan3A_392 = %broadcast_in_dim3A_13, %scan3A_393 = %broadcast_in_dim3A_13, %scan3A_394 = %broadcast_in_dim3A_13, %scan3A_395 = %broadcast_in_dim3A_13, %scan3A_396 = %broadcast_in_dim3A_13) -> (vector<16xf32>, vector<16xf32>, vector<16xf32>, vector<16xf32>, vector<16xf32>, vector<16xf32>, vector<16xf32>, vector<16xf32>, vector<16xf32>, vector<16xf32>, vector<16xf32>, vector<16xf32>, vector<16xf32>, vector<16xf32>, vector<16xf32>, vector<16xf32>, vector<16xf32>, vector<16xf32>, vector<16xf32>, vector<16xf32>, vector<16xf32>, vector<16xf32>, vector<16xf32>, vector<16xf32>, vector<16xf32>, vector<16xf32>, vector<16xf32>, vector<16xf32>, vector<16xf32>, vector<16xf32>, vector<16xf32>, vector<16xf32>, vector<16xf32>, vector<16xf32>, vector<16xf32>, vector<16xf32>, vector<16xf32>, vector<16xf32>, vector<16xf32>, vector<16xf32>)  : i32 {
      %mul3A_397 = arith.constant 2 : i32
      %mul3A_398 = arith.muli %mul3A_397, %scan3A_356 : i32
      %add3A_399 = arith.constant 0 : i32
      %add3A_400 = arith.addi %mul3A_398, %add3A_399 : i32
      %mul3A_401 = arith.constant 64 : i32
      %mul3A_402 = arith.muli %add3A_400, %mul3A_401 : i32
      %add3A_403 = arith.addi %mul3A_8, %mul3A_402 : i32
      %dma_wait3A_404 = tpu.memref_slice %arg2[%add3A_403, %add3A_6] : memref<2049x16384xf32, #tpu.memory_space<hbm>> -> memref<64x640xf32, #tpu.memory_space<hbm>>
      %dma_wait3A_405 = tpu.memref_slice %arg2[%add3A_403, %add3A_6] : memref<2049x16384xf32, #tpu.memory_space<hbm>> -> memref<64x640xf32, #tpu.memory_space<hbm>>
      tpu.wait_dma2 semaphore(%arg16 : memref<!tpu.dma_semaphore, #tpu.memory_space<semaphore_mem>>) src(%dma_wait3A_405 : memref<64x640xf32, #tpu.memory_space<hbm>>) dst(%arg7 : memref<64x640xf32, #tpu.memory_space<vmem>>)
      %scan3A_406 = arith.constant 0 : i32
      %scan3A_407 = arith.constant 64 : i32
      %scan3A_408 = arith.addi %scan3A_406, %scan3A_407 : i32
      %scan3A_409 = arith.constant 1 : i32
      %scan3A_410:20 = scf.for %scan3A_452 = %scan3A_406 to %scan3A_408 step %scan3A_409 iter_args(%scan3A_453 = %scan3A_357, %scan3A_454 = %scan3A_358, %scan3A_455 = %scan3A_359, %scan3A_456 = %scan3A_360, %scan3A_457 = %scan3A_361, %scan3A_458 = %scan3A_362, %scan3A_459 = %scan3A_363, %scan3A_460 = %scan3A_364, %scan3A_461 = %scan3A_365, %scan3A_462 = %scan3A_366, %scan3A_463 = %scan3A_367, %scan3A_464 = %scan3A_368, %scan3A_465 = %scan3A_369, %scan3A_466 = %scan3A_370, %scan3A_467 = %scan3A_371, %scan3A_468 = %scan3A_372, %scan3A_469 = %scan3A_373, %scan3A_470 = %scan3A_374, %scan3A_471 = %scan3A_375, %scan3A_472 = %scan3A_376) -> (vector<16xf32>, vector<16xf32>, vector<16xf32>, vector<16xf32>, vector<16xf32>, vector<16xf32>, vector<16xf32>, vector<16xf32>, vector<16xf32>, vector<16xf32>, vector<16xf32>, vector<16xf32>, vector<16xf32>, vector<16xf32>, vector<16xf32>, vector<16xf32>, vector<16xf32>, vector<16xf32>, vector<16xf32>, vector<16xf32>)  : i32 {
        %add3A_473 = arith.addi %add3A_403, %scan3A_452 : i32
        %add3A_474 = vector.broadcast %add3A_473 : i32 to vector<16xi32>
        %add3A_475 = arith.addi %broadcast_in_dim3A_15, %add3A_474 : vector<16xi32>
        %gather3A_476 = tpu.vector_load_idx %arg9[%broadcast_in_dim3A_15, %add3A_475] : memref<1x2176xf32, #tpu.memory_space<vmem>>[vector<16xi32>, vector<16xi32>], vector<16xf32>,
        %get3A_477 = arith.index_cast %scan3A_452 : i32 to index
        %get3A_478 = arith.constant 0 : index
        %get3A_479 = tpu.vector_load %arg7[%get3A_477, %get3A_478] {strides = array<i32>} : memref<64x640xf32, #tpu.memory_space<vmem>>, vector<16xf32>,
        %mul3A_480 = arith.mulf %get3A_479, %gather3A_476 : vector<16xf32>
        %add3A_481 = arith.addf %scan3A_453, %mul3A_480 : vector<16xf32>
        %get3A_482 = arith.index_cast %scan3A_452 : i32 to index
        %get3A_483 = arith.constant 16 : index
        %get3A_484 = tpu.vector_load %arg7[%get3A_482, %get3A_483] {strides = array<i32>} : memref<64x640xf32, #tpu.memory_space<vmem>>, vector<16xf32>,
        %mul3A_485 = arith.mulf %get3A_484, %gather3A_476 : vector<16xf32>
        %add3A_486 = arith.addf %scan3A_454, %mul3A_485 : vector<16xf32>
        %get3A_487 = arith.index_cast %scan3A_452 : i32 to index
        %get3A_488 = arith.constant 32 : index
        %get3A_489 = tpu.vector_load %arg7[%get3A_487, %get3A_488] {strides = array<i32>} : memref<64x640xf32, #tpu.memory_space<vmem>>, vector<16xf32>,
        %mul3A_490 = arith.mulf %get3A_489, %gather3A_476 : vector<16xf32>
        %add3A_491 = arith.addf %scan3A_455, %mul3A_490 : vector<16xf32>
        %get3A_492 = arith.index_cast %scan3A_452 : i32 to index
        %get3A_493 = arith.constant 48 : index
        %get3A_494 = tpu.vector_load %arg7[%get3A_492, %get3A_493] {strides = array<i32>} : memref<64x640xf32, #tpu.memory_space<vmem>>, vector<16xf32>,
        %mul3A_495 = arith.mulf %get3A_494, %gather3A_476 : vector<16xf32>
        %add3A_496 = arith.addf %scan3A_456, %mul3A_495 : vector<16xf32>
        %get3A_497 = arith.index_cast %scan3A_452 : i32 to index
        %get3A_498 = arith.constant 64 : index
        %get3A_499 = tpu.vector_load %arg7[%get3A_497, %get3A_498] {strides = array<i32>} : memref<64x640xf32, #tpu.memory_space<vmem>>, vector<16xf32>,
        %mul3A_500 = arith.mulf %get3A_499, %gather3A_476 : vector<16xf32>
        %add3A_501 = arith.addf %scan3A_457, %mul3A_500 : vector<16xf32>
        %get3A_502 = arith.index_cast %scan3A_452 : i32 to index
        %get3A_503 = arith.constant 80 : index
        %get3A_504 = tpu.vector_load %arg7[%get3A_502, %get3A_503] {strides = array<i32>} : memref<64x640xf32, #tpu.memory_space<vmem>>, vector<16xf32>,
        %mul3A_505 = arith.mulf %get3A_504, %gather3A_476 : vector<16xf32>
        %add3A_506 = arith.addf %scan3A_458, %mul3A_505 : vector<16xf32>
        %get3A_507 = arith.index_cast %scan3A_452 : i32 to index
        %get3A_508 = arith.constant 96 : index
        %get3A_509 = tpu.vector_load %arg7[%get3A_507, %get3A_508] {strides = array<i32>} : memref<64x640xf32, #tpu.memory_space<vmem>>, vector<16xf32>,
        %mul3A_510 = arith.mulf %get3A_509, %gather3A_476 : vector<16xf32>
        %add3A_511 = arith.addf %scan3A_459, %mul3A_510 : vector<16xf32>
        %get3A_512 = arith.index_cast %scan3A_452 : i32 to index
        %get3A_513 = arith.constant 112 : index
        %get3A_514 = tpu.vector_load %arg7[%get3A_512, %get3A_513] {strides = array<i32>} : memref<64x640xf32, #tpu.memory_space<vmem>>, vector<16xf32>,
        %mul3A_515 = arith.mulf %get3A_514, %gather3A_476 : vector<16xf32>
        %add3A_516 = arith.addf %scan3A_460, %mul3A_515 : vector<16xf32>
        %get3A_517 = arith.index_cast %scan3A_452 : i32 to index
        %get3A_518 = arith.constant 128 : index
        %get3A_519 = tpu.vector_load %arg7[%get3A_517, %get3A_518] {strides = array<i32>} : memref<64x640xf32, #tpu.memory_space<vmem>>, vector<16xf32>,
        %mul3A_520 = arith.mulf %get3A_519, %gather3A_476 : vector<16xf32>
        %add3A_521 = arith.addf %scan3A_461, %mul3A_520 : vector<16xf32>
        %get3A_522 = arith.index_cast %scan3A_452 : i32 to index
        %get3A_523 = arith.constant 144 : index
        %get3A_524 = tpu.vector_load %arg7[%get3A_522, %get3A_523] {strides = array<i32>} : memref<64x640xf32, #tpu.memory_space<vmem>>, vector<16xf32>,
        %mul3A_525 = arith.mulf %get3A_524, %gather3A_476 : vector<16xf32>
        %add3A_526 = arith.addf %scan3A_462, %mul3A_525 : vector<16xf32>
        %get3A_527 = arith.index_cast %scan3A_452 : i32 to index
        %get3A_528 = arith.constant 160 : index
        %get3A_529 = tpu.vector_load %arg7[%get3A_527, %get3A_528] {strides = array<i32>} : memref<64x640xf32, #tpu.memory_space<vmem>>, vector<16xf32>,
        %mul3A_530 = arith.mulf %get3A_529, %gather3A_476 : vector<16xf32>
        %add3A_531 = arith.addf %scan3A_463, %mul3A_530 : vector<16xf32>
        %get3A_532 = arith.index_cast %scan3A_452 : i32 to index
        %get3A_533 = arith.constant 176 : index
        %get3A_534 = tpu.vector_load %arg7[%get3A_532, %get3A_533] {strides = array<i32>} : memref<64x640xf32, #tpu.memory_space<vmem>>, vector<16xf32>,
        %mul3A_535 = arith.mulf %get3A_534, %gather3A_476 : vector<16xf32>
        %add3A_536 = arith.addf %scan3A_464, %mul3A_535 : vector<16xf32>
        %get3A_537 = arith.index_cast %scan3A_452 : i32 to index
        %get3A_538 = arith.constant 192 : index
        %get3A_539 = tpu.vector_load %arg7[%get3A_537, %get3A_538] {strides = array<i32>} : memref<64x640xf32, #tpu.memory_space<vmem>>, vector<16xf32>,
        %mul3A_540 = arith.mulf %get3A_539, %gather3A_476 : vector<16xf32>
        %add3A_541 = arith.addf %scan3A_465, %mul3A_540 : vector<16xf32>
        %get3A_542 = arith.index_cast %scan3A_452 : i32 to index
        %get3A_543 = arith.constant 208 : index
        %get3A_544 = tpu.vector_load %arg7[%get3A_542, %get3A_543] {strides = array<i32>} : memref<64x640xf32, #tpu.memory_space<vmem>>, vector<16xf32>,
        %mul3A_545 = arith.mulf %get3A_544, %gather3A_476 : vector<16xf32>
        %add3A_546 = arith.addf %scan3A_466, %mul3A_545 : vector<16xf32>
        %get3A_547 = arith.index_cast %scan3A_452 : i32 to index
        %get3A_548 = arith.constant 224 : index
        %get3A_549 = tpu.vector_load %arg7[%get3A_547, %get3A_548] {strides = array<i32>} : memref<64x640xf32, #tpu.memory_space<vmem>>, vector<16xf32>,
        %mul3A_550 = arith.mulf %get3A_549, %gather3A_476 : vector<16xf32>
        %add3A_551 = arith.addf %scan3A_467, %mul3A_550 : vector<16xf32>
        %get3A_552 = arith.index_cast %scan3A_452 : i32 to index
        %get3A_553 = arith.constant 240 : index
        %get3A_554 = tpu.vector_load %arg7[%get3A_552, %get3A_553] {strides = array<i32>} : memref<64x640xf32, #tpu.memory_space<vmem>>, vector<16xf32>,
        %mul3A_555 = arith.mulf %get3A_554, %gather3A_476 : vector<16xf32>
        %add3A_556 = arith.addf %scan3A_468, %mul3A_555 : vector<16xf32>
        %get3A_557 = arith.index_cast %scan3A_452 : i32 to index
        %get3A_558 = arith.constant 256 : index
        %get3A_559 = tpu.vector_load %arg7[%get3A_557, %get3A_558] {strides = array<i32>} : memref<64x640xf32, #tpu.memory_space<vmem>>, vector<16xf32>,
        %mul3A_560 = arith.mulf %get3A_559, %gather3A_476 : vector<16xf32>
        %add3A_561 = arith.addf %scan3A_469, %mul3A_560 : vector<16xf32>
        %get3A_562 = arith.index_cast %scan3A_452 : i32 to index
        %get3A_563 = arith.constant 272 : index
        %get3A_564 = tpu.vector_load %arg7[%get3A_562, %get3A_563] {strides = array<i32>} : memref<64x640xf32, #tpu.memory_space<vmem>>, vector<16xf32>,
        %mul3A_565 = arith.mulf %get3A_564, %gather3A_476 : vector<16xf32>
        %add3A_566 = arith.addf %scan3A_470, %mul3A_565 : vector<16xf32>
        %get3A_567 = arith.index_cast %scan3A_452 : i32 to index
        %get3A_568 = arith.constant 288 : index
        %get3A_569 = tpu.vector_load %arg7[%get3A_567, %get3A_568] {strides = array<i32>} : memref<64x640xf32, #tpu.memory_space<vmem>>, vector<16xf32>,
        %mul3A_570 = arith.mulf %get3A_569, %gather3A_476 : vector<16xf32>
        %add3A_571 = arith.addf %scan3A_471, %mul3A_570 : vector<16xf32>
        %get3A_572 = arith.index_cast %scan3A_452 : i32 to index
        %get3A_573 = arith.constant 304 : index
        %get3A_574 = tpu.vector_load %arg7[%get3A_572, %get3A_573] {strides = array<i32>} : memref<64x640xf32, #tpu.memory_space<vmem>>, vector<16xf32>,
        %mul3A_575 = arith.mulf %get3A_574, %gather3A_476 : vector<16xf32>
        %add3A_576 = arith.addf %scan3A_472, %mul3A_575 : vector<16xf32>
        scf.yield %add3A_481, %add3A_486, %add3A_491, %add3A_496, %add3A_501, %add3A_506, %add3A_511, %add3A_516, %add3A_521, %add3A_526, %add3A_531, %add3A_536, %add3A_541, %add3A_546, %add3A_551, %add3A_556, %add3A_561, %add3A_566, %add3A_571, %add3A_576 : vector<16xf32>, vector<16xf32>, vector<16xf32>, vector<16xf32>, vector<16xf32>, vector<16xf32>, vector<16xf32>, vector<16xf32>, vector<16xf32>, vector<16xf32>, vector<16xf32>, vector<16xf32>, vector<16xf32>, vector<16xf32>, vector<16xf32>, vector<16xf32>, vector<16xf32>, vector<16xf32>, vector<16xf32>, vector<16xf32>
      }
      %scan3A_411 = arith.constant 64 : i32
      %scan3A_412 = arith.constant 0 : i32
      %scan3A_413 = arith.constant 64 : i32
      %scan3A_414 = arith.addi %scan3A_412, %scan3A_413 : i32
      %scan3A_415 = arith.constant 1 : i32
      %scan3A_416:20 = scf.for %scan3A_452 = %scan3A_412 to %scan3A_414 step %scan3A_415 iter_args(%scan3A_453 = %scan3A_377, %scan3A_454 = %scan3A_378, %scan3A_455 = %scan3A_379, %scan3A_456 = %scan3A_380, %scan3A_457 = %scan3A_381, %scan3A_458 = %scan3A_382, %scan3A_459 = %scan3A_383, %scan3A_460 = %scan3A_384, %scan3A_461 = %scan3A_385, %scan3A_462 = %scan3A_386, %scan3A_463 = %scan3A_387, %scan3A_464 = %scan3A_388, %scan3A_465 = %scan3A_389, %scan3A_466 = %scan3A_390, %scan3A_467 = %scan3A_391, %scan3A_468 = %scan3A_392, %scan3A_469 = %scan3A_393, %scan3A_470 = %scan3A_394, %scan3A_471 = %scan3A_395, %scan3A_472 = %scan3A_396) -> (vector<16xf32>, vector<16xf32>, vector<16xf32>, vector<16xf32>, vector<16xf32>, vector<16xf32>, vector<16xf32>, vector<16xf32>, vector<16xf32>, vector<16xf32>, vector<16xf32>, vector<16xf32>, vector<16xf32>, vector<16xf32>, vector<16xf32>, vector<16xf32>, vector<16xf32>, vector<16xf32>, vector<16xf32>, vector<16xf32>)  : i32 {
        %add3A_473 = arith.addi %add3A_403, %scan3A_452 : i32
        %add3A_474 = vector.broadcast %add3A_473 : i32 to vector<16xi32>
        %add3A_475 = arith.addi %broadcast_in_dim3A_15, %add3A_474 : vector<16xi32>
        %gather3A_476 = tpu.vector_load_idx %arg9[%broadcast_in_dim3A_15, %add3A_475] : memref<1x2176xf32, #tpu.memory_space<vmem>>[vector<16xi32>, vector<16xi32>], vector<16xf32>,
        %get3A_477 = arith.index_cast %scan3A_452 : i32 to index
        %get3A_478 = arith.constant 320 : index
        %get3A_479 = tpu.vector_load %arg7[%get3A_477, %get3A_478] {strides = array<i32>} : memref<64x640xf32, #tpu.memory_space<vmem>>, vector<16xf32>,
        %mul3A_480 = arith.mulf %get3A_479, %gather3A_476 : vector<16xf32>
        %add3A_481 = arith.addf %scan3A_453, %mul3A_480 : vector<16xf32>
        %get3A_482 = arith.index_cast %scan3A_452 : i32 to index
        %get3A_483 = arith.constant 336 : index
        %get3A_484 = tpu.vector_load %arg7[%get3A_482, %get3A_483] {strides = array<i32>} : memref<64x640xf32, #tpu.memory_space<vmem>>, vector<16xf32>,
        %mul3A_485 = arith.mulf %get3A_484, %gather3A_476 : vector<16xf32>
        %add3A_486 = arith.addf %scan3A_454, %mul3A_485 : vector<16xf32>
        %get3A_487 = arith.index_cast %scan3A_452 : i32 to index
        %get3A_488 = arith.constant 352 : index
        %get3A_489 = tpu.vector_load %arg7[%get3A_487, %get3A_488] {strides = array<i32>} : memref<64x640xf32, #tpu.memory_space<vmem>>, vector<16xf32>,
        %mul3A_490 = arith.mulf %get3A_489, %gather3A_476 : vector<16xf32>
        %add3A_491 = arith.addf %scan3A_455, %mul3A_490 : vector<16xf32>
        %get3A_492 = arith.index_cast %scan3A_452 : i32 to index
        %get3A_493 = arith.constant 368 : index
        %get3A_494 = tpu.vector_load %arg7[%get3A_492, %get3A_493] {strides = array<i32>} : memref<64x640xf32, #tpu.memory_space<vmem>>, vector<16xf32>,
        %mul3A_495 = arith.mulf %get3A_494, %gather3A_476 : vector<16xf32>
        %add3A_496 = arith.addf %scan3A_456, %mul3A_495 : vector<16xf32>
        %get3A_497 = arith.index_cast %scan3A_452 : i32 to index
        %get3A_498 = arith.constant 384 : index
        %get3A_499 = tpu.vector_load %arg7[%get3A_497, %get3A_498] {strides = array<i32>} : memref<64x640xf32, #tpu.memory_space<vmem>>, vector<16xf32>,
        %mul3A_500 = arith.mulf %get3A_499, %gather3A_476 : vector<16xf32>
        %add3A_501 = arith.addf %scan3A_457, %mul3A_500 : vector<16xf32>
        %get3A_502 = arith.index_cast %scan3A_452 : i32 to index
        %get3A_503 = arith.constant 400 : index
        %get3A_504 = tpu.vector_load %arg7[%get3A_502, %get3A_503] {strides = array<i32>} : memref<64x640xf32, #tpu.memory_space<vmem>>, vector<16xf32>,
        %mul3A_505 = arith.mulf %get3A_504, %gather3A_476 : vector<16xf32>
        %add3A_506 = arith.addf %scan3A_458, %mul3A_505 : vector<16xf32>
        %get3A_507 = arith.index_cast %scan3A_452 : i32 to index
        %get3A_508 = arith.constant 416 : index
        %get3A_509 = tpu.vector_load %arg7[%get3A_507, %get3A_508] {strides = array<i32>} : memref<64x640xf32, #tpu.memory_space<vmem>>, vector<16xf32>,
        %mul3A_510 = arith.mulf %get3A_509, %gather3A_476 : vector<16xf32>
        %add3A_511 = arith.addf %scan3A_459, %mul3A_510 : vector<16xf32>
        %get3A_512 = arith.index_cast %scan3A_452 : i32 to index
        %get3A_513 = arith.constant 432 : index
        %get3A_514 = tpu.vector_load %arg7[%get3A_512, %get3A_513] {strides = array<i32>} : memref<64x640xf32, #tpu.memory_space<vmem>>, vector<16xf32>,
        %mul3A_515 = arith.mulf %get3A_514, %gather3A_476 : vector<16xf32>
        %add3A_516 = arith.addf %scan3A_460, %mul3A_515 : vector<16xf32>
        %get3A_517 = arith.index_cast %scan3A_452 : i32 to index
        %get3A_518 = arith.constant 448 : index
        %get3A_519 = tpu.vector_load %arg7[%get3A_517, %get3A_518] {strides = array<i32>} : memref<64x640xf32, #tpu.memory_space<vmem>>, vector<16xf32>,
        %mul3A_520 = arith.mulf %get3A_519, %gather3A_476 : vector<16xf32>
        %add3A_521 = arith.addf %scan3A_461, %mul3A_520 : vector<16xf32>
        %get3A_522 = arith.index_cast %scan3A_452 : i32 to index
        %get3A_523 = arith.constant 464 : index
        %get3A_524 = tpu.vector_load %arg7[%get3A_522, %get3A_523] {strides = array<i32>} : memref<64x640xf32, #tpu.memory_space<vmem>>, vector<16xf32>,
        %mul3A_525 = arith.mulf %get3A_524, %gather3A_476 : vector<16xf32>
        %add3A_526 = arith.addf %scan3A_462, %mul3A_525 : vector<16xf32>
        %get3A_527 = arith.index_cast %scan3A_452 : i32 to index
        %get3A_528 = arith.constant 480 : index
        %get3A_529 = tpu.vector_load %arg7[%get3A_527, %get3A_528] {strides = array<i32>} : memref<64x640xf32, #tpu.memory_space<vmem>>, vector<16xf32>,
        %mul3A_530 = arith.mulf %get3A_529, %gather3A_476 : vector<16xf32>
        %add3A_531 = arith.addf %scan3A_463, %mul3A_530 : vector<16xf32>
        %get3A_532 = arith.index_cast %scan3A_452 : i32 to index
        %get3A_533 = arith.constant 496 : index
        %get3A_534 = tpu.vector_load %arg7[%get3A_532, %get3A_533] {strides = array<i32>} : memref<64x640xf32, #tpu.memory_space<vmem>>, vector<16xf32>,
        %mul3A_535 = arith.mulf %get3A_534, %gather3A_476 : vector<16xf32>
        %add3A_536 = arith.addf %scan3A_464, %mul3A_535 : vector<16xf32>
        %get3A_537 = arith.index_cast %scan3A_452 : i32 to index
        %get3A_538 = arith.constant 512 : index
        %get3A_539 = tpu.vector_load %arg7[%get3A_537, %get3A_538] {strides = array<i32>} : memref<64x640xf32, #tpu.memory_space<vmem>>, vector<16xf32>,
        %mul3A_540 = arith.mulf %get3A_539, %gather3A_476 : vector<16xf32>
        %add3A_541 = arith.addf %scan3A_465, %mul3A_540 : vector<16xf32>
        %get3A_542 = arith.index_cast %scan3A_452 : i32 to index
        %get3A_543 = arith.constant 528 : index
        %get3A_544 = tpu.vector_load %arg7[%get3A_542, %get3A_543] {strides = array<i32>} : memref<64x640xf32, #tpu.memory_space<vmem>>, vector<16xf32>,
        %mul3A_545 = arith.mulf %get3A_544, %gather3A_476 : vector<16xf32>
        %add3A_546 = arith.addf %scan3A_466, %mul3A_545 : vector<16xf32>
        %get3A_547 = arith.index_cast %scan3A_452 : i32 to index
        %get3A_548 = arith.constant 544 : index
        %get3A_549 = tpu.vector_load %arg7[%get3A_547, %get3A_548] {strides = array<i32>} : memref<64x640xf32, #tpu.memory_space<vmem>>, vector<16xf32>,
        %mul3A_550 = arith.mulf %get3A_549, %gather3A_476 : vector<16xf32>
        %add3A_551 = arith.addf %scan3A_467, %mul3A_550 : vector<16xf32>
        %get3A_552 = arith.index_cast %scan3A_452 : i32 to index
        %get3A_553 = arith.constant 560 : index
        %get3A_554 = tpu.vector_load %arg7[%get3A_552, %get3A_553] {strides = array<i32>} : memref<64x640xf32, #tpu.memory_space<vmem>>, vector<16xf32>,
        %mul3A_555 = arith.mulf %get3A_554, %gather3A_476 : vector<16xf32>
        %add3A_556 = arith.addf %scan3A_468, %mul3A_555 : vector<16xf32>
        %get3A_557 = arith.index_cast %scan3A_452 : i32 to index
        %get3A_558 = arith.constant 576 : index
        %get3A_559 = tpu.vector_load %arg7[%get3A_557, %get3A_558] {strides = array<i32>} : memref<64x640xf32, #tpu.memory_space<vmem>>, vector<16xf32>,
        %mul3A_560 = arith.mulf %get3A_559, %gather3A_476 : vector<16xf32>
        %add3A_561 = arith.addf %scan3A_469, %mul3A_560 : vector<16xf32>
        %get3A_562 = arith.index_cast %scan3A_452 : i32 to index
        %get3A_563 = arith.constant 592 : index
        %get3A_564 = tpu.vector_load %arg7[%get3A_562, %get3A_563] {strides = array<i32>} : memref<64x640xf32, #tpu.memory_space<vmem>>, vector<16xf32>,
        %mul3A_565 = arith.mulf %get3A_564, %gather3A_476 : vector<16xf32>
        %add3A_566 = arith.addf %scan3A_470, %mul3A_565 : vector<16xf32>
        %get3A_567 = arith.index_cast %scan3A_452 : i32 to index
        %get3A_568 = arith.constant 608 : index
        %get3A_569 = tpu.vector_load %arg7[%get3A_567, %get3A_568] {strides = array<i32>} : memref<64x640xf32, #tpu.memory_space<vmem>>, vector<16xf32>,
        %mul3A_570 = arith.mulf %get3A_569, %gather3A_476 : vector<16xf32>
        %add3A_571 = arith.addf %scan3A_471, %mul3A_570 : vector<16xf32>
        %get3A_572 = arith.index_cast %scan3A_452 : i32 to index
        %get3A_573 = arith.constant 624 : index
        %get3A_574 = tpu.vector_load %arg7[%get3A_572, %get3A_573] {strides = array<i32>} : memref<64x640xf32, #tpu.memory_space<vmem>>, vector<16xf32>,
        %mul3A_575 = arith.mulf %get3A_574, %gather3A_476 : vector<16xf32>
        %add3A_576 = arith.addf %scan3A_472, %mul3A_575 : vector<16xf32>
        scf.yield %add3A_481, %add3A_486, %add3A_491, %add3A_496, %add3A_501, %add3A_506, %add3A_511, %add3A_516, %add3A_521, %add3A_526, %add3A_531, %add3A_536, %add3A_541, %add3A_546, %add3A_551, %add3A_556, %add3A_561, %add3A_566, %add3A_571, %add3A_576 : vector<16xf32>, vector<16xf32>, vector<16xf32>, vector<16xf32>, vector<16xf32>, vector<16xf32>, vector<16xf32>, vector<16xf32>, vector<16xf32>, vector<16xf32>, vector<16xf32>, vector<16xf32>, vector<16xf32>, vector<16xf32>, vector<16xf32>, vector<16xf32>, vector<16xf32>, vector<16xf32>, vector<16xf32>, vector<16xf32>
      }
      %scan3A_417 = arith.constant 64 : i32
      %add3A_418 = arith.constant 2 : i32
      %add3A_419 = arith.addi %add3A_400, %add3A_418 : i32
      %lt3A = arith.constant 8 : i32
      %lt3A_420 = arith.cmpi slt, %add3A_419, %lt3A : i32
      %convert_element_type3A_421 = arith.extui %lt3A_420 : i1 to i32
      %cond3A_422 = arith.constant 0 : i32
      %cond3A_423 = arith.cmpi ne, %convert_element_type3A_421, %cond3A_422 : i32
      scf.if %cond3A_423 {
        %add3A_452 = arith.constant 128 : i32
        %add3A_453 = arith.addi %add3A_403, %add3A_452 : i32
        %dma_start3A_454 = tpu.memref_slice %arg2[%add3A_453, %add3A_6] : memref<2049x16384xf32, #tpu.memory_space<hbm>> -> memref<64x640xf32, #tpu.memory_space<hbm>>
        %dma_start3A_455 = tpu.memref_slice %arg2[%add3A_453, %add3A_6] : memref<2049x16384xf32, #tpu.memory_space<hbm>> -> memref<64x640xf32, #tpu.memory_space<hbm>>
        tpu.enqueue_dma source(%dma_start3A_455 : memref<64x640xf32, #tpu.memory_space<hbm>>) target(%arg7 : memref<64x640xf32, #tpu.memory_space<vmem>>) target_semaphore(%arg16 : memref<!tpu.dma_semaphore, #tpu.memory_space<semaphore_mem>>)
      } else {
      }
      %mul3A_424 = arith.constant 2 : i32
      %mul3A_425 = arith.muli %mul3A_424, %scan3A_356 : i32
      %add3A_426 = arith.constant 1 : i32
      %add3A_427 = arith.addi %mul3A_425, %add3A_426 : i32
      %mul3A_428 = arith.constant 64 : i32
      %mul3A_429 = arith.muli %add3A_427, %mul3A_428 : i32
      %add3A_430 = arith.addi %mul3A_8, %mul3A_429 : i32
      %dma_wait3A_431 = tpu.memref_slice %arg2[%add3A_430, %add3A_6] : memref<2049x16384xf32, #tpu.memory_space<hbm>> -> memref<64x640xf32, #tpu.memory_space<hbm>>
      %dma_wait3A_432 = tpu.memref_slice %arg2[%add3A_430, %add3A_6] : memref<2049x16384xf32, #tpu.memory_space<hbm>> -> memref<64x640xf32, #tpu.memory_space<hbm>>
      tpu.wait_dma2 semaphore(%arg17 : memref<!tpu.dma_semaphore, #tpu.memory_space<semaphore_mem>>) src(%dma_wait3A_432 : memref<64x640xf32, #tpu.memory_space<hbm>>) dst(%arg8 : memref<64x640xf32, #tpu.memory_space<vmem>>)
      %scan3A_433 = arith.constant 0 : i32
      %scan3A_434 = arith.constant 64 : i32
      %scan3A_435 = arith.addi %scan3A_433, %scan3A_434 : i32
      %scan3A_436 = arith.constant 1 : i32
      %scan3A_437:20 = scf.for %scan3A_452 = %scan3A_433 to %scan3A_435 step %scan3A_436 iter_args(%scan3A_453 = %scan3A_410#0, %scan3A_454 = %scan3A_410#1, %scan3A_455 = %scan3A_410#2, %scan3A_456 = %scan3A_410#3, %scan3A_457 = %scan3A_410#4, %scan3A_458 = %scan3A_410#5, %scan3A_459 = %scan3A_410#6, %scan3A_460 = %scan3A_410#7, %scan3A_461 = %scan3A_410#8, %scan3A_462 = %scan3A_410#9, %scan3A_463 = %scan3A_410#10, %scan3A_464 = %scan3A_410#11, %scan3A_465 = %scan3A_410#12, %scan3A_466 = %scan3A_410#13, %scan3A_467 = %scan3A_410#14, %scan3A_468 = %scan3A_410#15, %scan3A_469 = %scan3A_410#16, %scan3A_470 = %scan3A_410#17, %scan3A_471 = %scan3A_410#18, %scan3A_472 = %scan3A_410#19) -> (vector<16xf32>, vector<16xf32>, vector<16xf32>, vector<16xf32>, vector<16xf32>, vector<16xf32>, vector<16xf32>, vector<16xf32>, vector<16xf32>, vector<16xf32>, vector<16xf32>, vector<16xf32>, vector<16xf32>, vector<16xf32>, vector<16xf32>, vector<16xf32>, vector<16xf32>, vector<16xf32>, vector<16xf32>, vector<16xf32>)  : i32 {
        %add3A_473 = arith.addi %add3A_430, %scan3A_452 : i32
        %add3A_474 = vector.broadcast %add3A_473 : i32 to vector<16xi32>
        %add3A_475 = arith.addi %broadcast_in_dim3A_15, %add3A_474 : vector<16xi32>
        %gather3A_476 = tpu.vector_load_idx %arg9[%broadcast_in_dim3A_15, %add3A_475] : memref<1x2176xf32, #tpu.memory_space<vmem>>[vector<16xi32>, vector<16xi32>], vector<16xf32>,
        %get3A_477 = arith.index_cast %scan3A_452 : i32 to index
        %get3A_478 = arith.constant 0 : index
        %get3A_479 = tpu.vector_load %arg8[%get3A_477, %get3A_478] {strides = array<i32>} : memref<64x640xf32, #tpu.memory_space<vmem>>, vector<16xf32>,
        %mul3A_480 = arith.mulf %get3A_479, %gather3A_476 : vector<16xf32>
        %add3A_481 = arith.addf %scan3A_453, %mul3A_480 : vector<16xf32>
        %get3A_482 = arith.index_cast %scan3A_452 : i32 to index
        %get3A_483 = arith.constant 16 : index
        %get3A_484 = tpu.vector_load %arg8[%get3A_482, %get3A_483] {strides = array<i32>} : memref<64x640xf32, #tpu.memory_space<vmem>>, vector<16xf32>,
        %mul3A_485 = arith.mulf %get3A_484, %gather3A_476 : vector<16xf32>
        %add3A_486 = arith.addf %scan3A_454, %mul3A_485 : vector<16xf32>
        %get3A_487 = arith.index_cast %scan3A_452 : i32 to index
        %get3A_488 = arith.constant 32 : index
        %get3A_489 = tpu.vector_load %arg8[%get3A_487, %get3A_488] {strides = array<i32>} : memref<64x640xf32, #tpu.memory_space<vmem>>, vector<16xf32>,
        %mul3A_490 = arith.mulf %get3A_489, %gather3A_476 : vector<16xf32>
        %add3A_491 = arith.addf %scan3A_455, %mul3A_490 : vector<16xf32>
        %get3A_492 = arith.index_cast %scan3A_452 : i32 to index
        %get3A_493 = arith.constant 48 : index
        %get3A_494 = tpu.vector_load %arg8[%get3A_492, %get3A_493] {strides = array<i32>} : memref<64x640xf32, #tpu.memory_space<vmem>>, vector<16xf32>,
        %mul3A_495 = arith.mulf %get3A_494, %gather3A_476 : vector<16xf32>
        %add3A_496 = arith.addf %scan3A_456, %mul3A_495 : vector<16xf32>
        %get3A_497 = arith.index_cast %scan3A_452 : i32 to index
        %get3A_498 = arith.constant 64 : index
        %get3A_499 = tpu.vector_load %arg8[%get3A_497, %get3A_498] {strides = array<i32>} : memref<64x640xf32, #tpu.memory_space<vmem>>, vector<16xf32>,
        %mul3A_500 = arith.mulf %get3A_499, %gather3A_476 : vector<16xf32>
        %add3A_501 = arith.addf %scan3A_457, %mul3A_500 : vector<16xf32>
        %get3A_502 = arith.index_cast %scan3A_452 : i32 to index
        %get3A_503 = arith.constant 80 : index
        %get3A_504 = tpu.vector_load %arg8[%get3A_502, %get3A_503] {strides = array<i32>} : memref<64x640xf32, #tpu.memory_space<vmem>>, vector<16xf32>,
        %mul3A_505 = arith.mulf %get3A_504, %gather3A_476 : vector<16xf32>
        %add3A_506 = arith.addf %scan3A_458, %mul3A_505 : vector<16xf32>
        %get3A_507 = arith.index_cast %scan3A_452 : i32 to index
        %get3A_508 = arith.constant 96 : index
        %get3A_509 = tpu.vector_load %arg8[%get3A_507, %get3A_508] {strides = array<i32>} : memref<64x640xf32, #tpu.memory_space<vmem>>, vector<16xf32>,
        %mul3A_510 = arith.mulf %get3A_509, %gather3A_476 : vector<16xf32>
        %add3A_511 = arith.addf %scan3A_459, %mul3A_510 : vector<16xf32>
        %get3A_512 = arith.index_cast %scan3A_452 : i32 to index
        %get3A_513 = arith.constant 112 : index
        %get3A_514 = tpu.vector_load %arg8[%get3A_512, %get3A_513] {strides = array<i32>} : memref<64x640xf32, #tpu.memory_space<vmem>>, vector<16xf32>,
        %mul3A_515 = arith.mulf %get3A_514, %gather3A_476 : vector<16xf32>
        %add3A_516 = arith.addf %scan3A_460, %mul3A_515 : vector<16xf32>
        %get3A_517 = arith.index_cast %scan3A_452 : i32 to index
        %get3A_518 = arith.constant 128 : index
        %get3A_519 = tpu.vector_load %arg8[%get3A_517, %get3A_518] {strides = array<i32>} : memref<64x640xf32, #tpu.memory_space<vmem>>, vector<16xf32>,
        %mul3A_520 = arith.mulf %get3A_519, %gather3A_476 : vector<16xf32>
        %add3A_521 = arith.addf %scan3A_461, %mul3A_520 : vector<16xf32>
        %get3A_522 = arith.index_cast %scan3A_452 : i32 to index
        %get3A_523 = arith.constant 144 : index
        %get3A_524 = tpu.vector_load %arg8[%get3A_522, %get3A_523] {strides = array<i32>} : memref<64x640xf32, #tpu.memory_space<vmem>>, vector<16xf32>,
        %mul3A_525 = arith.mulf %get3A_524, %gather3A_476 : vector<16xf32>
        %add3A_526 = arith.addf %scan3A_462, %mul3A_525 : vector<16xf32>
        %get3A_527 = arith.index_cast %scan3A_452 : i32 to index
        %get3A_528 = arith.constant 160 : index
        %get3A_529 = tpu.vector_load %arg8[%get3A_527, %get3A_528] {strides = array<i32>} : memref<64x640xf32, #tpu.memory_space<vmem>>, vector<16xf32>,
        %mul3A_530 = arith.mulf %get3A_529, %gather3A_476 : vector<16xf32>
        %add3A_531 = arith.addf %scan3A_463, %mul3A_530 : vector<16xf32>
        %get3A_532 = arith.index_cast %scan3A_452 : i32 to index
        %get3A_533 = arith.constant 176 : index
        %get3A_534 = tpu.vector_load %arg8[%get3A_532, %get3A_533] {strides = array<i32>} : memref<64x640xf32, #tpu.memory_space<vmem>>, vector<16xf32>,
        %mul3A_535 = arith.mulf %get3A_534, %gather3A_476 : vector<16xf32>
        %add3A_536 = arith.addf %scan3A_464, %mul3A_535 : vector<16xf32>
        %get3A_537 = arith.index_cast %scan3A_452 : i32 to index
        %get3A_538 = arith.constant 192 : index
        %get3A_539 = tpu.vector_load %arg8[%get3A_537, %get3A_538] {strides = array<i32>} : memref<64x640xf32, #tpu.memory_space<vmem>>, vector<16xf32>,
        %mul3A_540 = arith.mulf %get3A_539, %gather3A_476 : vector<16xf32>
        %add3A_541 = arith.addf %scan3A_465, %mul3A_540 : vector<16xf32>
        %get3A_542 = arith.index_cast %scan3A_452 : i32 to index
        %get3A_543 = arith.constant 208 : index
        %get3A_544 = tpu.vector_load %arg8[%get3A_542, %get3A_543] {strides = array<i32>} : memref<64x640xf32, #tpu.memory_space<vmem>>, vector<16xf32>,
        %mul3A_545 = arith.mulf %get3A_544, %gather3A_476 : vector<16xf32>
        %add3A_546 = arith.addf %scan3A_466, %mul3A_545 : vector<16xf32>
        %get3A_547 = arith.index_cast %scan3A_452 : i32 to index
        %get3A_548 = arith.constant 224 : index
        %get3A_549 = tpu.vector_load %arg8[%get3A_547, %get3A_548] {strides = array<i32>} : memref<64x640xf32, #tpu.memory_space<vmem>>, vector<16xf32>,
        %mul3A_550 = arith.mulf %get3A_549, %gather3A_476 : vector<16xf32>
        %add3A_551 = arith.addf %scan3A_467, %mul3A_550 : vector<16xf32>
        %get3A_552 = arith.index_cast %scan3A_452 : i32 to index
        %get3A_553 = arith.constant 240 : index
        %get3A_554 = tpu.vector_load %arg8[%get3A_552, %get3A_553] {strides = array<i32>} : memref<64x640xf32, #tpu.memory_space<vmem>>, vector<16xf32>,
        %mul3A_555 = arith.mulf %get3A_554, %gather3A_476 : vector<16xf32>
        %add3A_556 = arith.addf %scan3A_468, %mul3A_555 : vector<16xf32>
        %get3A_557 = arith.index_cast %scan3A_452 : i32 to index
        %get3A_558 = arith.constant 256 : index
        %get3A_559 = tpu.vector_load %arg8[%get3A_557, %get3A_558] {strides = array<i32>} : memref<64x640xf32, #tpu.memory_space<vmem>>, vector<16xf32>,
        %mul3A_560 = arith.mulf %get3A_559, %gather3A_476 : vector<16xf32>
        %add3A_561 = arith.addf %scan3A_469, %mul3A_560 : vector<16xf32>
        %get3A_562 = arith.index_cast %scan3A_452 : i32 to index
        %get3A_563 = arith.constant 272 : index
        %get3A_564 = tpu.vector_load %arg8[%get3A_562, %get3A_563] {strides = array<i32>} : memref<64x640xf32, #tpu.memory_space<vmem>>, vector<16xf32>,
        %mul3A_565 = arith.mulf %get3A_564, %gather3A_476 : vector<16xf32>
        %add3A_566 = arith.addf %scan3A_470, %mul3A_565 : vector<16xf32>
        %get3A_567 = arith.index_cast %scan3A_452 : i32 to index
        %get3A_568 = arith.constant 288 : index
        %get3A_569 = tpu.vector_load %arg8[%get3A_567, %get3A_568] {strides = array<i32>} : memref<64x640xf32, #tpu.memory_space<vmem>>, vector<16xf32>,
        %mul3A_570 = arith.mulf %get3A_569, %gather3A_476 : vector<16xf32>
        %add3A_571 = arith.addf %scan3A_471, %mul3A_570 : vector<16xf32>
        %get3A_572 = arith.index_cast %scan3A_452 : i32 to index
        %get3A_573 = arith.constant 304 : index
        %get3A_574 = tpu.vector_load %arg8[%get3A_572, %get3A_573] {strides = array<i32>} : memref<64x640xf32, #tpu.memory_space<vmem>>, vector<16xf32>,
        %mul3A_575 = arith.mulf %get3A_574, %gather3A_476 : vector<16xf32>
        %add3A_576 = arith.addf %scan3A_472, %mul3A_575 : vector<16xf32>
        scf.yield %add3A_481, %add3A_486, %add3A_491, %add3A_496, %add3A_501, %add3A_506, %add3A_511, %add3A_516, %add3A_521, %add3A_526, %add3A_531, %add3A_536, %add3A_541, %add3A_546, %add3A_551, %add3A_556, %add3A_561, %add3A_566, %add3A_571, %add3A_576 : vector<16xf32>, vector<16xf32>, vector<16xf32>, vector<16xf32>, vector<16xf32>, vector<16xf32>, vector<16xf32>, vector<16xf32>, vector<16xf32>, vector<16xf32>, vector<16xf32>, vector<16xf32>, vector<16xf32>, vector<16xf32>, vector<16xf32>, vector<16xf32>, vector<16xf32>, vector<16xf32>, vector<16xf32>, vector<16xf32>
      }
      %scan3A_438 = arith.constant 64 : i32
      %scan3A_439 = arith.constant 0 : i32
      %scan3A_440 = arith.constant 64 : i32
      %scan3A_441 = arith.addi %scan3A_439, %scan3A_440 : i32
      %scan3A_442 = arith.constant 1 : i32
      %scan3A_443:20 = scf.for %scan3A_452 = %scan3A_439 to %scan3A_441 step %scan3A_442 iter_args(%scan3A_453 = %scan3A_416#0, %scan3A_454 = %scan3A_416#1, %scan3A_455 = %scan3A_416#2, %scan3A_456 = %scan3A_416#3, %scan3A_457 = %scan3A_416#4, %scan3A_458 = %scan3A_416#5, %scan3A_459 = %scan3A_416#6, %scan3A_460 = %scan3A_416#7, %scan3A_461 = %scan3A_416#8, %scan3A_462 = %scan3A_416#9, %scan3A_463 = %scan3A_416#10, %scan3A_464 = %scan3A_416#11, %scan3A_465 = %scan3A_416#12, %scan3A_466 = %scan3A_416#13, %scan3A_467 = %scan3A_416#14, %scan3A_468 = %scan3A_416#15, %scan3A_469 = %scan3A_416#16, %scan3A_470 = %scan3A_416#17, %scan3A_471 = %scan3A_416#18, %scan3A_472 = %scan3A_416#19) -> (vector<16xf32>, vector<16xf32>, vector<16xf32>, vector<16xf32>, vector<16xf32>, vector<16xf32>, vector<16xf32>, vector<16xf32>, vector<16xf32>, vector<16xf32>, vector<16xf32>, vector<16xf32>, vector<16xf32>, vector<16xf32>, vector<16xf32>, vector<16xf32>, vector<16xf32>, vector<16xf32>, vector<16xf32>, vector<16xf32>)  : i32 {
        %add3A_473 = arith.addi %add3A_430, %scan3A_452 : i32
        %add3A_474 = vector.broadcast %add3A_473 : i32 to vector<16xi32>
        %add3A_475 = arith.addi %broadcast_in_dim3A_15, %add3A_474 : vector<16xi32>
        %gather3A_476 = tpu.vector_load_idx %arg9[%broadcast_in_dim3A_15, %add3A_475] : memref<1x2176xf32, #tpu.memory_space<vmem>>[vector<16xi32>, vector<16xi32>], vector<16xf32>,
        %get3A_477 = arith.index_cast %scan3A_452 : i32 to index
        %get3A_478 = arith.constant 320 : index
        %get3A_479 = tpu.vector_load %arg8[%get3A_477, %get3A_478] {strides = array<i32>} : memref<64x640xf32, #tpu.memory_space<vmem>>, vector<16xf32>,
        %mul3A_480 = arith.mulf %get3A_479, %gather3A_476 : vector<16xf32>
        %add3A_481 = arith.addf %scan3A_453, %mul3A_480 : vector<16xf32>
        %get3A_482 = arith.index_cast %scan3A_452 : i32 to index
        %get3A_483 = arith.constant 336 : index
        %get3A_484 = tpu.vector_load %arg8[%get3A_482, %get3A_483] {strides = array<i32>} : memref<64x640xf32, #tpu.memory_space<vmem>>, vector<16xf32>,
        %mul3A_485 = arith.mulf %get3A_484, %gather3A_476 : vector<16xf32>
        %add3A_486 = arith.addf %scan3A_454, %mul3A_485 : vector<16xf32>
        %get3A_487 = arith.index_cast %scan3A_452 : i32 to index
        %get3A_488 = arith.constant 352 : index
        %get3A_489 = tpu.vector_load %arg8[%get3A_487, %get3A_488] {strides = array<i32>} : memref<64x640xf32, #tpu.memory_space<vmem>>, vector<16xf32>,
        %mul3A_490 = arith.mulf %get3A_489, %gather3A_476 : vector<16xf32>
        %add3A_491 = arith.addf %scan3A_455, %mul3A_490 : vector<16xf32>
        %get3A_492 = arith.index_cast %scan3A_452 : i32 to index
        %get3A_493 = arith.constant 368 : index
        %get3A_494 = tpu.vector_load %arg8[%get3A_492, %get3A_493] {strides = array<i32>} : memref<64x640xf32, #tpu.memory_space<vmem>>, vector<16xf32>,
        %mul3A_495 = arith.mulf %get3A_494, %gather3A_476 : vector<16xf32>
        %add3A_496 = arith.addf %scan3A_456, %mul3A_495 : vector<16xf32>
        %get3A_497 = arith.index_cast %scan3A_452 : i32 to index
        %get3A_498 = arith.constant 384 : index
        %get3A_499 = tpu.vector_load %arg8[%get3A_497, %get3A_498] {strides = array<i32>} : memref<64x640xf32, #tpu.memory_space<vmem>>, vector<16xf32>,
        %mul3A_500 = arith.mulf %get3A_499, %gather3A_476 : vector<16xf32>
        %add3A_501 = arith.addf %scan3A_457, %mul3A_500 : vector<16xf32>
        %get3A_502 = arith.index_cast %scan3A_452 : i32 to index
        %get3A_503 = arith.constant 400 : index
        %get3A_504 = tpu.vector_load %arg8[%get3A_502, %get3A_503] {strides = array<i32>} : memref<64x640xf32, #tpu.memory_space<vmem>>, vector<16xf32>,
        %mul3A_505 = arith.mulf %get3A_504, %gather3A_476 : vector<16xf32>
        %add3A_506 = arith.addf %scan3A_458, %mul3A_505 : vector<16xf32>
        %get3A_507 = arith.index_cast %scan3A_452 : i32 to index
        %get3A_508 = arith.constant 416 : index
        %get3A_509 = tpu.vector_load %arg8[%get3A_507, %get3A_508] {strides = array<i32>} : memref<64x640xf32, #tpu.memory_space<vmem>>, vector<16xf32>,
        %mul3A_510 = arith.mulf %get3A_509, %gather3A_476 : vector<16xf32>
        %add3A_511 = arith.addf %scan3A_459, %mul3A_510 : vector<16xf32>
        %get3A_512 = arith.index_cast %scan3A_452 : i32 to index
        %get3A_513 = arith.constant 432 : index
        %get3A_514 = tpu.vector_load %arg8[%get3A_512, %get3A_513] {strides = array<i32>} : memref<64x640xf32, #tpu.memory_space<vmem>>, vector<16xf32>,
        %mul3A_515 = arith.mulf %get3A_514, %gather3A_476 : vector<16xf32>
        %add3A_516 = arith.addf %scan3A_460, %mul3A_515 : vector<16xf32>
        %get3A_517 = arith.index_cast %scan3A_452 : i32 to index
        %get3A_518 = arith.constant 448 : index
        %get3A_519 = tpu.vector_load %arg8[%get3A_517, %get3A_518] {strides = array<i32>} : memref<64x640xf32, #tpu.memory_space<vmem>>, vector<16xf32>,
        %mul3A_520 = arith.mulf %get3A_519, %gather3A_476 : vector<16xf32>
        %add3A_521 = arith.addf %scan3A_461, %mul3A_520 : vector<16xf32>
        %get3A_522 = arith.index_cast %scan3A_452 : i32 to index
        %get3A_523 = arith.constant 464 : index
        %get3A_524 = tpu.vector_load %arg8[%get3A_522, %get3A_523] {strides = array<i32>} : memref<64x640xf32, #tpu.memory_space<vmem>>, vector<16xf32>,
        %mul3A_525 = arith.mulf %get3A_524, %gather3A_476 : vector<16xf32>
        %add3A_526 = arith.addf %scan3A_462, %mul3A_525 : vector<16xf32>
        %get3A_527 = arith.index_cast %scan3A_452 : i32 to index
        %get3A_528 = arith.constant 480 : index
        %get3A_529 = tpu.vector_load %arg8[%get3A_527, %get3A_528] {strides = array<i32>} : memref<64x640xf32, #tpu.memory_space<vmem>>, vector<16xf32>,
        %mul3A_530 = arith.mulf %get3A_529, %gather3A_476 : vector<16xf32>
        %add3A_531 = arith.addf %scan3A_463, %mul3A_530 : vector<16xf32>
        %get3A_532 = arith.index_cast %scan3A_452 : i32 to index
        %get3A_533 = arith.constant 496 : index
        %get3A_534 = tpu.vector_load %arg8[%get3A_532, %get3A_533] {strides = array<i32>} : memref<64x640xf32, #tpu.memory_space<vmem>>, vector<16xf32>,
        %mul3A_535 = arith.mulf %get3A_534, %gather3A_476 : vector<16xf32>
        %add3A_536 = arith.addf %scan3A_464, %mul3A_535 : vector<16xf32>
        %get3A_537 = arith.index_cast %scan3A_452 : i32 to index
        %get3A_538 = arith.constant 512 : index
        %get3A_539 = tpu.vector_load %arg8[%get3A_537, %get3A_538] {strides = array<i32>} : memref<64x640xf32, #tpu.memory_space<vmem>>, vector<16xf32>,
        %mul3A_540 = arith.mulf %get3A_539, %gather3A_476 : vector<16xf32>
        %add3A_541 = arith.addf %scan3A_465, %mul3A_540 : vector<16xf32>
        %get3A_542 = arith.index_cast %scan3A_452 : i32 to index
        %get3A_543 = arith.constant 528 : index
        %get3A_544 = tpu.vector_load %arg8[%get3A_542, %get3A_543] {strides = array<i32>} : memref<64x640xf32, #tpu.memory_space<vmem>>, vector<16xf32>,
        %mul3A_545 = arith.mulf %get3A_544, %gather3A_476 : vector<16xf32>
        %add3A_546 = arith.addf %scan3A_466, %mul3A_545 : vector<16xf32>
        %get3A_547 = arith.index_cast %scan3A_452 : i32 to index
        %get3A_548 = arith.constant 544 : index
        %get3A_549 = tpu.vector_load %arg8[%get3A_547, %get3A_548] {strides = array<i32>} : memref<64x640xf32, #tpu.memory_space<vmem>>, vector<16xf32>,
        %mul3A_550 = arith.mulf %get3A_549, %gather3A_476 : vector<16xf32>
        %add3A_551 = arith.addf %scan3A_467, %mul3A_550 : vector<16xf32>
        %get3A_552 = arith.index_cast %scan3A_452 : i32 to index
        %get3A_553 = arith.constant 560 : index
        %get3A_554 = tpu.vector_load %arg8[%get3A_552, %get3A_553] {strides = array<i32>} : memref<64x640xf32, #tpu.memory_space<vmem>>, vector<16xf32>,
        %mul3A_555 = arith.mulf %get3A_554, %gather3A_476 : vector<16xf32>
        %add3A_556 = arith.addf %scan3A_468, %mul3A_555 : vector<16xf32>
        %get3A_557 = arith.index_cast %scan3A_452 : i32 to index
        %get3A_558 = arith.constant 576 : index
        %get3A_559 = tpu.vector_load %arg8[%get3A_557, %get3A_558] {strides = array<i32>} : memref<64x640xf32, #tpu.memory_space<vmem>>, vector<16xf32>,
        %mul3A_560 = arith.mulf %get3A_559, %gather3A_476 : vector<16xf32>
        %add3A_561 = arith.addf %scan3A_469, %mul3A_560 : vector<16xf32>
        %get3A_562 = arith.index_cast %scan3A_452 : i32 to index
        %get3A_563 = arith.constant 592 : index
        %get3A_564 = tpu.vector_load %arg8[%get3A_562, %get3A_563] {strides = array<i32>} : memref<64x640xf32, #tpu.memory_space<vmem>>, vector<16xf32>,
        %mul3A_565 = arith.mulf %get3A_564, %gather3A_476 : vector<16xf32>
        %add3A_566 = arith.addf %scan3A_470, %mul3A_565 : vector<16xf32>
        %get3A_567 = arith.index_cast %scan3A_452 : i32 to index
        %get3A_568 = arith.constant 608 : index
        %get3A_569 = tpu.vector_load %arg8[%get3A_567, %get3A_568] {strides = array<i32>} : memref<64x640xf32, #tpu.memory_space<vmem>>, vector<16xf32>,
        %mul3A_570 = arith.mulf %get3A_569, %gather3A_476 : vector<16xf32>
        %add3A_571 = arith.addf %scan3A_471, %mul3A_570 : vector<16xf32>
        %get3A_572 = arith.index_cast %scan3A_452 : i32 to index
        %get3A_573 = arith.constant 624 : index
        %get3A_574 = tpu.vector_load %arg8[%get3A_572, %get3A_573] {strides = array<i32>} : memref<64x640xf32, #tpu.memory_space<vmem>>, vector<16xf32>,
        %mul3A_575 = arith.mulf %get3A_574, %gather3A_476 : vector<16xf32>
        %add3A_576 = arith.addf %scan3A_472, %mul3A_575 : vector<16xf32>
        scf.yield %add3A_481, %add3A_486, %add3A_491, %add3A_496, %add3A_501, %add3A_506, %add3A_511, %add3A_516, %add3A_521, %add3A_526, %add3A_531, %add3A_536, %add3A_541, %add3A_546, %add3A_551, %add3A_556, %add3A_561, %add3A_566, %add3A_571, %add3A_576 : vector<16xf32>, vector<16xf32>, vector<16xf32>, vector<16xf32>, vector<16xf32>, vector<16xf32>, vector<16xf32>, vector<16xf32>, vector<16xf32>, vector<16xf32>, vector<16xf32>, vector<16xf32>, vector<16xf32>, vector<16xf32>, vector<16xf32>, vector<16xf32>, vector<16xf32>, vector<16xf32>, vector<16xf32>, vector<16xf32>
      }
      %scan3A_444 = arith.constant 64 : i32
      %add3A_445 = arith.constant 2 : i32
      %add3A_446 = arith.addi %add3A_427, %add3A_445 : i32
      %lt3A_447 = arith.constant 8 : i32
      %lt3A_448 = arith.cmpi slt, %add3A_446, %lt3A_447 : i32
      %convert_element_type3A_449 = arith.extui %lt3A_448 : i1 to i32
      %cond3A_450 = arith.constant 0 : i32
      %cond3A_451 = arith.cmpi ne, %convert_element_type3A_449, %cond3A_450 : i32
      scf.if %cond3A_451 {
        %add3A_452 = arith.constant 128 : i32
        %add3A_453 = arith.addi %add3A_430, %add3A_452 : i32
        %dma_start3A_454 = tpu.memref_slice %arg2[%add3A_453, %add3A_6] : memref<2049x16384xf32, #tpu.memory_space<hbm>> -> memref<64x640xf32, #tpu.memory_space<hbm>>
        %dma_start3A_455 = tpu.memref_slice %arg2[%add3A_453, %add3A_6] : memref<2049x16384xf32, #tpu.memory_space<hbm>> -> memref<64x640xf32, #tpu.memory_space<hbm>>
        tpu.enqueue_dma source(%dma_start3A_455 : memref<64x640xf32, #tpu.memory_space<hbm>>) target(%arg8 : memref<64x640xf32, #tpu.memory_space<vmem>>) target_semaphore(%arg17 : memref<!tpu.dma_semaphore, #tpu.memory_space<semaphore_mem>>)
      } else {
      }
      scf.yield %scan3A_437#0, %scan3A_437#1, %scan3A_437#2, %scan3A_437#3, %scan3A_437#4, %scan3A_437#5, %scan3A_437#6, %scan3A_437#7, %scan3A_437#8, %scan3A_437#9, %scan3A_437#10, %scan3A_437#11, %scan3A_437#12, %scan3A_437#13, %scan3A_437#14, %scan3A_437#15, %scan3A_437#16, %scan3A_437#17, %scan3A_437#18, %scan3A_437#19, %scan3A_443#0, %scan3A_443#1, %scan3A_443#2, %scan3A_443#3, %scan3A_443#4, %scan3A_443#5, %scan3A_443#6, %scan3A_443#7, %scan3A_443#8, %scan3A_443#9, %scan3A_443#10, %scan3A_443#11, %scan3A_443#12, %scan3A_443#13, %scan3A_443#14, %scan3A_443#15, %scan3A_443#16, %scan3A_443#17, %scan3A_443#18, %scan3A_443#19 : vector<16xf32>, vector<16xf32>, vector<16xf32>, vector<16xf32>, vector<16xf32>, vector<16xf32>, vector<16xf32>, vector<16xf32>, vector<16xf32>, vector<16xf32>, vector<16xf32>, vector<16xf32>, vector<16xf32>, vector<16xf32>, vector<16xf32>, vector<16xf32>, vector<16xf32>, vector<16xf32>, vector<16xf32>, vector<16xf32>, vector<16xf32>, vector<16xf32>, vector<16xf32>, vector<16xf32>, vector<16xf32>, vector<16xf32>, vector<16xf32>, vector<16xf32>, vector<16xf32>, vector<16xf32>, vector<16xf32>, vector<16xf32>, vector<16xf32>, vector<16xf32>, vector<16xf32>, vector<16xf32>, vector<16xf32>, vector<16xf32>, vector<16xf32>, vector<16xf32>
    }
    %scan3A_34 = arith.constant 4 : i32
    %get3A = arith.constant 0 : i32
    %get3A_35 = arith.index_cast %get3A : i32 to index
    %get3A_36 = arith.constant 0 : index
    %get3A_37 = tpu.vector_load %arg12[%get3A_35, %get3A_36] {strides = array<i32>} : memref<1x640xf32, #tpu.memory_space<vmem>>, vector<16xf32>,
    %mul3A_38 = arith.mulf %get3A_37, %mul3A_21 : vector<16xf32>
    %add3A_39 = arith.addf %scan3A_33#0, %mul3A_38 : vector<16xf32>
    %swap3A = arith.constant 0 : index
    %swap3A_40 = tpu.vector_load %arg11[%swap3A] {strides = array<i32>} : memref<640xf32, #tpu.memory_space<vmem>>, vector<16xf32>,
    tpu.vector_store %arg11[%swap3A], %add3A_39 {strides = array<i32>} : memref<640xf32, #tpu.memory_space<vmem>>, vector<16xf32>,
    %get3A_41 = arith.constant 0 : i32
    %get3A_42 = arith.index_cast %get3A_41 : i32 to index
    %get3A_43 = arith.constant 16 : index
    %get3A_44 = tpu.vector_load %arg12[%get3A_42, %get3A_43] {strides = array<i32>} : memref<1x640xf32, #tpu.memory_space<vmem>>, vector<16xf32>,
    %mul3A_45 = arith.mulf %get3A_44, %mul3A_21 : vector<16xf32>
    %add3A_46 = arith.addf %scan3A_33#1, %mul3A_45 : vector<16xf32>
    %swap3A_47 = arith.constant 16 : index
    %swap3A_48 = tpu.vector_load %arg11[%swap3A_47] {strides = array<i32>} : memref<640xf32, #tpu.memory_space<vmem>>, vector<16xf32>,
    tpu.vector_store %arg11[%swap3A_47], %add3A_46 {strides = array<i32>} : memref<640xf32, #tpu.memory_space<vmem>>, vector<16xf32>,
    %get3A_49 = arith.constant 0 : i32
    %get3A_50 = arith.index_cast %get3A_49 : i32 to index
    %get3A_51 = arith.constant 32 : index
    %get3A_52 = tpu.vector_load %arg12[%get3A_50, %get3A_51] {strides = array<i32>} : memref<1x640xf32, #tpu.memory_space<vmem>>, vector<16xf32>,
    %mul3A_53 = arith.mulf %get3A_52, %mul3A_21 : vector<16xf32>
    %add3A_54 = arith.addf %scan3A_33#2, %mul3A_53 : vector<16xf32>
    %swap3A_55 = arith.constant 32 : index
    %swap3A_56 = tpu.vector_load %arg11[%swap3A_55] {strides = array<i32>} : memref<640xf32, #tpu.memory_space<vmem>>, vector<16xf32>,
    tpu.vector_store %arg11[%swap3A_55], %add3A_54 {strides = array<i32>} : memref<640xf32, #tpu.memory_space<vmem>>, vector<16xf32>,
    %get3A_57 = arith.constant 0 : i32
    %get3A_58 = arith.index_cast %get3A_57 : i32 to index
    %get3A_59 = arith.constant 48 : index
    %get3A_60 = tpu.vector_load %arg12[%get3A_58, %get3A_59] {strides = array<i32>} : memref<1x640xf32, #tpu.memory_space<vmem>>, vector<16xf32>,
    %mul3A_61 = arith.mulf %get3A_60, %mul3A_21 : vector<16xf32>
    %add3A_62 = arith.addf %scan3A_33#3, %mul3A_61 : vector<16xf32>
    %swap3A_63 = arith.constant 48 : index
    %swap3A_64 = tpu.vector_load %arg11[%swap3A_63] {strides = array<i32>} : memref<640xf32, #tpu.memory_space<vmem>>, vector<16xf32>,
    tpu.vector_store %arg11[%swap3A_63], %add3A_62 {strides = array<i32>} : memref<640xf32, #tpu.memory_space<vmem>>, vector<16xf32>,
    %get3A_65 = arith.constant 0 : i32
    %get3A_66 = arith.index_cast %get3A_65 : i32 to index
    %get3A_67 = arith.constant 64 : index
    %get3A_68 = tpu.vector_load %arg12[%get3A_66, %get3A_67] {strides = array<i32>} : memref<1x640xf32, #tpu.memory_space<vmem>>, vector<16xf32>,
    %mul3A_69 = arith.mulf %get3A_68, %mul3A_21 : vector<16xf32>
    %add3A_70 = arith.addf %scan3A_33#4, %mul3A_69 : vector<16xf32>
    %swap3A_71 = arith.constant 64 : index
    %swap3A_72 = tpu.vector_load %arg11[%swap3A_71] {strides = array<i32>} : memref<640xf32, #tpu.memory_space<vmem>>, vector<16xf32>,
    tpu.vector_store %arg11[%swap3A_71], %add3A_70 {strides = array<i32>} : memref<640xf32, #tpu.memory_space<vmem>>, vector<16xf32>,
    %get3A_73 = arith.constant 0 : i32
    %get3A_74 = arith.index_cast %get3A_73 : i32 to index
    %get3A_75 = arith.constant 80 : index
    %get3A_76 = tpu.vector_load %arg12[%get3A_74, %get3A_75] {strides = array<i32>} : memref<1x640xf32, #tpu.memory_space<vmem>>, vector<16xf32>,
    %mul3A_77 = arith.mulf %get3A_76, %mul3A_21 : vector<16xf32>
    %add3A_78 = arith.addf %scan3A_33#5, %mul3A_77 : vector<16xf32>
    %swap3A_79 = arith.constant 80 : index
    %swap3A_80 = tpu.vector_load %arg11[%swap3A_79] {strides = array<i32>} : memref<640xf32, #tpu.memory_space<vmem>>, vector<16xf32>,
    tpu.vector_store %arg11[%swap3A_79], %add3A_78 {strides = array<i32>} : memref<640xf32, #tpu.memory_space<vmem>>, vector<16xf32>,
    %get3A_81 = arith.constant 0 : i32
    %get3A_82 = arith.index_cast %get3A_81 : i32 to index
    %get3A_83 = arith.constant 96 : index
    %get3A_84 = tpu.vector_load %arg12[%get3A_82, %get3A_83] {strides = array<i32>} : memref<1x640xf32, #tpu.memory_space<vmem>>, vector<16xf32>,
    %mul3A_85 = arith.mulf %get3A_84, %mul3A_21 : vector<16xf32>
    %add3A_86 = arith.addf %scan3A_33#6, %mul3A_85 : vector<16xf32>
    %swap3A_87 = arith.constant 96 : index
    %swap3A_88 = tpu.vector_load %arg11[%swap3A_87] {strides = array<i32>} : memref<640xf32, #tpu.memory_space<vmem>>, vector<16xf32>,
    tpu.vector_store %arg11[%swap3A_87], %add3A_86 {strides = array<i32>} : memref<640xf32, #tpu.memory_space<vmem>>, vector<16xf32>,
    %get3A_89 = arith.constant 0 : i32
    %get3A_90 = arith.index_cast %get3A_89 : i32 to index
    %get3A_91 = arith.constant 112 : index
    %get3A_92 = tpu.vector_load %arg12[%get3A_90, %get3A_91] {strides = array<i32>} : memref<1x640xf32, #tpu.memory_space<vmem>>, vector<16xf32>,
    %mul3A_93 = arith.mulf %get3A_92, %mul3A_21 : vector<16xf32>
    %add3A_94 = arith.addf %scan3A_33#7, %mul3A_93 : vector<16xf32>
    %swap3A_95 = arith.constant 112 : index
    %swap3A_96 = tpu.vector_load %arg11[%swap3A_95] {strides = array<i32>} : memref<640xf32, #tpu.memory_space<vmem>>, vector<16xf32>,
    tpu.vector_store %arg11[%swap3A_95], %add3A_94 {strides = array<i32>} : memref<640xf32, #tpu.memory_space<vmem>>, vector<16xf32>,
    %get3A_97 = arith.constant 0 : i32
    %get3A_98 = arith.index_cast %get3A_97 : i32 to index
    %get3A_99 = arith.constant 128 : index
    %get3A_100 = tpu.vector_load %arg12[%get3A_98, %get3A_99] {strides = array<i32>} : memref<1x640xf32, #tpu.memory_space<vmem>>, vector<16xf32>,
    %mul3A_101 = arith.mulf %get3A_100, %mul3A_21 : vector<16xf32>
    %add3A_102 = arith.addf %scan3A_33#8, %mul3A_101 : vector<16xf32>
    %swap3A_103 = arith.constant 128 : index
    %swap3A_104 = tpu.vector_load %arg11[%swap3A_103] {strides = array<i32>} : memref<640xf32, #tpu.memory_space<vmem>>, vector<16xf32>,
    tpu.vector_store %arg11[%swap3A_103], %add3A_102 {strides = array<i32>} : memref<640xf32, #tpu.memory_space<vmem>>, vector<16xf32>,
    %get3A_105 = arith.constant 0 : i32
    %get3A_106 = arith.index_cast %get3A_105 : i32 to index
    %get3A_107 = arith.constant 144 : index
    %get3A_108 = tpu.vector_load %arg12[%get3A_106, %get3A_107] {strides = array<i32>} : memref<1x640xf32, #tpu.memory_space<vmem>>, vector<16xf32>,
    %mul3A_109 = arith.mulf %get3A_108, %mul3A_21 : vector<16xf32>
    %add3A_110 = arith.addf %scan3A_33#9, %mul3A_109 : vector<16xf32>
    %swap3A_111 = arith.constant 144 : index
    %swap3A_112 = tpu.vector_load %arg11[%swap3A_111] {strides = array<i32>} : memref<640xf32, #tpu.memory_space<vmem>>, vector<16xf32>,
    tpu.vector_store %arg11[%swap3A_111], %add3A_110 {strides = array<i32>} : memref<640xf32, #tpu.memory_space<vmem>>, vector<16xf32>,
    %get3A_113 = arith.constant 0 : i32
    %get3A_114 = arith.index_cast %get3A_113 : i32 to index
    %get3A_115 = arith.constant 160 : index
    %get3A_116 = tpu.vector_load %arg12[%get3A_114, %get3A_115] {strides = array<i32>} : memref<1x640xf32, #tpu.memory_space<vmem>>, vector<16xf32>,
    %mul3A_117 = arith.mulf %get3A_116, %mul3A_21 : vector<16xf32>
    %add3A_118 = arith.addf %scan3A_33#10, %mul3A_117 : vector<16xf32>
    %swap3A_119 = arith.constant 160 : index
    %swap3A_120 = tpu.vector_load %arg11[%swap3A_119] {strides = array<i32>} : memref<640xf32, #tpu.memory_space<vmem>>, vector<16xf32>,
    tpu.vector_store %arg11[%swap3A_119], %add3A_118 {strides = array<i32>} : memref<640xf32, #tpu.memory_space<vmem>>, vector<16xf32>,
    %get3A_121 = arith.constant 0 : i32
    %get3A_122 = arith.index_cast %get3A_121 : i32 to index
    %get3A_123 = arith.constant 176 : index
    %get3A_124 = tpu.vector_load %arg12[%get3A_122, %get3A_123] {strides = array<i32>} : memref<1x640xf32, #tpu.memory_space<vmem>>, vector<16xf32>,
    %mul3A_125 = arith.mulf %get3A_124, %mul3A_21 : vector<16xf32>
    %add3A_126 = arith.addf %scan3A_33#11, %mul3A_125 : vector<16xf32>
    %swap3A_127 = arith.constant 176 : index
    %swap3A_128 = tpu.vector_load %arg11[%swap3A_127] {strides = array<i32>} : memref<640xf32, #tpu.memory_space<vmem>>, vector<16xf32>,
    tpu.vector_store %arg11[%swap3A_127], %add3A_126 {strides = array<i32>} : memref<640xf32, #tpu.memory_space<vmem>>, vector<16xf32>,
    %get3A_129 = arith.constant 0 : i32
    %get3A_130 = arith.index_cast %get3A_129 : i32 to index
    %get3A_131 = arith.constant 192 : index
    %get3A_132 = tpu.vector_load %arg12[%get3A_130, %get3A_131] {strides = array<i32>} : memref<1x640xf32, #tpu.memory_space<vmem>>, vector<16xf32>,
    %mul3A_133 = arith.mulf %get3A_132, %mul3A_21 : vector<16xf32>
    %add3A_134 = arith.addf %scan3A_33#12, %mul3A_133 : vector<16xf32>
    %swap3A_135 = arith.constant 192 : index
    %swap3A_136 = tpu.vector_load %arg11[%swap3A_135] {strides = array<i32>} : memref<640xf32, #tpu.memory_space<vmem>>, vector<16xf32>,
    tpu.vector_store %arg11[%swap3A_135], %add3A_134 {strides = array<i32>} : memref<640xf32, #tpu.memory_space<vmem>>, vector<16xf32>,
    %get3A_137 = arith.constant 0 : i32
    %get3A_138 = arith.index_cast %get3A_137 : i32 to index
    %get3A_139 = arith.constant 208 : index
    %get3A_140 = tpu.vector_load %arg12[%get3A_138, %get3A_139] {strides = array<i32>} : memref<1x640xf32, #tpu.memory_space<vmem>>, vector<16xf32>,
    %mul3A_141 = arith.mulf %get3A_140, %mul3A_21 : vector<16xf32>
    %add3A_142 = arith.addf %scan3A_33#13, %mul3A_141 : vector<16xf32>
    %swap3A_143 = arith.constant 208 : index
    %swap3A_144 = tpu.vector_load %arg11[%swap3A_143] {strides = array<i32>} : memref<640xf32, #tpu.memory_space<vmem>>, vector<16xf32>,
    tpu.vector_store %arg11[%swap3A_143], %add3A_142 {strides = array<i32>} : memref<640xf32, #tpu.memory_space<vmem>>, vector<16xf32>,
    %get3A_145 = arith.constant 0 : i32
    %get3A_146 = arith.index_cast %get3A_145 : i32 to index
    %get3A_147 = arith.constant 224 : index
    %get3A_148 = tpu.vector_load %arg12[%get3A_146, %get3A_147] {strides = array<i32>} : memref<1x640xf32, #tpu.memory_space<vmem>>, vector<16xf32>,
    %mul3A_149 = arith.mulf %get3A_148, %mul3A_21 : vector<16xf32>
    %add3A_150 = arith.addf %scan3A_33#14, %mul3A_149 : vector<16xf32>
    %swap3A_151 = arith.constant 224 : index
    %swap3A_152 = tpu.vector_load %arg11[%swap3A_151] {strides = array<i32>} : memref<640xf32, #tpu.memory_space<vmem>>, vector<16xf32>,
    tpu.vector_store %arg11[%swap3A_151], %add3A_150 {strides = array<i32>} : memref<640xf32, #tpu.memory_space<vmem>>, vector<16xf32>,
    %get3A_153 = arith.constant 0 : i32
    %get3A_154 = arith.index_cast %get3A_153 : i32 to index
    %get3A_155 = arith.constant 240 : index
    %get3A_156 = tpu.vector_load %arg12[%get3A_154, %get3A_155] {strides = array<i32>} : memref<1x640xf32, #tpu.memory_space<vmem>>, vector<16xf32>,
    %mul3A_157 = arith.mulf %get3A_156, %mul3A_21 : vector<16xf32>
    %add3A_158 = arith.addf %scan3A_33#15, %mul3A_157 : vector<16xf32>
    %swap3A_159 = arith.constant 240 : index
    %swap3A_160 = tpu.vector_load %arg11[%swap3A_159] {strides = array<i32>} : memref<640xf32, #tpu.memory_space<vmem>>, vector<16xf32>,
    tpu.vector_store %arg11[%swap3A_159], %add3A_158 {strides = array<i32>} : memref<640xf32, #tpu.memory_space<vmem>>, vector<16xf32>,
    %get3A_161 = arith.constant 0 : i32
    %get3A_162 = arith.index_cast %get3A_161 : i32 to index
    %get3A_163 = arith.constant 256 : index
    %get3A_164 = tpu.vector_load %arg12[%get3A_162, %get3A_163] {strides = array<i32>} : memref<1x640xf32, #tpu.memory_space<vmem>>, vector<16xf32>,
    %mul3A_165 = arith.mulf %get3A_164, %mul3A_21 : vector<16xf32>
    %add3A_166 = arith.addf %scan3A_33#16, %mul3A_165 : vector<16xf32>
    %swap3A_167 = arith.constant 256 : index
    %swap3A_168 = tpu.vector_load %arg11[%swap3A_167] {strides = array<i32>} : memref<640xf32, #tpu.memory_space<vmem>>, vector<16xf32>,
    tpu.vector_store %arg11[%swap3A_167], %add3A_166 {strides = array<i32>} : memref<640xf32, #tpu.memory_space<vmem>>, vector<16xf32>,
    %get3A_169 = arith.constant 0 : i32
    %get3A_170 = arith.index_cast %get3A_169 : i32 to index
    %get3A_171 = arith.constant 272 : index
    %get3A_172 = tpu.vector_load %arg12[%get3A_170, %get3A_171] {strides = array<i32>} : memref<1x640xf32, #tpu.memory_space<vmem>>, vector<16xf32>,
    %mul3A_173 = arith.mulf %get3A_172, %mul3A_21 : vector<16xf32>
    %add3A_174 = arith.addf %scan3A_33#17, %mul3A_173 : vector<16xf32>
    %swap3A_175 = arith.constant 272 : index
    %swap3A_176 = tpu.vector_load %arg11[%swap3A_175] {strides = array<i32>} : memref<640xf32, #tpu.memory_space<vmem>>, vector<16xf32>,
    tpu.vector_store %arg11[%swap3A_175], %add3A_174 {strides = array<i32>} : memref<640xf32, #tpu.memory_space<vmem>>, vector<16xf32>,
    %get3A_177 = arith.constant 0 : i32
    %get3A_178 = arith.index_cast %get3A_177 : i32 to index
    %get3A_179 = arith.constant 288 : index
    %get3A_180 = tpu.vector_load %arg12[%get3A_178, %get3A_179] {strides = array<i32>} : memref<1x640xf32, #tpu.memory_space<vmem>>, vector<16xf32>,
    %mul3A_181 = arith.mulf %get3A_180, %mul3A_21 : vector<16xf32>
    %add3A_182 = arith.addf %scan3A_33#18, %mul3A_181 : vector<16xf32>
    %swap3A_183 = arith.constant 288 : index
    %swap3A_184 = tpu.vector_load %arg11[%swap3A_183] {strides = array<i32>} : memref<640xf32, #tpu.memory_space<vmem>>, vector<16xf32>,
    tpu.vector_store %arg11[%swap3A_183], %add3A_182 {strides = array<i32>} : memref<640xf32, #tpu.memory_space<vmem>>, vector<16xf32>,
    %get3A_185 = arith.constant 0 : i32
    %get3A_186 = arith.index_cast %get3A_185 : i32 to index
    %get3A_187 = arith.constant 304 : index
    %get3A_188 = tpu.vector_load %arg12[%get3A_186, %get3A_187] {strides = array<i32>} : memref<1x640xf32, #tpu.memory_space<vmem>>, vector<16xf32>,
    %mul3A_189 = arith.mulf %get3A_188, %mul3A_21 : vector<16xf32>
    %add3A_190 = arith.addf %scan3A_33#19, %mul3A_189 : vector<16xf32>
    %swap3A_191 = arith.constant 304 : index
    %swap3A_192 = tpu.vector_load %arg11[%swap3A_191] {strides = array<i32>} : memref<640xf32, #tpu.memory_space<vmem>>, vector<16xf32>,
    tpu.vector_store %arg11[%swap3A_191], %add3A_190 {strides = array<i32>} : memref<640xf32, #tpu.memory_space<vmem>>, vector<16xf32>,
    %get3A_193 = arith.constant 0 : i32
    %get3A_194 = arith.index_cast %get3A_193 : i32 to index
    %get3A_195 = arith.constant 320 : index
    %get3A_196 = tpu.vector_load %arg12[%get3A_194, %get3A_195] {strides = array<i32>} : memref<1x640xf32, #tpu.memory_space<vmem>>, vector<16xf32>,
    %mul3A_197 = arith.mulf %get3A_196, %mul3A_21 : vector<16xf32>
    %add3A_198 = arith.addf %scan3A_33#20, %mul3A_197 : vector<16xf32>
    %swap3A_199 = arith.constant 320 : index
    %swap3A_200 = tpu.vector_load %arg11[%swap3A_199] {strides = array<i32>} : memref<640xf32, #tpu.memory_space<vmem>>, vector<16xf32>,
    tpu.vector_store %arg11[%swap3A_199], %add3A_198 {strides = array<i32>} : memref<640xf32, #tpu.memory_space<vmem>>, vector<16xf32>,
    %get3A_201 = arith.constant 0 : i32
    %get3A_202 = arith.index_cast %get3A_201 : i32 to index
    %get3A_203 = arith.constant 336 : index
    %get3A_204 = tpu.vector_load %arg12[%get3A_202, %get3A_203] {strides = array<i32>} : memref<1x640xf32, #tpu.memory_space<vmem>>, vector<16xf32>,
    %mul3A_205 = arith.mulf %get3A_204, %mul3A_21 : vector<16xf32>
    %add3A_206 = arith.addf %scan3A_33#21, %mul3A_205 : vector<16xf32>
    %swap3A_207 = arith.constant 336 : index
    %swap3A_208 = tpu.vector_load %arg11[%swap3A_207] {strides = array<i32>} : memref<640xf32, #tpu.memory_space<vmem>>, vector<16xf32>,
    tpu.vector_store %arg11[%swap3A_207], %add3A_206 {strides = array<i32>} : memref<640xf32, #tpu.memory_space<vmem>>, vector<16xf32>,
    %get3A_209 = arith.constant 0 : i32
    %get3A_210 = arith.index_cast %get3A_209 : i32 to index
    %get3A_211 = arith.constant 352 : index
    %get3A_212 = tpu.vector_load %arg12[%get3A_210, %get3A_211] {strides = array<i32>} : memref<1x640xf32, #tpu.memory_space<vmem>>, vector<16xf32>,
    %mul3A_213 = arith.mulf %get3A_212, %mul3A_21 : vector<16xf32>
    %add3A_214 = arith.addf %scan3A_33#22, %mul3A_213 : vector<16xf32>
    %swap3A_215 = arith.constant 352 : index
    %swap3A_216 = tpu.vector_load %arg11[%swap3A_215] {strides = array<i32>} : memref<640xf32, #tpu.memory_space<vmem>>, vector<16xf32>,
    tpu.vector_store %arg11[%swap3A_215], %add3A_214 {strides = array<i32>} : memref<640xf32, #tpu.memory_space<vmem>>, vector<16xf32>,
    %get3A_217 = arith.constant 0 : i32
    %get3A_218 = arith.index_cast %get3A_217 : i32 to index
    %get3A_219 = arith.constant 368 : index
    %get3A_220 = tpu.vector_load %arg12[%get3A_218, %get3A_219] {strides = array<i32>} : memref<1x640xf32, #tpu.memory_space<vmem>>, vector<16xf32>,
    %mul3A_221 = arith.mulf %get3A_220, %mul3A_21 : vector<16xf32>
    %add3A_222 = arith.addf %scan3A_33#23, %mul3A_221 : vector<16xf32>
    %swap3A_223 = arith.constant 368 : index
    %swap3A_224 = tpu.vector_load %arg11[%swap3A_223] {strides = array<i32>} : memref<640xf32, #tpu.memory_space<vmem>>, vector<16xf32>,
    tpu.vector_store %arg11[%swap3A_223], %add3A_222 {strides = array<i32>} : memref<640xf32, #tpu.memory_space<vmem>>, vector<16xf32>,
    %get3A_225 = arith.constant 0 : i32
    %get3A_226 = arith.index_cast %get3A_225 : i32 to index
    %get3A_227 = arith.constant 384 : index
    %get3A_228 = tpu.vector_load %arg12[%get3A_226, %get3A_227] {strides = array<i32>} : memref<1x640xf32, #tpu.memory_space<vmem>>, vector<16xf32>,
    %mul3A_229 = arith.mulf %get3A_228, %mul3A_21 : vector<16xf32>
    %add3A_230 = arith.addf %scan3A_33#24, %mul3A_229 : vector<16xf32>
    %swap3A_231 = arith.constant 384 : index
    %swap3A_232 = tpu.vector_load %arg11[%swap3A_231] {strides = array<i32>} : memref<640xf32, #tpu.memory_space<vmem>>, vector<16xf32>,
    tpu.vector_store %arg11[%swap3A_231], %add3A_230 {strides = array<i32>} : memref<640xf32, #tpu.memory_space<vmem>>, vector<16xf32>,
    %get3A_233 = arith.constant 0 : i32
    %get3A_234 = arith.index_cast %get3A_233 : i32 to index
    %get3A_235 = arith.constant 400 : index
    %get3A_236 = tpu.vector_load %arg12[%get3A_234, %get3A_235] {strides = array<i32>} : memref<1x640xf32, #tpu.memory_space<vmem>>, vector<16xf32>,
    %mul3A_237 = arith.mulf %get3A_236, %mul3A_21 : vector<16xf32>
    %add3A_238 = arith.addf %scan3A_33#25, %mul3A_237 : vector<16xf32>
    %swap3A_239 = arith.constant 400 : index
    %swap3A_240 = tpu.vector_load %arg11[%swap3A_239] {strides = array<i32>} : memref<640xf32, #tpu.memory_space<vmem>>, vector<16xf32>,
    tpu.vector_store %arg11[%swap3A_239], %add3A_238 {strides = array<i32>} : memref<640xf32, #tpu.memory_space<vmem>>, vector<16xf32>,
    %get3A_241 = arith.constant 0 : i32
    %get3A_242 = arith.index_cast %get3A_241 : i32 to index
    %get3A_243 = arith.constant 416 : index
    %get3A_244 = tpu.vector_load %arg12[%get3A_242, %get3A_243] {strides = array<i32>} : memref<1x640xf32, #tpu.memory_space<vmem>>, vector<16xf32>,
    %mul3A_245 = arith.mulf %get3A_244, %mul3A_21 : vector<16xf32>
    %add3A_246 = arith.addf %scan3A_33#26, %mul3A_245 : vector<16xf32>
    %swap3A_247 = arith.constant 416 : index
    %swap3A_248 = tpu.vector_load %arg11[%swap3A_247] {strides = array<i32>} : memref<640xf32, #tpu.memory_space<vmem>>, vector<16xf32>,
    tpu.vector_store %arg11[%swap3A_247], %add3A_246 {strides = array<i32>} : memref<640xf32, #tpu.memory_space<vmem>>, vector<16xf32>,
    %get3A_249 = arith.constant 0 : i32
    %get3A_250 = arith.index_cast %get3A_249 : i32 to index
    %get3A_251 = arith.constant 432 : index
    %get3A_252 = tpu.vector_load %arg12[%get3A_250, %get3A_251] {strides = array<i32>} : memref<1x640xf32, #tpu.memory_space<vmem>>, vector<16xf32>,
    %mul3A_253 = arith.mulf %get3A_252, %mul3A_21 : vector<16xf32>
    %add3A_254 = arith.addf %scan3A_33#27, %mul3A_253 : vector<16xf32>
    %swap3A_255 = arith.constant 432 : index
    %swap3A_256 = tpu.vector_load %arg11[%swap3A_255] {strides = array<i32>} : memref<640xf32, #tpu.memory_space<vmem>>, vector<16xf32>,
    tpu.vector_store %arg11[%swap3A_255], %add3A_254 {strides = array<i32>} : memref<640xf32, #tpu.memory_space<vmem>>, vector<16xf32>,
    %get3A_257 = arith.constant 0 : i32
    %get3A_258 = arith.index_cast %get3A_257 : i32 to index
    %get3A_259 = arith.constant 448 : index
    %get3A_260 = tpu.vector_load %arg12[%get3A_258, %get3A_259] {strides = array<i32>} : memref<1x640xf32, #tpu.memory_space<vmem>>, vector<16xf32>,
    %mul3A_261 = arith.mulf %get3A_260, %mul3A_21 : vector<16xf32>
    %add3A_262 = arith.addf %scan3A_33#28, %mul3A_261 : vector<16xf32>
    %swap3A_263 = arith.constant 448 : index
    %swap3A_264 = tpu.vector_load %arg11[%swap3A_263] {strides = array<i32>} : memref<640xf32, #tpu.memory_space<vmem>>, vector<16xf32>,
    tpu.vector_store %arg11[%swap3A_263], %add3A_262 {strides = array<i32>} : memref<640xf32, #tpu.memory_space<vmem>>, vector<16xf32>,
    %get3A_265 = arith.constant 0 : i32
    %get3A_266 = arith.index_cast %get3A_265 : i32 to index
    %get3A_267 = arith.constant 464 : index
    %get3A_268 = tpu.vector_load %arg12[%get3A_266, %get3A_267] {strides = array<i32>} : memref<1x640xf32, #tpu.memory_space<vmem>>, vector<16xf32>,
    %mul3A_269 = arith.mulf %get3A_268, %mul3A_21 : vector<16xf32>
    %add3A_270 = arith.addf %scan3A_33#29, %mul3A_269 : vector<16xf32>
    %swap3A_271 = arith.constant 464 : index
    %swap3A_272 = tpu.vector_load %arg11[%swap3A_271] {strides = array<i32>} : memref<640xf32, #tpu.memory_space<vmem>>, vector<16xf32>,
    tpu.vector_store %arg11[%swap3A_271], %add3A_270 {strides = array<i32>} : memref<640xf32, #tpu.memory_space<vmem>>, vector<16xf32>,
    %get3A_273 = arith.constant 0 : i32
    %get3A_274 = arith.index_cast %get3A_273 : i32 to index
    %get3A_275 = arith.constant 480 : index
    %get3A_276 = tpu.vector_load %arg12[%get3A_274, %get3A_275] {strides = array<i32>} : memref<1x640xf32, #tpu.memory_space<vmem>>, vector<16xf32>,
    %mul3A_277 = arith.mulf %get3A_276, %mul3A_21 : vector<16xf32>
    %add3A_278 = arith.addf %scan3A_33#30, %mul3A_277 : vector<16xf32>
    %swap3A_279 = arith.constant 480 : index
    %swap3A_280 = tpu.vector_load %arg11[%swap3A_279] {strides = array<i32>} : memref<640xf32, #tpu.memory_space<vmem>>, vector<16xf32>,
    tpu.vector_store %arg11[%swap3A_279], %add3A_278 {strides = array<i32>} : memref<640xf32, #tpu.memory_space<vmem>>, vector<16xf32>,
    %get3A_281 = arith.constant 0 : i32
    %get3A_282 = arith.index_cast %get3A_281 : i32 to index
    %get3A_283 = arith.constant 496 : index
    %get3A_284 = tpu.vector_load %arg12[%get3A_282, %get3A_283] {strides = array<i32>} : memref<1x640xf32, #tpu.memory_space<vmem>>, vector<16xf32>,
    %mul3A_285 = arith.mulf %get3A_284, %mul3A_21 : vector<16xf32>
    %add3A_286 = arith.addf %scan3A_33#31, %mul3A_285 : vector<16xf32>
    %swap3A_287 = arith.constant 496 : index
    %swap3A_288 = tpu.vector_load %arg11[%swap3A_287] {strides = array<i32>} : memref<640xf32, #tpu.memory_space<vmem>>, vector<16xf32>,
    tpu.vector_store %arg11[%swap3A_287], %add3A_286 {strides = array<i32>} : memref<640xf32, #tpu.memory_space<vmem>>, vector<16xf32>,
    %get3A_289 = arith.constant 0 : i32
    %get3A_290 = arith.index_cast %get3A_289 : i32 to index
    %get3A_291 = arith.constant 512 : index
    %get3A_292 = tpu.vector_load %arg12[%get3A_290, %get3A_291] {strides = array<i32>} : memref<1x640xf32, #tpu.memory_space<vmem>>, vector<16xf32>,
    %mul3A_293 = arith.mulf %get3A_292, %mul3A_21 : vector<16xf32>
    %add3A_294 = arith.addf %scan3A_33#32, %mul3A_293 : vector<16xf32>
    %swap3A_295 = arith.constant 512 : index
    %swap3A_296 = tpu.vector_load %arg11[%swap3A_295] {strides = array<i32>} : memref<640xf32, #tpu.memory_space<vmem>>, vector<16xf32>,
    tpu.vector_store %arg11[%swap3A_295], %add3A_294 {strides = array<i32>} : memref<640xf32, #tpu.memory_space<vmem>>, vector<16xf32>,
    %get3A_297 = arith.constant 0 : i32
    %get3A_298 = arith.index_cast %get3A_297 : i32 to index
    %get3A_299 = arith.constant 528 : index
    %get3A_300 = tpu.vector_load %arg12[%get3A_298, %get3A_299] {strides = array<i32>} : memref<1x640xf32, #tpu.memory_space<vmem>>, vector<16xf32>,
    %mul3A_301 = arith.mulf %get3A_300, %mul3A_21 : vector<16xf32>
    %add3A_302 = arith.addf %scan3A_33#33, %mul3A_301 : vector<16xf32>
    %swap3A_303 = arith.constant 528 : index
    %swap3A_304 = tpu.vector_load %arg11[%swap3A_303] {strides = array<i32>} : memref<640xf32, #tpu.memory_space<vmem>>, vector<16xf32>,
    tpu.vector_store %arg11[%swap3A_303], %add3A_302 {strides = array<i32>} : memref<640xf32, #tpu.memory_space<vmem>>, vector<16xf32>,
    %get3A_305 = arith.constant 0 : i32
    %get3A_306 = arith.index_cast %get3A_305 : i32 to index
    %get3A_307 = arith.constant 544 : index
    %get3A_308 = tpu.vector_load %arg12[%get3A_306, %get3A_307] {strides = array<i32>} : memref<1x640xf32, #tpu.memory_space<vmem>>, vector<16xf32>,
    %mul3A_309 = arith.mulf %get3A_308, %mul3A_21 : vector<16xf32>
    %add3A_310 = arith.addf %scan3A_33#34, %mul3A_309 : vector<16xf32>
    %swap3A_311 = arith.constant 544 : index
    %swap3A_312 = tpu.vector_load %arg11[%swap3A_311] {strides = array<i32>} : memref<640xf32, #tpu.memory_space<vmem>>, vector<16xf32>,
    tpu.vector_store %arg11[%swap3A_311], %add3A_310 {strides = array<i32>} : memref<640xf32, #tpu.memory_space<vmem>>, vector<16xf32>,
    %get3A_313 = arith.constant 0 : i32
    %get3A_314 = arith.index_cast %get3A_313 : i32 to index
    %get3A_315 = arith.constant 560 : index
    %get3A_316 = tpu.vector_load %arg12[%get3A_314, %get3A_315] {strides = array<i32>} : memref<1x640xf32, #tpu.memory_space<vmem>>, vector<16xf32>,
    %mul3A_317 = arith.mulf %get3A_316, %mul3A_21 : vector<16xf32>
    %add3A_318 = arith.addf %scan3A_33#35, %mul3A_317 : vector<16xf32>
    %swap3A_319 = arith.constant 560 : index
    %swap3A_320 = tpu.vector_load %arg11[%swap3A_319] {strides = array<i32>} : memref<640xf32, #tpu.memory_space<vmem>>, vector<16xf32>,
    tpu.vector_store %arg11[%swap3A_319], %add3A_318 {strides = array<i32>} : memref<640xf32, #tpu.memory_space<vmem>>, vector<16xf32>,
    %get3A_321 = arith.constant 0 : i32
    %get3A_322 = arith.index_cast %get3A_321 : i32 to index
    %get3A_323 = arith.constant 576 : index
    %get3A_324 = tpu.vector_load %arg12[%get3A_322, %get3A_323] {strides = array<i32>} : memref<1x640xf32, #tpu.memory_space<vmem>>, vector<16xf32>,
    %mul3A_325 = arith.mulf %get3A_324, %mul3A_21 : vector<16xf32>
    %add3A_326 = arith.addf %scan3A_33#36, %mul3A_325 : vector<16xf32>
    %swap3A_327 = arith.constant 576 : index
    %swap3A_328 = tpu.vector_load %arg11[%swap3A_327] {strides = array<i32>} : memref<640xf32, #tpu.memory_space<vmem>>, vector<16xf32>,
    tpu.vector_store %arg11[%swap3A_327], %add3A_326 {strides = array<i32>} : memref<640xf32, #tpu.memory_space<vmem>>, vector<16xf32>,
    %get3A_329 = arith.constant 0 : i32
    %get3A_330 = arith.index_cast %get3A_329 : i32 to index
    %get3A_331 = arith.constant 592 : index
    %get3A_332 = tpu.vector_load %arg12[%get3A_330, %get3A_331] {strides = array<i32>} : memref<1x640xf32, #tpu.memory_space<vmem>>, vector<16xf32>,
    %mul3A_333 = arith.mulf %get3A_332, %mul3A_21 : vector<16xf32>
    %add3A_334 = arith.addf %scan3A_33#37, %mul3A_333 : vector<16xf32>
    %swap3A_335 = arith.constant 592 : index
    %swap3A_336 = tpu.vector_load %arg11[%swap3A_335] {strides = array<i32>} : memref<640xf32, #tpu.memory_space<vmem>>, vector<16xf32>,
    tpu.vector_store %arg11[%swap3A_335], %add3A_334 {strides = array<i32>} : memref<640xf32, #tpu.memory_space<vmem>>, vector<16xf32>,
    %get3A_337 = arith.constant 0 : i32
    %get3A_338 = arith.index_cast %get3A_337 : i32 to index
    %get3A_339 = arith.constant 608 : index
    %get3A_340 = tpu.vector_load %arg12[%get3A_338, %get3A_339] {strides = array<i32>} : memref<1x640xf32, #tpu.memory_space<vmem>>, vector<16xf32>,
    %mul3A_341 = arith.mulf %get3A_340, %mul3A_21 : vector<16xf32>
    %add3A_342 = arith.addf %scan3A_33#38, %mul3A_341 : vector<16xf32>
    %swap3A_343 = arith.constant 608 : index
    %swap3A_344 = tpu.vector_load %arg11[%swap3A_343] {strides = array<i32>} : memref<640xf32, #tpu.memory_space<vmem>>, vector<16xf32>,
    tpu.vector_store %arg11[%swap3A_343], %add3A_342 {strides = array<i32>} : memref<640xf32, #tpu.memory_space<vmem>>, vector<16xf32>,
    %get3A_345 = arith.constant 0 : i32
    %get3A_346 = arith.index_cast %get3A_345 : i32 to index
    %get3A_347 = arith.constant 624 : index
    %get3A_348 = tpu.vector_load %arg12[%get3A_346, %get3A_347] {strides = array<i32>} : memref<1x640xf32, #tpu.memory_space<vmem>>, vector<16xf32>,
    %mul3A_349 = arith.mulf %get3A_348, %mul3A_21 : vector<16xf32>
    %add3A_350 = arith.addf %scan3A_33#39, %mul3A_349 : vector<16xf32>
    %swap3A_351 = arith.constant 624 : index
    %swap3A_352 = tpu.vector_load %arg11[%swap3A_351] {strides = array<i32>} : memref<640xf32, #tpu.memory_space<vmem>>, vector<16xf32>,
    tpu.vector_store %arg11[%swap3A_351], %add3A_350 {strides = array<i32>} : memref<640xf32, #tpu.memory_space<vmem>>, vector<16xf32>,
    "tpu.region"() ({
      %run_scoped3A = tpu.sem_alloc : memref<!tpu.dma_semaphore, #tpu.memory_space<semaphore_mem>>
      %dma_start3A_356 = arith.constant 0 : i32
      %dma_start3A_357 = tpu.memref_slice %arg15[%arg1, %dma_start3A_356] : memref<16x640xf32, #tpu.memory_space<vmem_shared>> -> memref<1x640xf32, #tpu.memory_space<vmem_shared>>
      %dma_start3A_358 = tpu.memref_squeeze %dma_start3A_357 : memref<1x640xf32, #tpu.memory_space<vmem_shared>> -> memref<640xf32, #tpu.memory_space<vmem_shared>>
      %dma_start3A_359 = arith.constant 0 : i32
      %dma_start3A_360 = tpu.memref_slice %arg15[%arg1, %dma_start3A_359] : memref<16x640xf32, #tpu.memory_space<vmem_shared>> -> memref<1x640xf32, #tpu.memory_space<vmem_shared>>
      %dma_start3A_361 = tpu.memref_squeeze %dma_start3A_360 : memref<1x640xf32, #tpu.memory_space<vmem_shared>> -> memref<640xf32, #tpu.memory_space<vmem_shared>>
      tpu.enqueue_dma source(%arg11 : memref<640xf32, #tpu.memory_space<vmem>>) target(%dma_start3A_361 : memref<640xf32, #tpu.memory_space<vmem_shared>>) target_semaphore(%run_scoped3A : memref<!tpu.dma_semaphore, #tpu.memory_space<semaphore_mem>>)
      %dma_wait3A_362 = arith.constant 0 : i32
      %dma_wait3A_363 = tpu.memref_slice %arg15[%arg1, %dma_wait3A_362] : memref<16x640xf32, #tpu.memory_space<vmem_shared>> -> memref<1x640xf32, #tpu.memory_space<vmem_shared>>
      %dma_wait3A_364 = tpu.memref_squeeze %dma_wait3A_363 : memref<1x640xf32, #tpu.memory_space<vmem_shared>> -> memref<640xf32, #tpu.memory_space<vmem_shared>>
      %dma_wait3A_365 = arith.constant 0 : i32
      %dma_wait3A_366 = tpu.memref_slice %arg15[%arg1, %dma_wait3A_365] : memref<16x640xf32, #tpu.memory_space<vmem_shared>> -> memref<1x640xf32, #tpu.memory_space<vmem_shared>>
      %dma_wait3A_367 = tpu.memref_squeeze %dma_wait3A_366 : memref<1x640xf32, #tpu.memory_space<vmem_shared>> -> memref<640xf32, #tpu.memory_space<vmem_shared>>
      tpu.wait_dma2 semaphore(%run_scoped3A : memref<!tpu.dma_semaphore, #tpu.memory_space<semaphore_mem>>) src(%arg11 : memref<640xf32, #tpu.memory_space<vmem>>) dst(%dma_wait3A_367 : memref<640xf32, #tpu.memory_space<vmem_shared>>)
      tpu.yield
    }) : () -> ()
    %barrier3A = arith.constant 0 : index
    tpu.barrier barrier_id(%barrier3A)
    %eq3A_353 = arith.constant 0 : i32
    %eq3A_354 = arith.cmpi eq, %div3A_1, %eq3A_353 : i32
    %convert_element_type3A = arith.extui %eq3A_354 : i1 to i32
    %cond3A = arith.constant 0 : i32
    %cond3A_355 = arith.cmpi ne, %convert_element_type3A, %cond3A : i32
    scf.if %cond3A_355 {
      %add3A_356 = arith.constant 4 : i32
      %add3A_357 = arith.addi %rem3A_0, %add3A_356 : i32
      "tpu.region"() ({
        %run_scoped3A = tpu.sem_alloc : memref<!tpu.dma_semaphore, #tpu.memory_space<semaphore_mem>>
        %dma_start3A_1486 = arith.constant 0 : i32
        %dma_start3A_1487 = tpu.memref_slice %arg15[%add3A_357, %dma_start3A_1486] : memref<16x640xf32, #tpu.memory_space<vmem_shared>> -> memref<1x640xf32, #tpu.memory_space<vmem_shared>>
        %dma_start3A_1488 = tpu.memref_squeeze %dma_start3A_1487 : memref<1x640xf32, #tpu.memory_space<vmem_shared>> -> memref<640xf32, #tpu.memory_space<vmem_shared>>
        %dma_start3A_1489 = arith.constant 0 : i32
        %dma_start3A_1490 = tpu.memref_slice %arg15[%add3A_357, %dma_start3A_1489] : memref<16x640xf32, #tpu.memory_space<vmem_shared>> -> memref<1x640xf32, #tpu.memory_space<vmem_shared>>
        %dma_start3A_1491 = tpu.memref_squeeze %dma_start3A_1490 : memref<1x640xf32, #tpu.memory_space<vmem_shared>> -> memref<640xf32, #tpu.memory_space<vmem_shared>>
        tpu.enqueue_dma source(%dma_start3A_1491 : memref<640xf32, #tpu.memory_space<vmem_shared>>) target(%arg13 : memref<640xf32, #tpu.memory_space<vmem>>) target_semaphore(%run_scoped3A : memref<!tpu.dma_semaphore, #tpu.memory_space<semaphore_mem>>)
        %dma_wait3A_1492 = arith.constant 0 : i32
        %dma_wait3A_1493 = tpu.memref_slice %arg15[%add3A_357, %dma_wait3A_1492] : memref<16x640xf32, #tpu.memory_space<vmem_shared>> -> memref<1x640xf32, #tpu.memory_space<vmem_shared>>
        %dma_wait3A_1494 = tpu.memref_squeeze %dma_wait3A_1493 : memref<1x640xf32, #tpu.memory_space<vmem_shared>> -> memref<640xf32, #tpu.memory_space<vmem_shared>>
        %dma_wait3A_1495 = arith.constant 0 : i32
        %dma_wait3A_1496 = tpu.memref_slice %arg15[%add3A_357, %dma_wait3A_1495] : memref<16x640xf32, #tpu.memory_space<vmem_shared>> -> memref<1x640xf32, #tpu.memory_space<vmem_shared>>
        %dma_wait3A_1497 = tpu.memref_squeeze %dma_wait3A_1496 : memref<1x640xf32, #tpu.memory_space<vmem_shared>> -> memref<640xf32, #tpu.memory_space<vmem_shared>>
        tpu.wait_dma2 semaphore(%run_scoped3A : memref<!tpu.dma_semaphore, #tpu.memory_space<semaphore_mem>>) src(%dma_wait3A_1497 : memref<640xf32, #tpu.memory_space<vmem_shared>>) dst(%arg13 : memref<640xf32, #tpu.memory_space<vmem>>)
        tpu.yield
      }) : () -> ()
      %get3A_358 = arith.constant 0 : index
      %get3A_359 = tpu.vector_load %arg11[%get3A_358] {strides = array<i32>} : memref<640xf32, #tpu.memory_space<vmem>>, vector<16xf32>,
      %get3A_360 = arith.constant 0 : index
      %get3A_361 = tpu.vector_load %arg13[%get3A_360] {strides = array<i32>} : memref<640xf32, #tpu.memory_space<vmem>>, vector<16xf32>,
      %add3A_362 = arith.addf %get3A_359, %get3A_361 : vector<16xf32>
      %swap3A_363 = arith.constant 0 : index
      %swap3A_364 = tpu.vector_load %arg11[%swap3A_363] {strides = array<i32>} : memref<640xf32, #tpu.memory_space<vmem>>, vector<16xf32>,
      tpu.vector_store %arg11[%swap3A_363], %add3A_362 {strides = array<i32>} : memref<640xf32, #tpu.memory_space<vmem>>, vector<16xf32>,
      %get3A_365 = arith.constant 16 : index
      %get3A_366 = tpu.vector_load %arg11[%get3A_365] {strides = array<i32>} : memref<640xf32, #tpu.memory_space<vmem>>, vector<16xf32>,
      %get3A_367 = arith.constant 16 : index
      %get3A_368 = tpu.vector_load %arg13[%get3A_367] {strides = array<i32>} : memref<640xf32, #tpu.memory_space<vmem>>, vector<16xf32>,
      %add3A_369 = arith.addf %get3A_366, %get3A_368 : vector<16xf32>
      %swap3A_370 = arith.constant 16 : index
      %swap3A_371 = tpu.vector_load %arg11[%swap3A_370] {strides = array<i32>} : memref<640xf32, #tpu.memory_space<vmem>>, vector<16xf32>,
      tpu.vector_store %arg11[%swap3A_370], %add3A_369 {strides = array<i32>} : memref<640xf32, #tpu.memory_space<vmem>>, vector<16xf32>,
      %get3A_372 = arith.constant 32 : index
      %get3A_373 = tpu.vector_load %arg11[%get3A_372] {strides = array<i32>} : memref<640xf32, #tpu.memory_space<vmem>>, vector<16xf32>,
      %get3A_374 = arith.constant 32 : index
      %get3A_375 = tpu.vector_load %arg13[%get3A_374] {strides = array<i32>} : memref<640xf32, #tpu.memory_space<vmem>>, vector<16xf32>,
      %add3A_376 = arith.addf %get3A_373, %get3A_375 : vector<16xf32>
      %swap3A_377 = arith.constant 32 : index
      %swap3A_378 = tpu.vector_load %arg11[%swap3A_377] {strides = array<i32>} : memref<640xf32, #tpu.memory_space<vmem>>, vector<16xf32>,
      tpu.vector_store %arg11[%swap3A_377], %add3A_376 {strides = array<i32>} : memref<640xf32, #tpu.memory_space<vmem>>, vector<16xf32>,
      %get3A_379 = arith.constant 48 : index
      %get3A_380 = tpu.vector_load %arg11[%get3A_379] {strides = array<i32>} : memref<640xf32, #tpu.memory_space<vmem>>, vector<16xf32>,
      %get3A_381 = arith.constant 48 : index
      %get3A_382 = tpu.vector_load %arg13[%get3A_381] {strides = array<i32>} : memref<640xf32, #tpu.memory_space<vmem>>, vector<16xf32>,
      %add3A_383 = arith.addf %get3A_380, %get3A_382 : vector<16xf32>
      %swap3A_384 = arith.constant 48 : index
      %swap3A_385 = tpu.vector_load %arg11[%swap3A_384] {strides = array<i32>} : memref<640xf32, #tpu.memory_space<vmem>>, vector<16xf32>,
      tpu.vector_store %arg11[%swap3A_384], %add3A_383 {strides = array<i32>} : memref<640xf32, #tpu.memory_space<vmem>>, vector<16xf32>,
      %get3A_386 = arith.constant 64 : index
      %get3A_387 = tpu.vector_load %arg11[%get3A_386] {strides = array<i32>} : memref<640xf32, #tpu.memory_space<vmem>>, vector<16xf32>,
      %get3A_388 = arith.constant 64 : index
      %get3A_389 = tpu.vector_load %arg13[%get3A_388] {strides = array<i32>} : memref<640xf32, #tpu.memory_space<vmem>>, vector<16xf32>,
      %add3A_390 = arith.addf %get3A_387, %get3A_389 : vector<16xf32>
      %swap3A_391 = arith.constant 64 : index
      %swap3A_392 = tpu.vector_load %arg11[%swap3A_391] {strides = array<i32>} : memref<640xf32, #tpu.memory_space<vmem>>, vector<16xf32>,
      tpu.vector_store %arg11[%swap3A_391], %add3A_390 {strides = array<i32>} : memref<640xf32, #tpu.memory_space<vmem>>, vector<16xf32>,
      %get3A_393 = arith.constant 80 : index
      %get3A_394 = tpu.vector_load %arg11[%get3A_393] {strides = array<i32>} : memref<640xf32, #tpu.memory_space<vmem>>, vector<16xf32>,
      %get3A_395 = arith.constant 80 : index
      %get3A_396 = tpu.vector_load %arg13[%get3A_395] {strides = array<i32>} : memref<640xf32, #tpu.memory_space<vmem>>, vector<16xf32>,
      %add3A_397 = arith.addf %get3A_394, %get3A_396 : vector<16xf32>
      %swap3A_398 = arith.constant 80 : index
      %swap3A_399 = tpu.vector_load %arg11[%swap3A_398] {strides = array<i32>} : memref<640xf32, #tpu.memory_space<vmem>>, vector<16xf32>,
      tpu.vector_store %arg11[%swap3A_398], %add3A_397 {strides = array<i32>} : memref<640xf32, #tpu.memory_space<vmem>>, vector<16xf32>,
      %get3A_400 = arith.constant 96 : index
      %get3A_401 = tpu.vector_load %arg11[%get3A_400] {strides = array<i32>} : memref<640xf32, #tpu.memory_space<vmem>>, vector<16xf32>,
      %get3A_402 = arith.constant 96 : index
      %get3A_403 = tpu.vector_load %arg13[%get3A_402] {strides = array<i32>} : memref<640xf32, #tpu.memory_space<vmem>>, vector<16xf32>,
      %add3A_404 = arith.addf %get3A_401, %get3A_403 : vector<16xf32>
      %swap3A_405 = arith.constant 96 : index
      %swap3A_406 = tpu.vector_load %arg11[%swap3A_405] {strides = array<i32>} : memref<640xf32, #tpu.memory_space<vmem>>, vector<16xf32>,
      tpu.vector_store %arg11[%swap3A_405], %add3A_404 {strides = array<i32>} : memref<640xf32, #tpu.memory_space<vmem>>, vector<16xf32>,
      %get3A_407 = arith.constant 112 : index
      %get3A_408 = tpu.vector_load %arg11[%get3A_407] {strides = array<i32>} : memref<640xf32, #tpu.memory_space<vmem>>, vector<16xf32>,
      %get3A_409 = arith.constant 112 : index
      %get3A_410 = tpu.vector_load %arg13[%get3A_409] {strides = array<i32>} : memref<640xf32, #tpu.memory_space<vmem>>, vector<16xf32>,
      %add3A_411 = arith.addf %get3A_408, %get3A_410 : vector<16xf32>
      %swap3A_412 = arith.constant 112 : index
      %swap3A_413 = tpu.vector_load %arg11[%swap3A_412] {strides = array<i32>} : memref<640xf32, #tpu.memory_space<vmem>>, vector<16xf32>,
      tpu.vector_store %arg11[%swap3A_412], %add3A_411 {strides = array<i32>} : memref<640xf32, #tpu.memory_space<vmem>>, vector<16xf32>,
      %get3A_414 = arith.constant 128 : index
      %get3A_415 = tpu.vector_load %arg11[%get3A_414] {strides = array<i32>} : memref<640xf32, #tpu.memory_space<vmem>>, vector<16xf32>,
      %get3A_416 = arith.constant 128 : index
      %get3A_417 = tpu.vector_load %arg13[%get3A_416] {strides = array<i32>} : memref<640xf32, #tpu.memory_space<vmem>>, vector<16xf32>,
      %add3A_418 = arith.addf %get3A_415, %get3A_417 : vector<16xf32>
      %swap3A_419 = arith.constant 128 : index
      %swap3A_420 = tpu.vector_load %arg11[%swap3A_419] {strides = array<i32>} : memref<640xf32, #tpu.memory_space<vmem>>, vector<16xf32>,
      tpu.vector_store %arg11[%swap3A_419], %add3A_418 {strides = array<i32>} : memref<640xf32, #tpu.memory_space<vmem>>, vector<16xf32>,
      %get3A_421 = arith.constant 144 : index
      %get3A_422 = tpu.vector_load %arg11[%get3A_421] {strides = array<i32>} : memref<640xf32, #tpu.memory_space<vmem>>, vector<16xf32>,
      %get3A_423 = arith.constant 144 : index
      %get3A_424 = tpu.vector_load %arg13[%get3A_423] {strides = array<i32>} : memref<640xf32, #tpu.memory_space<vmem>>, vector<16xf32>,
      %add3A_425 = arith.addf %get3A_422, %get3A_424 : vector<16xf32>
      %swap3A_426 = arith.constant 144 : index
      %swap3A_427 = tpu.vector_load %arg11[%swap3A_426] {strides = array<i32>} : memref<640xf32, #tpu.memory_space<vmem>>, vector<16xf32>,
      tpu.vector_store %arg11[%swap3A_426], %add3A_425 {strides = array<i32>} : memref<640xf32, #tpu.memory_space<vmem>>, vector<16xf32>,
      %get3A_428 = arith.constant 160 : index
      %get3A_429 = tpu.vector_load %arg11[%get3A_428] {strides = array<i32>} : memref<640xf32, #tpu.memory_space<vmem>>, vector<16xf32>,
      %get3A_430 = arith.constant 160 : index
      %get3A_431 = tpu.vector_load %arg13[%get3A_430] {strides = array<i32>} : memref<640xf32, #tpu.memory_space<vmem>>, vector<16xf32>,
      %add3A_432 = arith.addf %get3A_429, %get3A_431 : vector<16xf32>
      %swap3A_433 = arith.constant 160 : index
      %swap3A_434 = tpu.vector_load %arg11[%swap3A_433] {strides = array<i32>} : memref<640xf32, #tpu.memory_space<vmem>>, vector<16xf32>,
      tpu.vector_store %arg11[%swap3A_433], %add3A_432 {strides = array<i32>} : memref<640xf32, #tpu.memory_space<vmem>>, vector<16xf32>,
      %get3A_435 = arith.constant 176 : index
      %get3A_436 = tpu.vector_load %arg11[%get3A_435] {strides = array<i32>} : memref<640xf32, #tpu.memory_space<vmem>>, vector<16xf32>,
      %get3A_437 = arith.constant 176 : index
      %get3A_438 = tpu.vector_load %arg13[%get3A_437] {strides = array<i32>} : memref<640xf32, #tpu.memory_space<vmem>>, vector<16xf32>,
      %add3A_439 = arith.addf %get3A_436, %get3A_438 : vector<16xf32>
      %swap3A_440 = arith.constant 176 : index
      %swap3A_441 = tpu.vector_load %arg11[%swap3A_440] {strides = array<i32>} : memref<640xf32, #tpu.memory_space<vmem>>, vector<16xf32>,
      tpu.vector_store %arg11[%swap3A_440], %add3A_439 {strides = array<i32>} : memref<640xf32, #tpu.memory_space<vmem>>, vector<16xf32>,
      %get3A_442 = arith.constant 192 : index
      %get3A_443 = tpu.vector_load %arg11[%get3A_442] {strides = array<i32>} : memref<640xf32, #tpu.memory_space<vmem>>, vector<16xf32>,
      %get3A_444 = arith.constant 192 : index
      %get3A_445 = tpu.vector_load %arg13[%get3A_444] {strides = array<i32>} : memref<640xf32, #tpu.memory_space<vmem>>, vector<16xf32>,
      %add3A_446 = arith.addf %get3A_443, %get3A_445 : vector<16xf32>
      %swap3A_447 = arith.constant 192 : index
      %swap3A_448 = tpu.vector_load %arg11[%swap3A_447] {strides = array<i32>} : memref<640xf32, #tpu.memory_space<vmem>>, vector<16xf32>,
      tpu.vector_store %arg11[%swap3A_447], %add3A_446 {strides = array<i32>} : memref<640xf32, #tpu.memory_space<vmem>>, vector<16xf32>,
      %get3A_449 = arith.constant 208 : index
      %get3A_450 = tpu.vector_load %arg11[%get3A_449] {strides = array<i32>} : memref<640xf32, #tpu.memory_space<vmem>>, vector<16xf32>,
      %get3A_451 = arith.constant 208 : index
      %get3A_452 = tpu.vector_load %arg13[%get3A_451] {strides = array<i32>} : memref<640xf32, #tpu.memory_space<vmem>>, vector<16xf32>,
      %add3A_453 = arith.addf %get3A_450, %get3A_452 : vector<16xf32>
      %swap3A_454 = arith.constant 208 : index
      %swap3A_455 = tpu.vector_load %arg11[%swap3A_454] {strides = array<i32>} : memref<640xf32, #tpu.memory_space<vmem>>, vector<16xf32>,
      tpu.vector_store %arg11[%swap3A_454], %add3A_453 {strides = array<i32>} : memref<640xf32, #tpu.memory_space<vmem>>, vector<16xf32>,
      %get3A_456 = arith.constant 224 : index
      %get3A_457 = tpu.vector_load %arg11[%get3A_456] {strides = array<i32>} : memref<640xf32, #tpu.memory_space<vmem>>, vector<16xf32>,
      %get3A_458 = arith.constant 224 : index
      %get3A_459 = tpu.vector_load %arg13[%get3A_458] {strides = array<i32>} : memref<640xf32, #tpu.memory_space<vmem>>, vector<16xf32>,
      %add3A_460 = arith.addf %get3A_457, %get3A_459 : vector<16xf32>
      %swap3A_461 = arith.constant 224 : index
      %swap3A_462 = tpu.vector_load %arg11[%swap3A_461] {strides = array<i32>} : memref<640xf32, #tpu.memory_space<vmem>>, vector<16xf32>,
      tpu.vector_store %arg11[%swap3A_461], %add3A_460 {strides = array<i32>} : memref<640xf32, #tpu.memory_space<vmem>>, vector<16xf32>,
      %get3A_463 = arith.constant 240 : index
      %get3A_464 = tpu.vector_load %arg11[%get3A_463] {strides = array<i32>} : memref<640xf32, #tpu.memory_space<vmem>>, vector<16xf32>,
      %get3A_465 = arith.constant 240 : index
      %get3A_466 = tpu.vector_load %arg13[%get3A_465] {strides = array<i32>} : memref<640xf32, #tpu.memory_space<vmem>>, vector<16xf32>,
      %add3A_467 = arith.addf %get3A_464, %get3A_466 : vector<16xf32>
      %swap3A_468 = arith.constant 240 : index
      %swap3A_469 = tpu.vector_load %arg11[%swap3A_468] {strides = array<i32>} : memref<640xf32, #tpu.memory_space<vmem>>, vector<16xf32>,
      tpu.vector_store %arg11[%swap3A_468], %add3A_467 {strides = array<i32>} : memref<640xf32, #tpu.memory_space<vmem>>, vector<16xf32>,
      %get3A_470 = arith.constant 256 : index
      %get3A_471 = tpu.vector_load %arg11[%get3A_470] {strides = array<i32>} : memref<640xf32, #tpu.memory_space<vmem>>, vector<16xf32>,
      %get3A_472 = arith.constant 256 : index
      %get3A_473 = tpu.vector_load %arg13[%get3A_472] {strides = array<i32>} : memref<640xf32, #tpu.memory_space<vmem>>, vector<16xf32>,
      %add3A_474 = arith.addf %get3A_471, %get3A_473 : vector<16xf32>
      %swap3A_475 = arith.constant 256 : index
      %swap3A_476 = tpu.vector_load %arg11[%swap3A_475] {strides = array<i32>} : memref<640xf32, #tpu.memory_space<vmem>>, vector<16xf32>,
      tpu.vector_store %arg11[%swap3A_475], %add3A_474 {strides = array<i32>} : memref<640xf32, #tpu.memory_space<vmem>>, vector<16xf32>,
      %get3A_477 = arith.constant 272 : index
      %get3A_478 = tpu.vector_load %arg11[%get3A_477] {strides = array<i32>} : memref<640xf32, #tpu.memory_space<vmem>>, vector<16xf32>,
      %get3A_479 = arith.constant 272 : index
      %get3A_480 = tpu.vector_load %arg13[%get3A_479] {strides = array<i32>} : memref<640xf32, #tpu.memory_space<vmem>>, vector<16xf32>,
      %add3A_481 = arith.addf %get3A_478, %get3A_480 : vector<16xf32>
      %swap3A_482 = arith.constant 272 : index
      %swap3A_483 = tpu.vector_load %arg11[%swap3A_482] {strides = array<i32>} : memref<640xf32, #tpu.memory_space<vmem>>, vector<16xf32>,
      tpu.vector_store %arg11[%swap3A_482], %add3A_481 {strides = array<i32>} : memref<640xf32, #tpu.memory_space<vmem>>, vector<16xf32>,
      %get3A_484 = arith.constant 288 : index
      %get3A_485 = tpu.vector_load %arg11[%get3A_484] {strides = array<i32>} : memref<640xf32, #tpu.memory_space<vmem>>, vector<16xf32>,
      %get3A_486 = arith.constant 288 : index
      %get3A_487 = tpu.vector_load %arg13[%get3A_486] {strides = array<i32>} : memref<640xf32, #tpu.memory_space<vmem>>, vector<16xf32>,
      %add3A_488 = arith.addf %get3A_485, %get3A_487 : vector<16xf32>
      %swap3A_489 = arith.constant 288 : index
      %swap3A_490 = tpu.vector_load %arg11[%swap3A_489] {strides = array<i32>} : memref<640xf32, #tpu.memory_space<vmem>>, vector<16xf32>,
      tpu.vector_store %arg11[%swap3A_489], %add3A_488 {strides = array<i32>} : memref<640xf32, #tpu.memory_space<vmem>>, vector<16xf32>,
      %get3A_491 = arith.constant 304 : index
      %get3A_492 = tpu.vector_load %arg11[%get3A_491] {strides = array<i32>} : memref<640xf32, #tpu.memory_space<vmem>>, vector<16xf32>,
      %get3A_493 = arith.constant 304 : index
      %get3A_494 = tpu.vector_load %arg13[%get3A_493] {strides = array<i32>} : memref<640xf32, #tpu.memory_space<vmem>>, vector<16xf32>,
      %add3A_495 = arith.addf %get3A_492, %get3A_494 : vector<16xf32>
      %swap3A_496 = arith.constant 304 : index
      %swap3A_497 = tpu.vector_load %arg11[%swap3A_496] {strides = array<i32>} : memref<640xf32, #tpu.memory_space<vmem>>, vector<16xf32>,
      tpu.vector_store %arg11[%swap3A_496], %add3A_495 {strides = array<i32>} : memref<640xf32, #tpu.memory_space<vmem>>, vector<16xf32>,
      %get3A_498 = arith.constant 320 : index
      %get3A_499 = tpu.vector_load %arg11[%get3A_498] {strides = array<i32>} : memref<640xf32, #tpu.memory_space<vmem>>, vector<16xf32>,
      %get3A_500 = arith.constant 320 : index
      %get3A_501 = tpu.vector_load %arg13[%get3A_500] {strides = array<i32>} : memref<640xf32, #tpu.memory_space<vmem>>, vector<16xf32>,
      %add3A_502 = arith.addf %get3A_499, %get3A_501 : vector<16xf32>
      %swap3A_503 = arith.constant 320 : index
      %swap3A_504 = tpu.vector_load %arg11[%swap3A_503] {strides = array<i32>} : memref<640xf32, #tpu.memory_space<vmem>>, vector<16xf32>,
      tpu.vector_store %arg11[%swap3A_503], %add3A_502 {strides = array<i32>} : memref<640xf32, #tpu.memory_space<vmem>>, vector<16xf32>,
      %get3A_505 = arith.constant 336 : index
      %get3A_506 = tpu.vector_load %arg11[%get3A_505] {strides = array<i32>} : memref<640xf32, #tpu.memory_space<vmem>>, vector<16xf32>,
      %get3A_507 = arith.constant 336 : index
      %get3A_508 = tpu.vector_load %arg13[%get3A_507] {strides = array<i32>} : memref<640xf32, #tpu.memory_space<vmem>>, vector<16xf32>,
      %add3A_509 = arith.addf %get3A_506, %get3A_508 : vector<16xf32>
      %swap3A_510 = arith.constant 336 : index
      %swap3A_511 = tpu.vector_load %arg11[%swap3A_510] {strides = array<i32>} : memref<640xf32, #tpu.memory_space<vmem>>, vector<16xf32>,
      tpu.vector_store %arg11[%swap3A_510], %add3A_509 {strides = array<i32>} : memref<640xf32, #tpu.memory_space<vmem>>, vector<16xf32>,
      %get3A_512 = arith.constant 352 : index
      %get3A_513 = tpu.vector_load %arg11[%get3A_512] {strides = array<i32>} : memref<640xf32, #tpu.memory_space<vmem>>, vector<16xf32>,
      %get3A_514 = arith.constant 352 : index
      %get3A_515 = tpu.vector_load %arg13[%get3A_514] {strides = array<i32>} : memref<640xf32, #tpu.memory_space<vmem>>, vector<16xf32>,
      %add3A_516 = arith.addf %get3A_513, %get3A_515 : vector<16xf32>
      %swap3A_517 = arith.constant 352 : index
      %swap3A_518 = tpu.vector_load %arg11[%swap3A_517] {strides = array<i32>} : memref<640xf32, #tpu.memory_space<vmem>>, vector<16xf32>,
      tpu.vector_store %arg11[%swap3A_517], %add3A_516 {strides = array<i32>} : memref<640xf32, #tpu.memory_space<vmem>>, vector<16xf32>,
      %get3A_519 = arith.constant 368 : index
      %get3A_520 = tpu.vector_load %arg11[%get3A_519] {strides = array<i32>} : memref<640xf32, #tpu.memory_space<vmem>>, vector<16xf32>,
      %get3A_521 = arith.constant 368 : index
      %get3A_522 = tpu.vector_load %arg13[%get3A_521] {strides = array<i32>} : memref<640xf32, #tpu.memory_space<vmem>>, vector<16xf32>,
      %add3A_523 = arith.addf %get3A_520, %get3A_522 : vector<16xf32>
      %swap3A_524 = arith.constant 368 : index
      %swap3A_525 = tpu.vector_load %arg11[%swap3A_524] {strides = array<i32>} : memref<640xf32, #tpu.memory_space<vmem>>, vector<16xf32>,
      tpu.vector_store %arg11[%swap3A_524], %add3A_523 {strides = array<i32>} : memref<640xf32, #tpu.memory_space<vmem>>, vector<16xf32>,
      %get3A_526 = arith.constant 384 : index
      %get3A_527 = tpu.vector_load %arg11[%get3A_526] {strides = array<i32>} : memref<640xf32, #tpu.memory_space<vmem>>, vector<16xf32>,
      %get3A_528 = arith.constant 384 : index
      %get3A_529 = tpu.vector_load %arg13[%get3A_528] {strides = array<i32>} : memref<640xf32, #tpu.memory_space<vmem>>, vector<16xf32>,
      %add3A_530 = arith.addf %get3A_527, %get3A_529 : vector<16xf32>
      %swap3A_531 = arith.constant 384 : index
      %swap3A_532 = tpu.vector_load %arg11[%swap3A_531] {strides = array<i32>} : memref<640xf32, #tpu.memory_space<vmem>>, vector<16xf32>,
      tpu.vector_store %arg11[%swap3A_531], %add3A_530 {strides = array<i32>} : memref<640xf32, #tpu.memory_space<vmem>>, vector<16xf32>,
      %get3A_533 = arith.constant 400 : index
      %get3A_534 = tpu.vector_load %arg11[%get3A_533] {strides = array<i32>} : memref<640xf32, #tpu.memory_space<vmem>>, vector<16xf32>,
      %get3A_535 = arith.constant 400 : index
      %get3A_536 = tpu.vector_load %arg13[%get3A_535] {strides = array<i32>} : memref<640xf32, #tpu.memory_space<vmem>>, vector<16xf32>,
      %add3A_537 = arith.addf %get3A_534, %get3A_536 : vector<16xf32>
      %swap3A_538 = arith.constant 400 : index
      %swap3A_539 = tpu.vector_load %arg11[%swap3A_538] {strides = array<i32>} : memref<640xf32, #tpu.memory_space<vmem>>, vector<16xf32>,
      tpu.vector_store %arg11[%swap3A_538], %add3A_537 {strides = array<i32>} : memref<640xf32, #tpu.memory_space<vmem>>, vector<16xf32>,
      %get3A_540 = arith.constant 416 : index
      %get3A_541 = tpu.vector_load %arg11[%get3A_540] {strides = array<i32>} : memref<640xf32, #tpu.memory_space<vmem>>, vector<16xf32>,
      %get3A_542 = arith.constant 416 : index
      %get3A_543 = tpu.vector_load %arg13[%get3A_542] {strides = array<i32>} : memref<640xf32, #tpu.memory_space<vmem>>, vector<16xf32>,
      %add3A_544 = arith.addf %get3A_541, %get3A_543 : vector<16xf32>
      %swap3A_545 = arith.constant 416 : index
      %swap3A_546 = tpu.vector_load %arg11[%swap3A_545] {strides = array<i32>} : memref<640xf32, #tpu.memory_space<vmem>>, vector<16xf32>,
      tpu.vector_store %arg11[%swap3A_545], %add3A_544 {strides = array<i32>} : memref<640xf32, #tpu.memory_space<vmem>>, vector<16xf32>,
      %get3A_547 = arith.constant 432 : index
      %get3A_548 = tpu.vector_load %arg11[%get3A_547] {strides = array<i32>} : memref<640xf32, #tpu.memory_space<vmem>>, vector<16xf32>,
      %get3A_549 = arith.constant 432 : index
      %get3A_550 = tpu.vector_load %arg13[%get3A_549] {strides = array<i32>} : memref<640xf32, #tpu.memory_space<vmem>>, vector<16xf32>,
      %add3A_551 = arith.addf %get3A_548, %get3A_550 : vector<16xf32>
      %swap3A_552 = arith.constant 432 : index
      %swap3A_553 = tpu.vector_load %arg11[%swap3A_552] {strides = array<i32>} : memref<640xf32, #tpu.memory_space<vmem>>, vector<16xf32>,
      tpu.vector_store %arg11[%swap3A_552], %add3A_551 {strides = array<i32>} : memref<640xf32, #tpu.memory_space<vmem>>, vector<16xf32>,
      %get3A_554 = arith.constant 448 : index
      %get3A_555 = tpu.vector_load %arg11[%get3A_554] {strides = array<i32>} : memref<640xf32, #tpu.memory_space<vmem>>, vector<16xf32>,
      %get3A_556 = arith.constant 448 : index
      %get3A_557 = tpu.vector_load %arg13[%get3A_556] {strides = array<i32>} : memref<640xf32, #tpu.memory_space<vmem>>, vector<16xf32>,
      %add3A_558 = arith.addf %get3A_555, %get3A_557 : vector<16xf32>
      %swap3A_559 = arith.constant 448 : index
      %swap3A_560 = tpu.vector_load %arg11[%swap3A_559] {strides = array<i32>} : memref<640xf32, #tpu.memory_space<vmem>>, vector<16xf32>,
      tpu.vector_store %arg11[%swap3A_559], %add3A_558 {strides = array<i32>} : memref<640xf32, #tpu.memory_space<vmem>>, vector<16xf32>,
      %get3A_561 = arith.constant 464 : index
      %get3A_562 = tpu.vector_load %arg11[%get3A_561] {strides = array<i32>} : memref<640xf32, #tpu.memory_space<vmem>>, vector<16xf32>,
      %get3A_563 = arith.constant 464 : index
      %get3A_564 = tpu.vector_load %arg13[%get3A_563] {strides = array<i32>} : memref<640xf32, #tpu.memory_space<vmem>>, vector<16xf32>,
      %add3A_565 = arith.addf %get3A_562, %get3A_564 : vector<16xf32>
      %swap3A_566 = arith.constant 464 : index
      %swap3A_567 = tpu.vector_load %arg11[%swap3A_566] {strides = array<i32>} : memref<640xf32, #tpu.memory_space<vmem>>, vector<16xf32>,
      tpu.vector_store %arg11[%swap3A_566], %add3A_565 {strides = array<i32>} : memref<640xf32, #tpu.memory_space<vmem>>, vector<16xf32>,
      %get3A_568 = arith.constant 480 : index
      %get3A_569 = tpu.vector_load %arg11[%get3A_568] {strides = array<i32>} : memref<640xf32, #tpu.memory_space<vmem>>, vector<16xf32>,
      %get3A_570 = arith.constant 480 : index
      %get3A_571 = tpu.vector_load %arg13[%get3A_570] {strides = array<i32>} : memref<640xf32, #tpu.memory_space<vmem>>, vector<16xf32>,
      %add3A_572 = arith.addf %get3A_569, %get3A_571 : vector<16xf32>
      %swap3A_573 = arith.constant 480 : index
      %swap3A_574 = tpu.vector_load %arg11[%swap3A_573] {strides = array<i32>} : memref<640xf32, #tpu.memory_space<vmem>>, vector<16xf32>,
      tpu.vector_store %arg11[%swap3A_573], %add3A_572 {strides = array<i32>} : memref<640xf32, #tpu.memory_space<vmem>>, vector<16xf32>,
      %get3A_575 = arith.constant 496 : index
      %get3A_576 = tpu.vector_load %arg11[%get3A_575] {strides = array<i32>} : memref<640xf32, #tpu.memory_space<vmem>>, vector<16xf32>,
      %get3A_577 = arith.constant 496 : index
      %get3A_578 = tpu.vector_load %arg13[%get3A_577] {strides = array<i32>} : memref<640xf32, #tpu.memory_space<vmem>>, vector<16xf32>,
      %add3A_579 = arith.addf %get3A_576, %get3A_578 : vector<16xf32>
      %swap3A_580 = arith.constant 496 : index
      %swap3A_581 = tpu.vector_load %arg11[%swap3A_580] {strides = array<i32>} : memref<640xf32, #tpu.memory_space<vmem>>, vector<16xf32>,
      tpu.vector_store %arg11[%swap3A_580], %add3A_579 {strides = array<i32>} : memref<640xf32, #tpu.memory_space<vmem>>, vector<16xf32>,
      %get3A_582 = arith.constant 512 : index
      %get3A_583 = tpu.vector_load %arg11[%get3A_582] {strides = array<i32>} : memref<640xf32, #tpu.memory_space<vmem>>, vector<16xf32>,
      %get3A_584 = arith.constant 512 : index
      %get3A_585 = tpu.vector_load %arg13[%get3A_584] {strides = array<i32>} : memref<640xf32, #tpu.memory_space<vmem>>, vector<16xf32>,
      %add3A_586 = arith.addf %get3A_583, %get3A_585 : vector<16xf32>
      %swap3A_587 = arith.constant 512 : index
      %swap3A_588 = tpu.vector_load %arg11[%swap3A_587] {strides = array<i32>} : memref<640xf32, #tpu.memory_space<vmem>>, vector<16xf32>,
      tpu.vector_store %arg11[%swap3A_587], %add3A_586 {strides = array<i32>} : memref<640xf32, #tpu.memory_space<vmem>>, vector<16xf32>,
      %get3A_589 = arith.constant 528 : index
      %get3A_590 = tpu.vector_load %arg11[%get3A_589] {strides = array<i32>} : memref<640xf32, #tpu.memory_space<vmem>>, vector<16xf32>,
      %get3A_591 = arith.constant 528 : index
      %get3A_592 = tpu.vector_load %arg13[%get3A_591] {strides = array<i32>} : memref<640xf32, #tpu.memory_space<vmem>>, vector<16xf32>,
      %add3A_593 = arith.addf %get3A_590, %get3A_592 : vector<16xf32>
      %swap3A_594 = arith.constant 528 : index
      %swap3A_595 = tpu.vector_load %arg11[%swap3A_594] {strides = array<i32>} : memref<640xf32, #tpu.memory_space<vmem>>, vector<16xf32>,
      tpu.vector_store %arg11[%swap3A_594], %add3A_593 {strides = array<i32>} : memref<640xf32, #tpu.memory_space<vmem>>, vector<16xf32>,
      %get3A_596 = arith.constant 544 : index
      %get3A_597 = tpu.vector_load %arg11[%get3A_596] {strides = array<i32>} : memref<640xf32, #tpu.memory_space<vmem>>, vector<16xf32>,
      %get3A_598 = arith.constant 544 : index
      %get3A_599 = tpu.vector_load %arg13[%get3A_598] {strides = array<i32>} : memref<640xf32, #tpu.memory_space<vmem>>, vector<16xf32>,
      %add3A_600 = arith.addf %get3A_597, %get3A_599 : vector<16xf32>
      %swap3A_601 = arith.constant 544 : index
      %swap3A_602 = tpu.vector_load %arg11[%swap3A_601] {strides = array<i32>} : memref<640xf32, #tpu.memory_space<vmem>>, vector<16xf32>,
      tpu.vector_store %arg11[%swap3A_601], %add3A_600 {strides = array<i32>} : memref<640xf32, #tpu.memory_space<vmem>>, vector<16xf32>,
      %get3A_603 = arith.constant 560 : index
      %get3A_604 = tpu.vector_load %arg11[%get3A_603] {strides = array<i32>} : memref<640xf32, #tpu.memory_space<vmem>>, vector<16xf32>,
      %get3A_605 = arith.constant 560 : index
      %get3A_606 = tpu.vector_load %arg13[%get3A_605] {strides = array<i32>} : memref<640xf32, #tpu.memory_space<vmem>>, vector<16xf32>,
      %add3A_607 = arith.addf %get3A_604, %get3A_606 : vector<16xf32>
      %swap3A_608 = arith.constant 560 : index
      %swap3A_609 = tpu.vector_load %arg11[%swap3A_608] {strides = array<i32>} : memref<640xf32, #tpu.memory_space<vmem>>, vector<16xf32>,
      tpu.vector_store %arg11[%swap3A_608], %add3A_607 {strides = array<i32>} : memref<640xf32, #tpu.memory_space<vmem>>, vector<16xf32>,
      %get3A_610 = arith.constant 576 : index
      %get3A_611 = tpu.vector_load %arg11[%get3A_610] {strides = array<i32>} : memref<640xf32, #tpu.memory_space<vmem>>, vector<16xf32>,
      %get3A_612 = arith.constant 576 : index
      %get3A_613 = tpu.vector_load %arg13[%get3A_612] {strides = array<i32>} : memref<640xf32, #tpu.memory_space<vmem>>, vector<16xf32>,
      %add3A_614 = arith.addf %get3A_611, %get3A_613 : vector<16xf32>
      %swap3A_615 = arith.constant 576 : index
      %swap3A_616 = tpu.vector_load %arg11[%swap3A_615] {strides = array<i32>} : memref<640xf32, #tpu.memory_space<vmem>>, vector<16xf32>,
      tpu.vector_store %arg11[%swap3A_615], %add3A_614 {strides = array<i32>} : memref<640xf32, #tpu.memory_space<vmem>>, vector<16xf32>,
      %get3A_617 = arith.constant 592 : index
      %get3A_618 = tpu.vector_load %arg11[%get3A_617] {strides = array<i32>} : memref<640xf32, #tpu.memory_space<vmem>>, vector<16xf32>,
      %get3A_619 = arith.constant 592 : index
      %get3A_620 = tpu.vector_load %arg13[%get3A_619] {strides = array<i32>} : memref<640xf32, #tpu.memory_space<vmem>>, vector<16xf32>,
      %add3A_621 = arith.addf %get3A_618, %get3A_620 : vector<16xf32>
      %swap3A_622 = arith.constant 592 : index
      %swap3A_623 = tpu.vector_load %arg11[%swap3A_622] {strides = array<i32>} : memref<640xf32, #tpu.memory_space<vmem>>, vector<16xf32>,
      tpu.vector_store %arg11[%swap3A_622], %add3A_621 {strides = array<i32>} : memref<640xf32, #tpu.memory_space<vmem>>, vector<16xf32>,
      %get3A_624 = arith.constant 608 : index
      %get3A_625 = tpu.vector_load %arg11[%get3A_624] {strides = array<i32>} : memref<640xf32, #tpu.memory_space<vmem>>, vector<16xf32>,
      %get3A_626 = arith.constant 608 : index
      %get3A_627 = tpu.vector_load %arg13[%get3A_626] {strides = array<i32>} : memref<640xf32, #tpu.memory_space<vmem>>, vector<16xf32>,
      %add3A_628 = arith.addf %get3A_625, %get3A_627 : vector<16xf32>
      %swap3A_629 = arith.constant 608 : index
      %swap3A_630 = tpu.vector_load %arg11[%swap3A_629] {strides = array<i32>} : memref<640xf32, #tpu.memory_space<vmem>>, vector<16xf32>,
      tpu.vector_store %arg11[%swap3A_629], %add3A_628 {strides = array<i32>} : memref<640xf32, #tpu.memory_space<vmem>>, vector<16xf32>,
      %get3A_631 = arith.constant 624 : index
      %get3A_632 = tpu.vector_load %arg11[%get3A_631] {strides = array<i32>} : memref<640xf32, #tpu.memory_space<vmem>>, vector<16xf32>,
      %get3A_633 = arith.constant 624 : index
      %get3A_634 = tpu.vector_load %arg13[%get3A_633] {strides = array<i32>} : memref<640xf32, #tpu.memory_space<vmem>>, vector<16xf32>,
      %add3A_635 = arith.addf %get3A_632, %get3A_634 : vector<16xf32>
      %swap3A_636 = arith.constant 624 : index
      %swap3A_637 = tpu.vector_load %arg11[%swap3A_636] {strides = array<i32>} : memref<640xf32, #tpu.memory_space<vmem>>, vector<16xf32>,
      tpu.vector_store %arg11[%swap3A_636], %add3A_635 {strides = array<i32>} : memref<640xf32, #tpu.memory_space<vmem>>, vector<16xf32>,
      %add3A_638 = arith.constant 8 : i32
      %add3A_639 = arith.addi %rem3A_0, %add3A_638 : i32
      "tpu.region"() ({
        %run_scoped3A = tpu.sem_alloc : memref<!tpu.dma_semaphore, #tpu.memory_space<semaphore_mem>>
        %dma_start3A_1486 = arith.constant 0 : i32
        %dma_start3A_1487 = tpu.memref_slice %arg15[%add3A_639, %dma_start3A_1486] : memref<16x640xf32, #tpu.memory_space<vmem_shared>> -> memref<1x640xf32, #tpu.memory_space<vmem_shared>>
        %dma_start3A_1488 = tpu.memref_squeeze %dma_start3A_1487 : memref<1x640xf32, #tpu.memory_space<vmem_shared>> -> memref<640xf32, #tpu.memory_space<vmem_shared>>
        %dma_start3A_1489 = arith.constant 0 : i32
        %dma_start3A_1490 = tpu.memref_slice %arg15[%add3A_639, %dma_start3A_1489] : memref<16x640xf32, #tpu.memory_space<vmem_shared>> -> memref<1x640xf32, #tpu.memory_space<vmem_shared>>
        %dma_start3A_1491 = tpu.memref_squeeze %dma_start3A_1490 : memref<1x640xf32, #tpu.memory_space<vmem_shared>> -> memref<640xf32, #tpu.memory_space<vmem_shared>>
        tpu.enqueue_dma source(%dma_start3A_1491 : memref<640xf32, #tpu.memory_space<vmem_shared>>) target(%arg13 : memref<640xf32, #tpu.memory_space<vmem>>) target_semaphore(%run_scoped3A : memref<!tpu.dma_semaphore, #tpu.memory_space<semaphore_mem>>)
        %dma_wait3A_1492 = arith.constant 0 : i32
        %dma_wait3A_1493 = tpu.memref_slice %arg15[%add3A_639, %dma_wait3A_1492] : memref<16x640xf32, #tpu.memory_space<vmem_shared>> -> memref<1x640xf32, #tpu.memory_space<vmem_shared>>
        %dma_wait3A_1494 = tpu.memref_squeeze %dma_wait3A_1493 : memref<1x640xf32, #tpu.memory_space<vmem_shared>> -> memref<640xf32, #tpu.memory_space<vmem_shared>>
        %dma_wait3A_1495 = arith.constant 0 : i32
        %dma_wait3A_1496 = tpu.memref_slice %arg15[%add3A_639, %dma_wait3A_1495] : memref<16x640xf32, #tpu.memory_space<vmem_shared>> -> memref<1x640xf32, #tpu.memory_space<vmem_shared>>
        %dma_wait3A_1497 = tpu.memref_squeeze %dma_wait3A_1496 : memref<1x640xf32, #tpu.memory_space<vmem_shared>> -> memref<640xf32, #tpu.memory_space<vmem_shared>>
        tpu.wait_dma2 semaphore(%run_scoped3A : memref<!tpu.dma_semaphore, #tpu.memory_space<semaphore_mem>>) src(%dma_wait3A_1497 : memref<640xf32, #tpu.memory_space<vmem_shared>>) dst(%arg13 : memref<640xf32, #tpu.memory_space<vmem>>)
        tpu.yield
      }) : () -> ()
      %get3A_640 = arith.constant 0 : index
      %get3A_641 = tpu.vector_load %arg11[%get3A_640] {strides = array<i32>} : memref<640xf32, #tpu.memory_space<vmem>>, vector<16xf32>,
      %get3A_642 = arith.constant 0 : index
      %get3A_643 = tpu.vector_load %arg13[%get3A_642] {strides = array<i32>} : memref<640xf32, #tpu.memory_space<vmem>>, vector<16xf32>,
      %add3A_644 = arith.addf %get3A_641, %get3A_643 : vector<16xf32>
      %swap3A_645 = arith.constant 0 : index
      %swap3A_646 = tpu.vector_load %arg11[%swap3A_645] {strides = array<i32>} : memref<640xf32, #tpu.memory_space<vmem>>, vector<16xf32>,
      tpu.vector_store %arg11[%swap3A_645], %add3A_644 {strides = array<i32>} : memref<640xf32, #tpu.memory_space<vmem>>, vector<16xf32>,
      %get3A_647 = arith.constant 16 : index
      %get3A_648 = tpu.vector_load %arg11[%get3A_647] {strides = array<i32>} : memref<640xf32, #tpu.memory_space<vmem>>, vector<16xf32>,
      %get3A_649 = arith.constant 16 : index
      %get3A_650 = tpu.vector_load %arg13[%get3A_649] {strides = array<i32>} : memref<640xf32, #tpu.memory_space<vmem>>, vector<16xf32>,
      %add3A_651 = arith.addf %get3A_648, %get3A_650 : vector<16xf32>
      %swap3A_652 = arith.constant 16 : index
      %swap3A_653 = tpu.vector_load %arg11[%swap3A_652] {strides = array<i32>} : memref<640xf32, #tpu.memory_space<vmem>>, vector<16xf32>,
      tpu.vector_store %arg11[%swap3A_652], %add3A_651 {strides = array<i32>} : memref<640xf32, #tpu.memory_space<vmem>>, vector<16xf32>,
      %get3A_654 = arith.constant 32 : index
      %get3A_655 = tpu.vector_load %arg11[%get3A_654] {strides = array<i32>} : memref<640xf32, #tpu.memory_space<vmem>>, vector<16xf32>,
      %get3A_656 = arith.constant 32 : index
      %get3A_657 = tpu.vector_load %arg13[%get3A_656] {strides = array<i32>} : memref<640xf32, #tpu.memory_space<vmem>>, vector<16xf32>,
      %add3A_658 = arith.addf %get3A_655, %get3A_657 : vector<16xf32>
      %swap3A_659 = arith.constant 32 : index
      %swap3A_660 = tpu.vector_load %arg11[%swap3A_659] {strides = array<i32>} : memref<640xf32, #tpu.memory_space<vmem>>, vector<16xf32>,
      tpu.vector_store %arg11[%swap3A_659], %add3A_658 {strides = array<i32>} : memref<640xf32, #tpu.memory_space<vmem>>, vector<16xf32>,
      %get3A_661 = arith.constant 48 : index
      %get3A_662 = tpu.vector_load %arg11[%get3A_661] {strides = array<i32>} : memref<640xf32, #tpu.memory_space<vmem>>, vector<16xf32>,
      %get3A_663 = arith.constant 48 : index
      %get3A_664 = tpu.vector_load %arg13[%get3A_663] {strides = array<i32>} : memref<640xf32, #tpu.memory_space<vmem>>, vector<16xf32>,
      %add3A_665 = arith.addf %get3A_662, %get3A_664 : vector<16xf32>
      %swap3A_666 = arith.constant 48 : index
      %swap3A_667 = tpu.vector_load %arg11[%swap3A_666] {strides = array<i32>} : memref<640xf32, #tpu.memory_space<vmem>>, vector<16xf32>,
      tpu.vector_store %arg11[%swap3A_666], %add3A_665 {strides = array<i32>} : memref<640xf32, #tpu.memory_space<vmem>>, vector<16xf32>,
      %get3A_668 = arith.constant 64 : index
      %get3A_669 = tpu.vector_load %arg11[%get3A_668] {strides = array<i32>} : memref<640xf32, #tpu.memory_space<vmem>>, vector<16xf32>,
      %get3A_670 = arith.constant 64 : index
      %get3A_671 = tpu.vector_load %arg13[%get3A_670] {strides = array<i32>} : memref<640xf32, #tpu.memory_space<vmem>>, vector<16xf32>,
      %add3A_672 = arith.addf %get3A_669, %get3A_671 : vector<16xf32>
      %swap3A_673 = arith.constant 64 : index
      %swap3A_674 = tpu.vector_load %arg11[%swap3A_673] {strides = array<i32>} : memref<640xf32, #tpu.memory_space<vmem>>, vector<16xf32>,
      tpu.vector_store %arg11[%swap3A_673], %add3A_672 {strides = array<i32>} : memref<640xf32, #tpu.memory_space<vmem>>, vector<16xf32>,
      %get3A_675 = arith.constant 80 : index
      %get3A_676 = tpu.vector_load %arg11[%get3A_675] {strides = array<i32>} : memref<640xf32, #tpu.memory_space<vmem>>, vector<16xf32>,
      %get3A_677 = arith.constant 80 : index
      %get3A_678 = tpu.vector_load %arg13[%get3A_677] {strides = array<i32>} : memref<640xf32, #tpu.memory_space<vmem>>, vector<16xf32>,
      %add3A_679 = arith.addf %get3A_676, %get3A_678 : vector<16xf32>
      %swap3A_680 = arith.constant 80 : index
      %swap3A_681 = tpu.vector_load %arg11[%swap3A_680] {strides = array<i32>} : memref<640xf32, #tpu.memory_space<vmem>>, vector<16xf32>,
      tpu.vector_store %arg11[%swap3A_680], %add3A_679 {strides = array<i32>} : memref<640xf32, #tpu.memory_space<vmem>>, vector<16xf32>,
      %get3A_682 = arith.constant 96 : index
      %get3A_683 = tpu.vector_load %arg11[%get3A_682] {strides = array<i32>} : memref<640xf32, #tpu.memory_space<vmem>>, vector<16xf32>,
      %get3A_684 = arith.constant 96 : index
      %get3A_685 = tpu.vector_load %arg13[%get3A_684] {strides = array<i32>} : memref<640xf32, #tpu.memory_space<vmem>>, vector<16xf32>,
      %add3A_686 = arith.addf %get3A_683, %get3A_685 : vector<16xf32>
      %swap3A_687 = arith.constant 96 : index
      %swap3A_688 = tpu.vector_load %arg11[%swap3A_687] {strides = array<i32>} : memref<640xf32, #tpu.memory_space<vmem>>, vector<16xf32>,
      tpu.vector_store %arg11[%swap3A_687], %add3A_686 {strides = array<i32>} : memref<640xf32, #tpu.memory_space<vmem>>, vector<16xf32>,
      %get3A_689 = arith.constant 112 : index
      %get3A_690 = tpu.vector_load %arg11[%get3A_689] {strides = array<i32>} : memref<640xf32, #tpu.memory_space<vmem>>, vector<16xf32>,
      %get3A_691 = arith.constant 112 : index
      %get3A_692 = tpu.vector_load %arg13[%get3A_691] {strides = array<i32>} : memref<640xf32, #tpu.memory_space<vmem>>, vector<16xf32>,
      %add3A_693 = arith.addf %get3A_690, %get3A_692 : vector<16xf32>
      %swap3A_694 = arith.constant 112 : index
      %swap3A_695 = tpu.vector_load %arg11[%swap3A_694] {strides = array<i32>} : memref<640xf32, #tpu.memory_space<vmem>>, vector<16xf32>,
      tpu.vector_store %arg11[%swap3A_694], %add3A_693 {strides = array<i32>} : memref<640xf32, #tpu.memory_space<vmem>>, vector<16xf32>,
      %get3A_696 = arith.constant 128 : index
      %get3A_697 = tpu.vector_load %arg11[%get3A_696] {strides = array<i32>} : memref<640xf32, #tpu.memory_space<vmem>>, vector<16xf32>,
      %get3A_698 = arith.constant 128 : index
      %get3A_699 = tpu.vector_load %arg13[%get3A_698] {strides = array<i32>} : memref<640xf32, #tpu.memory_space<vmem>>, vector<16xf32>,
      %add3A_700 = arith.addf %get3A_697, %get3A_699 : vector<16xf32>
      %swap3A_701 = arith.constant 128 : index
      %swap3A_702 = tpu.vector_load %arg11[%swap3A_701] {strides = array<i32>} : memref<640xf32, #tpu.memory_space<vmem>>, vector<16xf32>,
      tpu.vector_store %arg11[%swap3A_701], %add3A_700 {strides = array<i32>} : memref<640xf32, #tpu.memory_space<vmem>>, vector<16xf32>,
      %get3A_703 = arith.constant 144 : index
      %get3A_704 = tpu.vector_load %arg11[%get3A_703] {strides = array<i32>} : memref<640xf32, #tpu.memory_space<vmem>>, vector<16xf32>,
      %get3A_705 = arith.constant 144 : index
      %get3A_706 = tpu.vector_load %arg13[%get3A_705] {strides = array<i32>} : memref<640xf32, #tpu.memory_space<vmem>>, vector<16xf32>,
      %add3A_707 = arith.addf %get3A_704, %get3A_706 : vector<16xf32>
      %swap3A_708 = arith.constant 144 : index
      %swap3A_709 = tpu.vector_load %arg11[%swap3A_708] {strides = array<i32>} : memref<640xf32, #tpu.memory_space<vmem>>, vector<16xf32>,
      tpu.vector_store %arg11[%swap3A_708], %add3A_707 {strides = array<i32>} : memref<640xf32, #tpu.memory_space<vmem>>, vector<16xf32>,
      %get3A_710 = arith.constant 160 : index
      %get3A_711 = tpu.vector_load %arg11[%get3A_710] {strides = array<i32>} : memref<640xf32, #tpu.memory_space<vmem>>, vector<16xf32>,
      %get3A_712 = arith.constant 160 : index
      %get3A_713 = tpu.vector_load %arg13[%get3A_712] {strides = array<i32>} : memref<640xf32, #tpu.memory_space<vmem>>, vector<16xf32>,
      %add3A_714 = arith.addf %get3A_711, %get3A_713 : vector<16xf32>
      %swap3A_715 = arith.constant 160 : index
      %swap3A_716 = tpu.vector_load %arg11[%swap3A_715] {strides = array<i32>} : memref<640xf32, #tpu.memory_space<vmem>>, vector<16xf32>,
      tpu.vector_store %arg11[%swap3A_715], %add3A_714 {strides = array<i32>} : memref<640xf32, #tpu.memory_space<vmem>>, vector<16xf32>,
      %get3A_717 = arith.constant 176 : index
      %get3A_718 = tpu.vector_load %arg11[%get3A_717] {strides = array<i32>} : memref<640xf32, #tpu.memory_space<vmem>>, vector<16xf32>,
      %get3A_719 = arith.constant 176 : index
      %get3A_720 = tpu.vector_load %arg13[%get3A_719] {strides = array<i32>} : memref<640xf32, #tpu.memory_space<vmem>>, vector<16xf32>,
      %add3A_721 = arith.addf %get3A_718, %get3A_720 : vector<16xf32>
      %swap3A_722 = arith.constant 176 : index
      %swap3A_723 = tpu.vector_load %arg11[%swap3A_722] {strides = array<i32>} : memref<640xf32, #tpu.memory_space<vmem>>, vector<16xf32>,
      tpu.vector_store %arg11[%swap3A_722], %add3A_721 {strides = array<i32>} : memref<640xf32, #tpu.memory_space<vmem>>, vector<16xf32>,
      %get3A_724 = arith.constant 192 : index
      %get3A_725 = tpu.vector_load %arg11[%get3A_724] {strides = array<i32>} : memref<640xf32, #tpu.memory_space<vmem>>, vector<16xf32>,
      %get3A_726 = arith.constant 192 : index
      %get3A_727 = tpu.vector_load %arg13[%get3A_726] {strides = array<i32>} : memref<640xf32, #tpu.memory_space<vmem>>, vector<16xf32>,
      %add3A_728 = arith.addf %get3A_725, %get3A_727 : vector<16xf32>
      %swap3A_729 = arith.constant 192 : index
      %swap3A_730 = tpu.vector_load %arg11[%swap3A_729] {strides = array<i32>} : memref<640xf32, #tpu.memory_space<vmem>>, vector<16xf32>,
      tpu.vector_store %arg11[%swap3A_729], %add3A_728 {strides = array<i32>} : memref<640xf32, #tpu.memory_space<vmem>>, vector<16xf32>,
      %get3A_731 = arith.constant 208 : index
      %get3A_732 = tpu.vector_load %arg11[%get3A_731] {strides = array<i32>} : memref<640xf32, #tpu.memory_space<vmem>>, vector<16xf32>,
      %get3A_733 = arith.constant 208 : index
      %get3A_734 = tpu.vector_load %arg13[%get3A_733] {strides = array<i32>} : memref<640xf32, #tpu.memory_space<vmem>>, vector<16xf32>,
      %add3A_735 = arith.addf %get3A_732, %get3A_734 : vector<16xf32>
      %swap3A_736 = arith.constant 208 : index
      %swap3A_737 = tpu.vector_load %arg11[%swap3A_736] {strides = array<i32>} : memref<640xf32, #tpu.memory_space<vmem>>, vector<16xf32>,
      tpu.vector_store %arg11[%swap3A_736], %add3A_735 {strides = array<i32>} : memref<640xf32, #tpu.memory_space<vmem>>, vector<16xf32>,
      %get3A_738 = arith.constant 224 : index
      %get3A_739 = tpu.vector_load %arg11[%get3A_738] {strides = array<i32>} : memref<640xf32, #tpu.memory_space<vmem>>, vector<16xf32>,
      %get3A_740 = arith.constant 224 : index
      %get3A_741 = tpu.vector_load %arg13[%get3A_740] {strides = array<i32>} : memref<640xf32, #tpu.memory_space<vmem>>, vector<16xf32>,
      %add3A_742 = arith.addf %get3A_739, %get3A_741 : vector<16xf32>
      %swap3A_743 = arith.constant 224 : index
      %swap3A_744 = tpu.vector_load %arg11[%swap3A_743] {strides = array<i32>} : memref<640xf32, #tpu.memory_space<vmem>>, vector<16xf32>,
      tpu.vector_store %arg11[%swap3A_743], %add3A_742 {strides = array<i32>} : memref<640xf32, #tpu.memory_space<vmem>>, vector<16xf32>,
      %get3A_745 = arith.constant 240 : index
      %get3A_746 = tpu.vector_load %arg11[%get3A_745] {strides = array<i32>} : memref<640xf32, #tpu.memory_space<vmem>>, vector<16xf32>,
      %get3A_747 = arith.constant 240 : index
      %get3A_748 = tpu.vector_load %arg13[%get3A_747] {strides = array<i32>} : memref<640xf32, #tpu.memory_space<vmem>>, vector<16xf32>,
      %add3A_749 = arith.addf %get3A_746, %get3A_748 : vector<16xf32>
      %swap3A_750 = arith.constant 240 : index
      %swap3A_751 = tpu.vector_load %arg11[%swap3A_750] {strides = array<i32>} : memref<640xf32, #tpu.memory_space<vmem>>, vector<16xf32>,
      tpu.vector_store %arg11[%swap3A_750], %add3A_749 {strides = array<i32>} : memref<640xf32, #tpu.memory_space<vmem>>, vector<16xf32>,
      %get3A_752 = arith.constant 256 : index
      %get3A_753 = tpu.vector_load %arg11[%get3A_752] {strides = array<i32>} : memref<640xf32, #tpu.memory_space<vmem>>, vector<16xf32>,
      %get3A_754 = arith.constant 256 : index
      %get3A_755 = tpu.vector_load %arg13[%get3A_754] {strides = array<i32>} : memref<640xf32, #tpu.memory_space<vmem>>, vector<16xf32>,
      %add3A_756 = arith.addf %get3A_753, %get3A_755 : vector<16xf32>
      %swap3A_757 = arith.constant 256 : index
      %swap3A_758 = tpu.vector_load %arg11[%swap3A_757] {strides = array<i32>} : memref<640xf32, #tpu.memory_space<vmem>>, vector<16xf32>,
      tpu.vector_store %arg11[%swap3A_757], %add3A_756 {strides = array<i32>} : memref<640xf32, #tpu.memory_space<vmem>>, vector<16xf32>,
      %get3A_759 = arith.constant 272 : index
      %get3A_760 = tpu.vector_load %arg11[%get3A_759] {strides = array<i32>} : memref<640xf32, #tpu.memory_space<vmem>>, vector<16xf32>,
      %get3A_761 = arith.constant 272 : index
      %get3A_762 = tpu.vector_load %arg13[%get3A_761] {strides = array<i32>} : memref<640xf32, #tpu.memory_space<vmem>>, vector<16xf32>,
      %add3A_763 = arith.addf %get3A_760, %get3A_762 : vector<16xf32>
      %swap3A_764 = arith.constant 272 : index
      %swap3A_765 = tpu.vector_load %arg11[%swap3A_764] {strides = array<i32>} : memref<640xf32, #tpu.memory_space<vmem>>, vector<16xf32>,
      tpu.vector_store %arg11[%swap3A_764], %add3A_763 {strides = array<i32>} : memref<640xf32, #tpu.memory_space<vmem>>, vector<16xf32>,
      %get3A_766 = arith.constant 288 : index
      %get3A_767 = tpu.vector_load %arg11[%get3A_766] {strides = array<i32>} : memref<640xf32, #tpu.memory_space<vmem>>, vector<16xf32>,
      %get3A_768 = arith.constant 288 : index
      %get3A_769 = tpu.vector_load %arg13[%get3A_768] {strides = array<i32>} : memref<640xf32, #tpu.memory_space<vmem>>, vector<16xf32>,
      %add3A_770 = arith.addf %get3A_767, %get3A_769 : vector<16xf32>
      %swap3A_771 = arith.constant 288 : index
      %swap3A_772 = tpu.vector_load %arg11[%swap3A_771] {strides = array<i32>} : memref<640xf32, #tpu.memory_space<vmem>>, vector<16xf32>,
      tpu.vector_store %arg11[%swap3A_771], %add3A_770 {strides = array<i32>} : memref<640xf32, #tpu.memory_space<vmem>>, vector<16xf32>,
      %get3A_773 = arith.constant 304 : index
      %get3A_774 = tpu.vector_load %arg11[%get3A_773] {strides = array<i32>} : memref<640xf32, #tpu.memory_space<vmem>>, vector<16xf32>,
      %get3A_775 = arith.constant 304 : index
      %get3A_776 = tpu.vector_load %arg13[%get3A_775] {strides = array<i32>} : memref<640xf32, #tpu.memory_space<vmem>>, vector<16xf32>,
      %add3A_777 = arith.addf %get3A_774, %get3A_776 : vector<16xf32>
      %swap3A_778 = arith.constant 304 : index
      %swap3A_779 = tpu.vector_load %arg11[%swap3A_778] {strides = array<i32>} : memref<640xf32, #tpu.memory_space<vmem>>, vector<16xf32>,
      tpu.vector_store %arg11[%swap3A_778], %add3A_777 {strides = array<i32>} : memref<640xf32, #tpu.memory_space<vmem>>, vector<16xf32>,
      %get3A_780 = arith.constant 320 : index
      %get3A_781 = tpu.vector_load %arg11[%get3A_780] {strides = array<i32>} : memref<640xf32, #tpu.memory_space<vmem>>, vector<16xf32>,
      %get3A_782 = arith.constant 320 : index
      %get3A_783 = tpu.vector_load %arg13[%get3A_782] {strides = array<i32>} : memref<640xf32, #tpu.memory_space<vmem>>, vector<16xf32>,
      %add3A_784 = arith.addf %get3A_781, %get3A_783 : vector<16xf32>
      %swap3A_785 = arith.constant 320 : index
      %swap3A_786 = tpu.vector_load %arg11[%swap3A_785] {strides = array<i32>} : memref<640xf32, #tpu.memory_space<vmem>>, vector<16xf32>,
      tpu.vector_store %arg11[%swap3A_785], %add3A_784 {strides = array<i32>} : memref<640xf32, #tpu.memory_space<vmem>>, vector<16xf32>,
      %get3A_787 = arith.constant 336 : index
      %get3A_788 = tpu.vector_load %arg11[%get3A_787] {strides = array<i32>} : memref<640xf32, #tpu.memory_space<vmem>>, vector<16xf32>,
      %get3A_789 = arith.constant 336 : index
      %get3A_790 = tpu.vector_load %arg13[%get3A_789] {strides = array<i32>} : memref<640xf32, #tpu.memory_space<vmem>>, vector<16xf32>,
      %add3A_791 = arith.addf %get3A_788, %get3A_790 : vector<16xf32>
      %swap3A_792 = arith.constant 336 : index
      %swap3A_793 = tpu.vector_load %arg11[%swap3A_792] {strides = array<i32>} : memref<640xf32, #tpu.memory_space<vmem>>, vector<16xf32>,
      tpu.vector_store %arg11[%swap3A_792], %add3A_791 {strides = array<i32>} : memref<640xf32, #tpu.memory_space<vmem>>, vector<16xf32>,
      %get3A_794 = arith.constant 352 : index
      %get3A_795 = tpu.vector_load %arg11[%get3A_794] {strides = array<i32>} : memref<640xf32, #tpu.memory_space<vmem>>, vector<16xf32>,
      %get3A_796 = arith.constant 352 : index
      %get3A_797 = tpu.vector_load %arg13[%get3A_796] {strides = array<i32>} : memref<640xf32, #tpu.memory_space<vmem>>, vector<16xf32>,
      %add3A_798 = arith.addf %get3A_795, %get3A_797 : vector<16xf32>
      %swap3A_799 = arith.constant 352 : index
      %swap3A_800 = tpu.vector_load %arg11[%swap3A_799] {strides = array<i32>} : memref<640xf32, #tpu.memory_space<vmem>>, vector<16xf32>,
      tpu.vector_store %arg11[%swap3A_799], %add3A_798 {strides = array<i32>} : memref<640xf32, #tpu.memory_space<vmem>>, vector<16xf32>,
      %get3A_801 = arith.constant 368 : index
      %get3A_802 = tpu.vector_load %arg11[%get3A_801] {strides = array<i32>} : memref<640xf32, #tpu.memory_space<vmem>>, vector<16xf32>,
      %get3A_803 = arith.constant 368 : index
      %get3A_804 = tpu.vector_load %arg13[%get3A_803] {strides = array<i32>} : memref<640xf32, #tpu.memory_space<vmem>>, vector<16xf32>,
      %add3A_805 = arith.addf %get3A_802, %get3A_804 : vector<16xf32>
      %swap3A_806 = arith.constant 368 : index
      %swap3A_807 = tpu.vector_load %arg11[%swap3A_806] {strides = array<i32>} : memref<640xf32, #tpu.memory_space<vmem>>, vector<16xf32>,
      tpu.vector_store %arg11[%swap3A_806], %add3A_805 {strides = array<i32>} : memref<640xf32, #tpu.memory_space<vmem>>, vector<16xf32>,
      %get3A_808 = arith.constant 384 : index
      %get3A_809 = tpu.vector_load %arg11[%get3A_808] {strides = array<i32>} : memref<640xf32, #tpu.memory_space<vmem>>, vector<16xf32>,
      %get3A_810 = arith.constant 384 : index
      %get3A_811 = tpu.vector_load %arg13[%get3A_810] {strides = array<i32>} : memref<640xf32, #tpu.memory_space<vmem>>, vector<16xf32>,
      %add3A_812 = arith.addf %get3A_809, %get3A_811 : vector<16xf32>
      %swap3A_813 = arith.constant 384 : index
      %swap3A_814 = tpu.vector_load %arg11[%swap3A_813] {strides = array<i32>} : memref<640xf32, #tpu.memory_space<vmem>>, vector<16xf32>,
      tpu.vector_store %arg11[%swap3A_813], %add3A_812 {strides = array<i32>} : memref<640xf32, #tpu.memory_space<vmem>>, vector<16xf32>,
      %get3A_815 = arith.constant 400 : index
      %get3A_816 = tpu.vector_load %arg11[%get3A_815] {strides = array<i32>} : memref<640xf32, #tpu.memory_space<vmem>>, vector<16xf32>,
      %get3A_817 = arith.constant 400 : index
      %get3A_818 = tpu.vector_load %arg13[%get3A_817] {strides = array<i32>} : memref<640xf32, #tpu.memory_space<vmem>>, vector<16xf32>,
      %add3A_819 = arith.addf %get3A_816, %get3A_818 : vector<16xf32>
      %swap3A_820 = arith.constant 400 : index
      %swap3A_821 = tpu.vector_load %arg11[%swap3A_820] {strides = array<i32>} : memref<640xf32, #tpu.memory_space<vmem>>, vector<16xf32>,
      tpu.vector_store %arg11[%swap3A_820], %add3A_819 {strides = array<i32>} : memref<640xf32, #tpu.memory_space<vmem>>, vector<16xf32>,
      %get3A_822 = arith.constant 416 : index
      %get3A_823 = tpu.vector_load %arg11[%get3A_822] {strides = array<i32>} : memref<640xf32, #tpu.memory_space<vmem>>, vector<16xf32>,
      %get3A_824 = arith.constant 416 : index
      %get3A_825 = tpu.vector_load %arg13[%get3A_824] {strides = array<i32>} : memref<640xf32, #tpu.memory_space<vmem>>, vector<16xf32>,
      %add3A_826 = arith.addf %get3A_823, %get3A_825 : vector<16xf32>
      %swap3A_827 = arith.constant 416 : index
      %swap3A_828 = tpu.vector_load %arg11[%swap3A_827] {strides = array<i32>} : memref<640xf32, #tpu.memory_space<vmem>>, vector<16xf32>,
      tpu.vector_store %arg11[%swap3A_827], %add3A_826 {strides = array<i32>} : memref<640xf32, #tpu.memory_space<vmem>>, vector<16xf32>,
      %get3A_829 = arith.constant 432 : index
      %get3A_830 = tpu.vector_load %arg11[%get3A_829] {strides = array<i32>} : memref<640xf32, #tpu.memory_space<vmem>>, vector<16xf32>,
      %get3A_831 = arith.constant 432 : index
      %get3A_832 = tpu.vector_load %arg13[%get3A_831] {strides = array<i32>} : memref<640xf32, #tpu.memory_space<vmem>>, vector<16xf32>,
      %add3A_833 = arith.addf %get3A_830, %get3A_832 : vector<16xf32>
      %swap3A_834 = arith.constant 432 : index
      %swap3A_835 = tpu.vector_load %arg11[%swap3A_834] {strides = array<i32>} : memref<640xf32, #tpu.memory_space<vmem>>, vector<16xf32>,
      tpu.vector_store %arg11[%swap3A_834], %add3A_833 {strides = array<i32>} : memref<640xf32, #tpu.memory_space<vmem>>, vector<16xf32>,
      %get3A_836 = arith.constant 448 : index
      %get3A_837 = tpu.vector_load %arg11[%get3A_836] {strides = array<i32>} : memref<640xf32, #tpu.memory_space<vmem>>, vector<16xf32>,
      %get3A_838 = arith.constant 448 : index
      %get3A_839 = tpu.vector_load %arg13[%get3A_838] {strides = array<i32>} : memref<640xf32, #tpu.memory_space<vmem>>, vector<16xf32>,
      %add3A_840 = arith.addf %get3A_837, %get3A_839 : vector<16xf32>
      %swap3A_841 = arith.constant 448 : index
      %swap3A_842 = tpu.vector_load %arg11[%swap3A_841] {strides = array<i32>} : memref<640xf32, #tpu.memory_space<vmem>>, vector<16xf32>,
      tpu.vector_store %arg11[%swap3A_841], %add3A_840 {strides = array<i32>} : memref<640xf32, #tpu.memory_space<vmem>>, vector<16xf32>,
      %get3A_843 = arith.constant 464 : index
      %get3A_844 = tpu.vector_load %arg11[%get3A_843] {strides = array<i32>} : memref<640xf32, #tpu.memory_space<vmem>>, vector<16xf32>,
      %get3A_845 = arith.constant 464 : index
      %get3A_846 = tpu.vector_load %arg13[%get3A_845] {strides = array<i32>} : memref<640xf32, #tpu.memory_space<vmem>>, vector<16xf32>,
      %add3A_847 = arith.addf %get3A_844, %get3A_846 : vector<16xf32>
      %swap3A_848 = arith.constant 464 : index
      %swap3A_849 = tpu.vector_load %arg11[%swap3A_848] {strides = array<i32>} : memref<640xf32, #tpu.memory_space<vmem>>, vector<16xf32>,
      tpu.vector_store %arg11[%swap3A_848], %add3A_847 {strides = array<i32>} : memref<640xf32, #tpu.memory_space<vmem>>, vector<16xf32>,
      %get3A_850 = arith.constant 480 : index
      %get3A_851 = tpu.vector_load %arg11[%get3A_850] {strides = array<i32>} : memref<640xf32, #tpu.memory_space<vmem>>, vector<16xf32>,
      %get3A_852 = arith.constant 480 : index
      %get3A_853 = tpu.vector_load %arg13[%get3A_852] {strides = array<i32>} : memref<640xf32, #tpu.memory_space<vmem>>, vector<16xf32>,
      %add3A_854 = arith.addf %get3A_851, %get3A_853 : vector<16xf32>
      %swap3A_855 = arith.constant 480 : index
      %swap3A_856 = tpu.vector_load %arg11[%swap3A_855] {strides = array<i32>} : memref<640xf32, #tpu.memory_space<vmem>>, vector<16xf32>,
      tpu.vector_store %arg11[%swap3A_855], %add3A_854 {strides = array<i32>} : memref<640xf32, #tpu.memory_space<vmem>>, vector<16xf32>,
      %get3A_857 = arith.constant 496 : index
      %get3A_858 = tpu.vector_load %arg11[%get3A_857] {strides = array<i32>} : memref<640xf32, #tpu.memory_space<vmem>>, vector<16xf32>,
      %get3A_859 = arith.constant 496 : index
      %get3A_860 = tpu.vector_load %arg13[%get3A_859] {strides = array<i32>} : memref<640xf32, #tpu.memory_space<vmem>>, vector<16xf32>,
      %add3A_861 = arith.addf %get3A_858, %get3A_860 : vector<16xf32>
      %swap3A_862 = arith.constant 496 : index
      %swap3A_863 = tpu.vector_load %arg11[%swap3A_862] {strides = array<i32>} : memref<640xf32, #tpu.memory_space<vmem>>, vector<16xf32>,
      tpu.vector_store %arg11[%swap3A_862], %add3A_861 {strides = array<i32>} : memref<640xf32, #tpu.memory_space<vmem>>, vector<16xf32>,
      %get3A_864 = arith.constant 512 : index
      %get3A_865 = tpu.vector_load %arg11[%get3A_864] {strides = array<i32>} : memref<640xf32, #tpu.memory_space<vmem>>, vector<16xf32>,
      %get3A_866 = arith.constant 512 : index
      %get3A_867 = tpu.vector_load %arg13[%get3A_866] {strides = array<i32>} : memref<640xf32, #tpu.memory_space<vmem>>, vector<16xf32>,
      %add3A_868 = arith.addf %get3A_865, %get3A_867 : vector<16xf32>
      %swap3A_869 = arith.constant 512 : index
      %swap3A_870 = tpu.vector_load %arg11[%swap3A_869] {strides = array<i32>} : memref<640xf32, #tpu.memory_space<vmem>>, vector<16xf32>,
      tpu.vector_store %arg11[%swap3A_869], %add3A_868 {strides = array<i32>} : memref<640xf32, #tpu.memory_space<vmem>>, vector<16xf32>,
      %get3A_871 = arith.constant 528 : index
      %get3A_872 = tpu.vector_load %arg11[%get3A_871] {strides = array<i32>} : memref<640xf32, #tpu.memory_space<vmem>>, vector<16xf32>,
      %get3A_873 = arith.constant 528 : index
      %get3A_874 = tpu.vector_load %arg13[%get3A_873] {strides = array<i32>} : memref<640xf32, #tpu.memory_space<vmem>>, vector<16xf32>,
      %add3A_875 = arith.addf %get3A_872, %get3A_874 : vector<16xf32>
      %swap3A_876 = arith.constant 528 : index
      %swap3A_877 = tpu.vector_load %arg11[%swap3A_876] {strides = array<i32>} : memref<640xf32, #tpu.memory_space<vmem>>, vector<16xf32>,
      tpu.vector_store %arg11[%swap3A_876], %add3A_875 {strides = array<i32>} : memref<640xf32, #tpu.memory_space<vmem>>, vector<16xf32>,
      %get3A_878 = arith.constant 544 : index
      %get3A_879 = tpu.vector_load %arg11[%get3A_878] {strides = array<i32>} : memref<640xf32, #tpu.memory_space<vmem>>, vector<16xf32>,
      %get3A_880 = arith.constant 544 : index
      %get3A_881 = tpu.vector_load %arg13[%get3A_880] {strides = array<i32>} : memref<640xf32, #tpu.memory_space<vmem>>, vector<16xf32>,
      %add3A_882 = arith.addf %get3A_879, %get3A_881 : vector<16xf32>
      %swap3A_883 = arith.constant 544 : index
      %swap3A_884 = tpu.vector_load %arg11[%swap3A_883] {strides = array<i32>} : memref<640xf32, #tpu.memory_space<vmem>>, vector<16xf32>,
      tpu.vector_store %arg11[%swap3A_883], %add3A_882 {strides = array<i32>} : memref<640xf32, #tpu.memory_space<vmem>>, vector<16xf32>,
      %get3A_885 = arith.constant 560 : index
      %get3A_886 = tpu.vector_load %arg11[%get3A_885] {strides = array<i32>} : memref<640xf32, #tpu.memory_space<vmem>>, vector<16xf32>,
      %get3A_887 = arith.constant 560 : index
      %get3A_888 = tpu.vector_load %arg13[%get3A_887] {strides = array<i32>} : memref<640xf32, #tpu.memory_space<vmem>>, vector<16xf32>,
      %add3A_889 = arith.addf %get3A_886, %get3A_888 : vector<16xf32>
      %swap3A_890 = arith.constant 560 : index
      %swap3A_891 = tpu.vector_load %arg11[%swap3A_890] {strides = array<i32>} : memref<640xf32, #tpu.memory_space<vmem>>, vector<16xf32>,
      tpu.vector_store %arg11[%swap3A_890], %add3A_889 {strides = array<i32>} : memref<640xf32, #tpu.memory_space<vmem>>, vector<16xf32>,
      %get3A_892 = arith.constant 576 : index
      %get3A_893 = tpu.vector_load %arg11[%get3A_892] {strides = array<i32>} : memref<640xf32, #tpu.memory_space<vmem>>, vector<16xf32>,
      %get3A_894 = arith.constant 576 : index
      %get3A_895 = tpu.vector_load %arg13[%get3A_894] {strides = array<i32>} : memref<640xf32, #tpu.memory_space<vmem>>, vector<16xf32>,
      %add3A_896 = arith.addf %get3A_893, %get3A_895 : vector<16xf32>
      %swap3A_897 = arith.constant 576 : index
      %swap3A_898 = tpu.vector_load %arg11[%swap3A_897] {strides = array<i32>} : memref<640xf32, #tpu.memory_space<vmem>>, vector<16xf32>,
      tpu.vector_store %arg11[%swap3A_897], %add3A_896 {strides = array<i32>} : memref<640xf32, #tpu.memory_space<vmem>>, vector<16xf32>,
      %get3A_899 = arith.constant 592 : index
      %get3A_900 = tpu.vector_load %arg11[%get3A_899] {strides = array<i32>} : memref<640xf32, #tpu.memory_space<vmem>>, vector<16xf32>,
      %get3A_901 = arith.constant 592 : index
      %get3A_902 = tpu.vector_load %arg13[%get3A_901] {strides = array<i32>} : memref<640xf32, #tpu.memory_space<vmem>>, vector<16xf32>,
      %add3A_903 = arith.addf %get3A_900, %get3A_902 : vector<16xf32>
      %swap3A_904 = arith.constant 592 : index
      %swap3A_905 = tpu.vector_load %arg11[%swap3A_904] {strides = array<i32>} : memref<640xf32, #tpu.memory_space<vmem>>, vector<16xf32>,
      tpu.vector_store %arg11[%swap3A_904], %add3A_903 {strides = array<i32>} : memref<640xf32, #tpu.memory_space<vmem>>, vector<16xf32>,
      %get3A_906 = arith.constant 608 : index
      %get3A_907 = tpu.vector_load %arg11[%get3A_906] {strides = array<i32>} : memref<640xf32, #tpu.memory_space<vmem>>, vector<16xf32>,
      %get3A_908 = arith.constant 608 : index
      %get3A_909 = tpu.vector_load %arg13[%get3A_908] {strides = array<i32>} : memref<640xf32, #tpu.memory_space<vmem>>, vector<16xf32>,
      %add3A_910 = arith.addf %get3A_907, %get3A_909 : vector<16xf32>
      %swap3A_911 = arith.constant 608 : index
      %swap3A_912 = tpu.vector_load %arg11[%swap3A_911] {strides = array<i32>} : memref<640xf32, #tpu.memory_space<vmem>>, vector<16xf32>,
      tpu.vector_store %arg11[%swap3A_911], %add3A_910 {strides = array<i32>} : memref<640xf32, #tpu.memory_space<vmem>>, vector<16xf32>,
      %get3A_913 = arith.constant 624 : index
      %get3A_914 = tpu.vector_load %arg11[%get3A_913] {strides = array<i32>} : memref<640xf32, #tpu.memory_space<vmem>>, vector<16xf32>,
      %get3A_915 = arith.constant 624 : index
      %get3A_916 = tpu.vector_load %arg13[%get3A_915] {strides = array<i32>} : memref<640xf32, #tpu.memory_space<vmem>>, vector<16xf32>,
      %add3A_917 = arith.addf %get3A_914, %get3A_916 : vector<16xf32>
      %swap3A_918 = arith.constant 624 : index
      %swap3A_919 = tpu.vector_load %arg11[%swap3A_918] {strides = array<i32>} : memref<640xf32, #tpu.memory_space<vmem>>, vector<16xf32>,
      tpu.vector_store %arg11[%swap3A_918], %add3A_917 {strides = array<i32>} : memref<640xf32, #tpu.memory_space<vmem>>, vector<16xf32>,
      %add3A_920 = arith.constant 12 : i32
      %add3A_921 = arith.addi %rem3A_0, %add3A_920 : i32
      "tpu.region"() ({
        %run_scoped3A = tpu.sem_alloc : memref<!tpu.dma_semaphore, #tpu.memory_space<semaphore_mem>>
        %dma_start3A_1486 = arith.constant 0 : i32
        %dma_start3A_1487 = tpu.memref_slice %arg15[%add3A_921, %dma_start3A_1486] : memref<16x640xf32, #tpu.memory_space<vmem_shared>> -> memref<1x640xf32, #tpu.memory_space<vmem_shared>>
        %dma_start3A_1488 = tpu.memref_squeeze %dma_start3A_1487 : memref<1x640xf32, #tpu.memory_space<vmem_shared>> -> memref<640xf32, #tpu.memory_space<vmem_shared>>
        %dma_start3A_1489 = arith.constant 0 : i32
        %dma_start3A_1490 = tpu.memref_slice %arg15[%add3A_921, %dma_start3A_1489] : memref<16x640xf32, #tpu.memory_space<vmem_shared>> -> memref<1x640xf32, #tpu.memory_space<vmem_shared>>
        %dma_start3A_1491 = tpu.memref_squeeze %dma_start3A_1490 : memref<1x640xf32, #tpu.memory_space<vmem_shared>> -> memref<640xf32, #tpu.memory_space<vmem_shared>>
        tpu.enqueue_dma source(%dma_start3A_1491 : memref<640xf32, #tpu.memory_space<vmem_shared>>) target(%arg13 : memref<640xf32, #tpu.memory_space<vmem>>) target_semaphore(%run_scoped3A : memref<!tpu.dma_semaphore, #tpu.memory_space<semaphore_mem>>)
        %dma_wait3A_1492 = arith.constant 0 : i32
        %dma_wait3A_1493 = tpu.memref_slice %arg15[%add3A_921, %dma_wait3A_1492] : memref<16x640xf32, #tpu.memory_space<vmem_shared>> -> memref<1x640xf32, #tpu.memory_space<vmem_shared>>
        %dma_wait3A_1494 = tpu.memref_squeeze %dma_wait3A_1493 : memref<1x640xf32, #tpu.memory_space<vmem_shared>> -> memref<640xf32, #tpu.memory_space<vmem_shared>>
        %dma_wait3A_1495 = arith.constant 0 : i32
        %dma_wait3A_1496 = tpu.memref_slice %arg15[%add3A_921, %dma_wait3A_1495] : memref<16x640xf32, #tpu.memory_space<vmem_shared>> -> memref<1x640xf32, #tpu.memory_space<vmem_shared>>
        %dma_wait3A_1497 = tpu.memref_squeeze %dma_wait3A_1496 : memref<1x640xf32, #tpu.memory_space<vmem_shared>> -> memref<640xf32, #tpu.memory_space<vmem_shared>>
        tpu.wait_dma2 semaphore(%run_scoped3A : memref<!tpu.dma_semaphore, #tpu.memory_space<semaphore_mem>>) src(%dma_wait3A_1497 : memref<640xf32, #tpu.memory_space<vmem_shared>>) dst(%arg13 : memref<640xf32, #tpu.memory_space<vmem>>)
        tpu.yield
      }) : () -> ()
      %get3A_922 = arith.constant 0 : index
      %get3A_923 = tpu.vector_load %arg11[%get3A_922] {strides = array<i32>} : memref<640xf32, #tpu.memory_space<vmem>>, vector<16xf32>,
      %get3A_924 = arith.constant 0 : index
      %get3A_925 = tpu.vector_load %arg13[%get3A_924] {strides = array<i32>} : memref<640xf32, #tpu.memory_space<vmem>>, vector<16xf32>,
      %add3A_926 = arith.addf %get3A_923, %get3A_925 : vector<16xf32>
      %swap3A_927 = arith.constant 0 : index
      %swap3A_928 = tpu.vector_load %arg11[%swap3A_927] {strides = array<i32>} : memref<640xf32, #tpu.memory_space<vmem>>, vector<16xf32>,
      tpu.vector_store %arg11[%swap3A_927], %add3A_926 {strides = array<i32>} : memref<640xf32, #tpu.memory_space<vmem>>, vector<16xf32>,
      %get3A_929 = arith.constant 16 : index
      %get3A_930 = tpu.vector_load %arg11[%get3A_929] {strides = array<i32>} : memref<640xf32, #tpu.memory_space<vmem>>, vector<16xf32>,
      %get3A_931 = arith.constant 16 : index
      %get3A_932 = tpu.vector_load %arg13[%get3A_931] {strides = array<i32>} : memref<640xf32, #tpu.memory_space<vmem>>, vector<16xf32>,
      %add3A_933 = arith.addf %get3A_930, %get3A_932 : vector<16xf32>
      %swap3A_934 = arith.constant 16 : index
      %swap3A_935 = tpu.vector_load %arg11[%swap3A_934] {strides = array<i32>} : memref<640xf32, #tpu.memory_space<vmem>>, vector<16xf32>,
      tpu.vector_store %arg11[%swap3A_934], %add3A_933 {strides = array<i32>} : memref<640xf32, #tpu.memory_space<vmem>>, vector<16xf32>,
      %get3A_936 = arith.constant 32 : index
      %get3A_937 = tpu.vector_load %arg11[%get3A_936] {strides = array<i32>} : memref<640xf32, #tpu.memory_space<vmem>>, vector<16xf32>,
      %get3A_938 = arith.constant 32 : index
      %get3A_939 = tpu.vector_load %arg13[%get3A_938] {strides = array<i32>} : memref<640xf32, #tpu.memory_space<vmem>>, vector<16xf32>,
      %add3A_940 = arith.addf %get3A_937, %get3A_939 : vector<16xf32>
      %swap3A_941 = arith.constant 32 : index
      %swap3A_942 = tpu.vector_load %arg11[%swap3A_941] {strides = array<i32>} : memref<640xf32, #tpu.memory_space<vmem>>, vector<16xf32>,
      tpu.vector_store %arg11[%swap3A_941], %add3A_940 {strides = array<i32>} : memref<640xf32, #tpu.memory_space<vmem>>, vector<16xf32>,
      %get3A_943 = arith.constant 48 : index
      %get3A_944 = tpu.vector_load %arg11[%get3A_943] {strides = array<i32>} : memref<640xf32, #tpu.memory_space<vmem>>, vector<16xf32>,
      %get3A_945 = arith.constant 48 : index
      %get3A_946 = tpu.vector_load %arg13[%get3A_945] {strides = array<i32>} : memref<640xf32, #tpu.memory_space<vmem>>, vector<16xf32>,
      %add3A_947 = arith.addf %get3A_944, %get3A_946 : vector<16xf32>
      %swap3A_948 = arith.constant 48 : index
      %swap3A_949 = tpu.vector_load %arg11[%swap3A_948] {strides = array<i32>} : memref<640xf32, #tpu.memory_space<vmem>>, vector<16xf32>,
      tpu.vector_store %arg11[%swap3A_948], %add3A_947 {strides = array<i32>} : memref<640xf32, #tpu.memory_space<vmem>>, vector<16xf32>,
      %get3A_950 = arith.constant 64 : index
      %get3A_951 = tpu.vector_load %arg11[%get3A_950] {strides = array<i32>} : memref<640xf32, #tpu.memory_space<vmem>>, vector<16xf32>,
      %get3A_952 = arith.constant 64 : index
      %get3A_953 = tpu.vector_load %arg13[%get3A_952] {strides = array<i32>} : memref<640xf32, #tpu.memory_space<vmem>>, vector<16xf32>,
      %add3A_954 = arith.addf %get3A_951, %get3A_953 : vector<16xf32>
      %swap3A_955 = arith.constant 64 : index
      %swap3A_956 = tpu.vector_load %arg11[%swap3A_955] {strides = array<i32>} : memref<640xf32, #tpu.memory_space<vmem>>, vector<16xf32>,
      tpu.vector_store %arg11[%swap3A_955], %add3A_954 {strides = array<i32>} : memref<640xf32, #tpu.memory_space<vmem>>, vector<16xf32>,
      %get3A_957 = arith.constant 80 : index
      %get3A_958 = tpu.vector_load %arg11[%get3A_957] {strides = array<i32>} : memref<640xf32, #tpu.memory_space<vmem>>, vector<16xf32>,
      %get3A_959 = arith.constant 80 : index
      %get3A_960 = tpu.vector_load %arg13[%get3A_959] {strides = array<i32>} : memref<640xf32, #tpu.memory_space<vmem>>, vector<16xf32>,
      %add3A_961 = arith.addf %get3A_958, %get3A_960 : vector<16xf32>
      %swap3A_962 = arith.constant 80 : index
      %swap3A_963 = tpu.vector_load %arg11[%swap3A_962] {strides = array<i32>} : memref<640xf32, #tpu.memory_space<vmem>>, vector<16xf32>,
      tpu.vector_store %arg11[%swap3A_962], %add3A_961 {strides = array<i32>} : memref<640xf32, #tpu.memory_space<vmem>>, vector<16xf32>,
      %get3A_964 = arith.constant 96 : index
      %get3A_965 = tpu.vector_load %arg11[%get3A_964] {strides = array<i32>} : memref<640xf32, #tpu.memory_space<vmem>>, vector<16xf32>,
      %get3A_966 = arith.constant 96 : index
      %get3A_967 = tpu.vector_load %arg13[%get3A_966] {strides = array<i32>} : memref<640xf32, #tpu.memory_space<vmem>>, vector<16xf32>,
      %add3A_968 = arith.addf %get3A_965, %get3A_967 : vector<16xf32>
      %swap3A_969 = arith.constant 96 : index
      %swap3A_970 = tpu.vector_load %arg11[%swap3A_969] {strides = array<i32>} : memref<640xf32, #tpu.memory_space<vmem>>, vector<16xf32>,
      tpu.vector_store %arg11[%swap3A_969], %add3A_968 {strides = array<i32>} : memref<640xf32, #tpu.memory_space<vmem>>, vector<16xf32>,
      %get3A_971 = arith.constant 112 : index
      %get3A_972 = tpu.vector_load %arg11[%get3A_971] {strides = array<i32>} : memref<640xf32, #tpu.memory_space<vmem>>, vector<16xf32>,
      %get3A_973 = arith.constant 112 : index
      %get3A_974 = tpu.vector_load %arg13[%get3A_973] {strides = array<i32>} : memref<640xf32, #tpu.memory_space<vmem>>, vector<16xf32>,
      %add3A_975 = arith.addf %get3A_972, %get3A_974 : vector<16xf32>
      %swap3A_976 = arith.constant 112 : index
      %swap3A_977 = tpu.vector_load %arg11[%swap3A_976] {strides = array<i32>} : memref<640xf32, #tpu.memory_space<vmem>>, vector<16xf32>,
      tpu.vector_store %arg11[%swap3A_976], %add3A_975 {strides = array<i32>} : memref<640xf32, #tpu.memory_space<vmem>>, vector<16xf32>,
      %get3A_978 = arith.constant 128 : index
      %get3A_979 = tpu.vector_load %arg11[%get3A_978] {strides = array<i32>} : memref<640xf32, #tpu.memory_space<vmem>>, vector<16xf32>,
      %get3A_980 = arith.constant 128 : index
      %get3A_981 = tpu.vector_load %arg13[%get3A_980] {strides = array<i32>} : memref<640xf32, #tpu.memory_space<vmem>>, vector<16xf32>,
      %add3A_982 = arith.addf %get3A_979, %get3A_981 : vector<16xf32>
      %swap3A_983 = arith.constant 128 : index
      %swap3A_984 = tpu.vector_load %arg11[%swap3A_983] {strides = array<i32>} : memref<640xf32, #tpu.memory_space<vmem>>, vector<16xf32>,
      tpu.vector_store %arg11[%swap3A_983], %add3A_982 {strides = array<i32>} : memref<640xf32, #tpu.memory_space<vmem>>, vector<16xf32>,
      %get3A_985 = arith.constant 144 : index
      %get3A_986 = tpu.vector_load %arg11[%get3A_985] {strides = array<i32>} : memref<640xf32, #tpu.memory_space<vmem>>, vector<16xf32>,
      %get3A_987 = arith.constant 144 : index
      %get3A_988 = tpu.vector_load %arg13[%get3A_987] {strides = array<i32>} : memref<640xf32, #tpu.memory_space<vmem>>, vector<16xf32>,
      %add3A_989 = arith.addf %get3A_986, %get3A_988 : vector<16xf32>
      %swap3A_990 = arith.constant 144 : index
      %swap3A_991 = tpu.vector_load %arg11[%swap3A_990] {strides = array<i32>} : memref<640xf32, #tpu.memory_space<vmem>>, vector<16xf32>,
      tpu.vector_store %arg11[%swap3A_990], %add3A_989 {strides = array<i32>} : memref<640xf32, #tpu.memory_space<vmem>>, vector<16xf32>,
      %get3A_992 = arith.constant 160 : index
      %get3A_993 = tpu.vector_load %arg11[%get3A_992] {strides = array<i32>} : memref<640xf32, #tpu.memory_space<vmem>>, vector<16xf32>,
      %get3A_994 = arith.constant 160 : index
      %get3A_995 = tpu.vector_load %arg13[%get3A_994] {strides = array<i32>} : memref<640xf32, #tpu.memory_space<vmem>>, vector<16xf32>,
      %add3A_996 = arith.addf %get3A_993, %get3A_995 : vector<16xf32>
      %swap3A_997 = arith.constant 160 : index
      %swap3A_998 = tpu.vector_load %arg11[%swap3A_997] {strides = array<i32>} : memref<640xf32, #tpu.memory_space<vmem>>, vector<16xf32>,
      tpu.vector_store %arg11[%swap3A_997], %add3A_996 {strides = array<i32>} : memref<640xf32, #tpu.memory_space<vmem>>, vector<16xf32>,
      %get3A_999 = arith.constant 176 : index
      %get3A_1000 = tpu.vector_load %arg11[%get3A_999] {strides = array<i32>} : memref<640xf32, #tpu.memory_space<vmem>>, vector<16xf32>,
      %get3A_1001 = arith.constant 176 : index
      %get3A_1002 = tpu.vector_load %arg13[%get3A_1001] {strides = array<i32>} : memref<640xf32, #tpu.memory_space<vmem>>, vector<16xf32>,
      %add3A_1003 = arith.addf %get3A_1000, %get3A_1002 : vector<16xf32>
      %swap3A_1004 = arith.constant 176 : index
      %swap3A_1005 = tpu.vector_load %arg11[%swap3A_1004] {strides = array<i32>} : memref<640xf32, #tpu.memory_space<vmem>>, vector<16xf32>,
      tpu.vector_store %arg11[%swap3A_1004], %add3A_1003 {strides = array<i32>} : memref<640xf32, #tpu.memory_space<vmem>>, vector<16xf32>,
      %get3A_1006 = arith.constant 192 : index
      %get3A_1007 = tpu.vector_load %arg11[%get3A_1006] {strides = array<i32>} : memref<640xf32, #tpu.memory_space<vmem>>, vector<16xf32>,
      %get3A_1008 = arith.constant 192 : index
      %get3A_1009 = tpu.vector_load %arg13[%get3A_1008] {strides = array<i32>} : memref<640xf32, #tpu.memory_space<vmem>>, vector<16xf32>,
      %add3A_1010 = arith.addf %get3A_1007, %get3A_1009 : vector<16xf32>
      %swap3A_1011 = arith.constant 192 : index
      %swap3A_1012 = tpu.vector_load %arg11[%swap3A_1011] {strides = array<i32>} : memref<640xf32, #tpu.memory_space<vmem>>, vector<16xf32>,
      tpu.vector_store %arg11[%swap3A_1011], %add3A_1010 {strides = array<i32>} : memref<640xf32, #tpu.memory_space<vmem>>, vector<16xf32>,
      %get3A_1013 = arith.constant 208 : index
      %get3A_1014 = tpu.vector_load %arg11[%get3A_1013] {strides = array<i32>} : memref<640xf32, #tpu.memory_space<vmem>>, vector<16xf32>,
      %get3A_1015 = arith.constant 208 : index
      %get3A_1016 = tpu.vector_load %arg13[%get3A_1015] {strides = array<i32>} : memref<640xf32, #tpu.memory_space<vmem>>, vector<16xf32>,
      %add3A_1017 = arith.addf %get3A_1014, %get3A_1016 : vector<16xf32>
      %swap3A_1018 = arith.constant 208 : index
      %swap3A_1019 = tpu.vector_load %arg11[%swap3A_1018] {strides = array<i32>} : memref<640xf32, #tpu.memory_space<vmem>>, vector<16xf32>,
      tpu.vector_store %arg11[%swap3A_1018], %add3A_1017 {strides = array<i32>} : memref<640xf32, #tpu.memory_space<vmem>>, vector<16xf32>,
      %get3A_1020 = arith.constant 224 : index
      %get3A_1021 = tpu.vector_load %arg11[%get3A_1020] {strides = array<i32>} : memref<640xf32, #tpu.memory_space<vmem>>, vector<16xf32>,
      %get3A_1022 = arith.constant 224 : index
      %get3A_1023 = tpu.vector_load %arg13[%get3A_1022] {strides = array<i32>} : memref<640xf32, #tpu.memory_space<vmem>>, vector<16xf32>,
      %add3A_1024 = arith.addf %get3A_1021, %get3A_1023 : vector<16xf32>
      %swap3A_1025 = arith.constant 224 : index
      %swap3A_1026 = tpu.vector_load %arg11[%swap3A_1025] {strides = array<i32>} : memref<640xf32, #tpu.memory_space<vmem>>, vector<16xf32>,
      tpu.vector_store %arg11[%swap3A_1025], %add3A_1024 {strides = array<i32>} : memref<640xf32, #tpu.memory_space<vmem>>, vector<16xf32>,
      %get3A_1027 = arith.constant 240 : index
      %get3A_1028 = tpu.vector_load %arg11[%get3A_1027] {strides = array<i32>} : memref<640xf32, #tpu.memory_space<vmem>>, vector<16xf32>,
      %get3A_1029 = arith.constant 240 : index
      %get3A_1030 = tpu.vector_load %arg13[%get3A_1029] {strides = array<i32>} : memref<640xf32, #tpu.memory_space<vmem>>, vector<16xf32>,
      %add3A_1031 = arith.addf %get3A_1028, %get3A_1030 : vector<16xf32>
      %swap3A_1032 = arith.constant 240 : index
      %swap3A_1033 = tpu.vector_load %arg11[%swap3A_1032] {strides = array<i32>} : memref<640xf32, #tpu.memory_space<vmem>>, vector<16xf32>,
      tpu.vector_store %arg11[%swap3A_1032], %add3A_1031 {strides = array<i32>} : memref<640xf32, #tpu.memory_space<vmem>>, vector<16xf32>,
      %get3A_1034 = arith.constant 256 : index
      %get3A_1035 = tpu.vector_load %arg11[%get3A_1034] {strides = array<i32>} : memref<640xf32, #tpu.memory_space<vmem>>, vector<16xf32>,
      %get3A_1036 = arith.constant 256 : index
      %get3A_1037 = tpu.vector_load %arg13[%get3A_1036] {strides = array<i32>} : memref<640xf32, #tpu.memory_space<vmem>>, vector<16xf32>,
      %add3A_1038 = arith.addf %get3A_1035, %get3A_1037 : vector<16xf32>
      %swap3A_1039 = arith.constant 256 : index
      %swap3A_1040 = tpu.vector_load %arg11[%swap3A_1039] {strides = array<i32>} : memref<640xf32, #tpu.memory_space<vmem>>, vector<16xf32>,
      tpu.vector_store %arg11[%swap3A_1039], %add3A_1038 {strides = array<i32>} : memref<640xf32, #tpu.memory_space<vmem>>, vector<16xf32>,
      %get3A_1041 = arith.constant 272 : index
      %get3A_1042 = tpu.vector_load %arg11[%get3A_1041] {strides = array<i32>} : memref<640xf32, #tpu.memory_space<vmem>>, vector<16xf32>,
      %get3A_1043 = arith.constant 272 : index
      %get3A_1044 = tpu.vector_load %arg13[%get3A_1043] {strides = array<i32>} : memref<640xf32, #tpu.memory_space<vmem>>, vector<16xf32>,
      %add3A_1045 = arith.addf %get3A_1042, %get3A_1044 : vector<16xf32>
      %swap3A_1046 = arith.constant 272 : index
      %swap3A_1047 = tpu.vector_load %arg11[%swap3A_1046] {strides = array<i32>} : memref<640xf32, #tpu.memory_space<vmem>>, vector<16xf32>,
      tpu.vector_store %arg11[%swap3A_1046], %add3A_1045 {strides = array<i32>} : memref<640xf32, #tpu.memory_space<vmem>>, vector<16xf32>,
      %get3A_1048 = arith.constant 288 : index
      %get3A_1049 = tpu.vector_load %arg11[%get3A_1048] {strides = array<i32>} : memref<640xf32, #tpu.memory_space<vmem>>, vector<16xf32>,
      %get3A_1050 = arith.constant 288 : index
      %get3A_1051 = tpu.vector_load %arg13[%get3A_1050] {strides = array<i32>} : memref<640xf32, #tpu.memory_space<vmem>>, vector<16xf32>,
      %add3A_1052 = arith.addf %get3A_1049, %get3A_1051 : vector<16xf32>
      %swap3A_1053 = arith.constant 288 : index
      %swap3A_1054 = tpu.vector_load %arg11[%swap3A_1053] {strides = array<i32>} : memref<640xf32, #tpu.memory_space<vmem>>, vector<16xf32>,
      tpu.vector_store %arg11[%swap3A_1053], %add3A_1052 {strides = array<i32>} : memref<640xf32, #tpu.memory_space<vmem>>, vector<16xf32>,
      %get3A_1055 = arith.constant 304 : index
      %get3A_1056 = tpu.vector_load %arg11[%get3A_1055] {strides = array<i32>} : memref<640xf32, #tpu.memory_space<vmem>>, vector<16xf32>,
      %get3A_1057 = arith.constant 304 : index
      %get3A_1058 = tpu.vector_load %arg13[%get3A_1057] {strides = array<i32>} : memref<640xf32, #tpu.memory_space<vmem>>, vector<16xf32>,
      %add3A_1059 = arith.addf %get3A_1056, %get3A_1058 : vector<16xf32>
      %swap3A_1060 = arith.constant 304 : index
      %swap3A_1061 = tpu.vector_load %arg11[%swap3A_1060] {strides = array<i32>} : memref<640xf32, #tpu.memory_space<vmem>>, vector<16xf32>,
      tpu.vector_store %arg11[%swap3A_1060], %add3A_1059 {strides = array<i32>} : memref<640xf32, #tpu.memory_space<vmem>>, vector<16xf32>,
      %get3A_1062 = arith.constant 320 : index
      %get3A_1063 = tpu.vector_load %arg11[%get3A_1062] {strides = array<i32>} : memref<640xf32, #tpu.memory_space<vmem>>, vector<16xf32>,
      %get3A_1064 = arith.constant 320 : index
      %get3A_1065 = tpu.vector_load %arg13[%get3A_1064] {strides = array<i32>} : memref<640xf32, #tpu.memory_space<vmem>>, vector<16xf32>,
      %add3A_1066 = arith.addf %get3A_1063, %get3A_1065 : vector<16xf32>
      %swap3A_1067 = arith.constant 320 : index
      %swap3A_1068 = tpu.vector_load %arg11[%swap3A_1067] {strides = array<i32>} : memref<640xf32, #tpu.memory_space<vmem>>, vector<16xf32>,
      tpu.vector_store %arg11[%swap3A_1067], %add3A_1066 {strides = array<i32>} : memref<640xf32, #tpu.memory_space<vmem>>, vector<16xf32>,
      %get3A_1069 = arith.constant 336 : index
      %get3A_1070 = tpu.vector_load %arg11[%get3A_1069] {strides = array<i32>} : memref<640xf32, #tpu.memory_space<vmem>>, vector<16xf32>,
      %get3A_1071 = arith.constant 336 : index
      %get3A_1072 = tpu.vector_load %arg13[%get3A_1071] {strides = array<i32>} : memref<640xf32, #tpu.memory_space<vmem>>, vector<16xf32>,
      %add3A_1073 = arith.addf %get3A_1070, %get3A_1072 : vector<16xf32>
      %swap3A_1074 = arith.constant 336 : index
      %swap3A_1075 = tpu.vector_load %arg11[%swap3A_1074] {strides = array<i32>} : memref<640xf32, #tpu.memory_space<vmem>>, vector<16xf32>,
      tpu.vector_store %arg11[%swap3A_1074], %add3A_1073 {strides = array<i32>} : memref<640xf32, #tpu.memory_space<vmem>>, vector<16xf32>,
      %get3A_1076 = arith.constant 352 : index
      %get3A_1077 = tpu.vector_load %arg11[%get3A_1076] {strides = array<i32>} : memref<640xf32, #tpu.memory_space<vmem>>, vector<16xf32>,
      %get3A_1078 = arith.constant 352 : index
      %get3A_1079 = tpu.vector_load %arg13[%get3A_1078] {strides = array<i32>} : memref<640xf32, #tpu.memory_space<vmem>>, vector<16xf32>,
      %add3A_1080 = arith.addf %get3A_1077, %get3A_1079 : vector<16xf32>
      %swap3A_1081 = arith.constant 352 : index
      %swap3A_1082 = tpu.vector_load %arg11[%swap3A_1081] {strides = array<i32>} : memref<640xf32, #tpu.memory_space<vmem>>, vector<16xf32>,
      tpu.vector_store %arg11[%swap3A_1081], %add3A_1080 {strides = array<i32>} : memref<640xf32, #tpu.memory_space<vmem>>, vector<16xf32>,
      %get3A_1083 = arith.constant 368 : index
      %get3A_1084 = tpu.vector_load %arg11[%get3A_1083] {strides = array<i32>} : memref<640xf32, #tpu.memory_space<vmem>>, vector<16xf32>,
      %get3A_1085 = arith.constant 368 : index
      %get3A_1086 = tpu.vector_load %arg13[%get3A_1085] {strides = array<i32>} : memref<640xf32, #tpu.memory_space<vmem>>, vector<16xf32>,
      %add3A_1087 = arith.addf %get3A_1084, %get3A_1086 : vector<16xf32>
      %swap3A_1088 = arith.constant 368 : index
      %swap3A_1089 = tpu.vector_load %arg11[%swap3A_1088] {strides = array<i32>} : memref<640xf32, #tpu.memory_space<vmem>>, vector<16xf32>,
      tpu.vector_store %arg11[%swap3A_1088], %add3A_1087 {strides = array<i32>} : memref<640xf32, #tpu.memory_space<vmem>>, vector<16xf32>,
      %get3A_1090 = arith.constant 384 : index
      %get3A_1091 = tpu.vector_load %arg11[%get3A_1090] {strides = array<i32>} : memref<640xf32, #tpu.memory_space<vmem>>, vector<16xf32>,
      %get3A_1092 = arith.constant 384 : index
      %get3A_1093 = tpu.vector_load %arg13[%get3A_1092] {strides = array<i32>} : memref<640xf32, #tpu.memory_space<vmem>>, vector<16xf32>,
      %add3A_1094 = arith.addf %get3A_1091, %get3A_1093 : vector<16xf32>
      %swap3A_1095 = arith.constant 384 : index
      %swap3A_1096 = tpu.vector_load %arg11[%swap3A_1095] {strides = array<i32>} : memref<640xf32, #tpu.memory_space<vmem>>, vector<16xf32>,
      tpu.vector_store %arg11[%swap3A_1095], %add3A_1094 {strides = array<i32>} : memref<640xf32, #tpu.memory_space<vmem>>, vector<16xf32>,
      %get3A_1097 = arith.constant 400 : index
      %get3A_1098 = tpu.vector_load %arg11[%get3A_1097] {strides = array<i32>} : memref<640xf32, #tpu.memory_space<vmem>>, vector<16xf32>,
      %get3A_1099 = arith.constant 400 : index
      %get3A_1100 = tpu.vector_load %arg13[%get3A_1099] {strides = array<i32>} : memref<640xf32, #tpu.memory_space<vmem>>, vector<16xf32>,
      %add3A_1101 = arith.addf %get3A_1098, %get3A_1100 : vector<16xf32>
      %swap3A_1102 = arith.constant 400 : index
      %swap3A_1103 = tpu.vector_load %arg11[%swap3A_1102] {strides = array<i32>} : memref<640xf32, #tpu.memory_space<vmem>>, vector<16xf32>,
      tpu.vector_store %arg11[%swap3A_1102], %add3A_1101 {strides = array<i32>} : memref<640xf32, #tpu.memory_space<vmem>>, vector<16xf32>,
      %get3A_1104 = arith.constant 416 : index
      %get3A_1105 = tpu.vector_load %arg11[%get3A_1104] {strides = array<i32>} : memref<640xf32, #tpu.memory_space<vmem>>, vector<16xf32>,
      %get3A_1106 = arith.constant 416 : index
      %get3A_1107 = tpu.vector_load %arg13[%get3A_1106] {strides = array<i32>} : memref<640xf32, #tpu.memory_space<vmem>>, vector<16xf32>,
      %add3A_1108 = arith.addf %get3A_1105, %get3A_1107 : vector<16xf32>
      %swap3A_1109 = arith.constant 416 : index
      %swap3A_1110 = tpu.vector_load %arg11[%swap3A_1109] {strides = array<i32>} : memref<640xf32, #tpu.memory_space<vmem>>, vector<16xf32>,
      tpu.vector_store %arg11[%swap3A_1109], %add3A_1108 {strides = array<i32>} : memref<640xf32, #tpu.memory_space<vmem>>, vector<16xf32>,
      %get3A_1111 = arith.constant 432 : index
      %get3A_1112 = tpu.vector_load %arg11[%get3A_1111] {strides = array<i32>} : memref<640xf32, #tpu.memory_space<vmem>>, vector<16xf32>,
      %get3A_1113 = arith.constant 432 : index
      %get3A_1114 = tpu.vector_load %arg13[%get3A_1113] {strides = array<i32>} : memref<640xf32, #tpu.memory_space<vmem>>, vector<16xf32>,
      %add3A_1115 = arith.addf %get3A_1112, %get3A_1114 : vector<16xf32>
      %swap3A_1116 = arith.constant 432 : index
      %swap3A_1117 = tpu.vector_load %arg11[%swap3A_1116] {strides = array<i32>} : memref<640xf32, #tpu.memory_space<vmem>>, vector<16xf32>,
      tpu.vector_store %arg11[%swap3A_1116], %add3A_1115 {strides = array<i32>} : memref<640xf32, #tpu.memory_space<vmem>>, vector<16xf32>,
      %get3A_1118 = arith.constant 448 : index
      %get3A_1119 = tpu.vector_load %arg11[%get3A_1118] {strides = array<i32>} : memref<640xf32, #tpu.memory_space<vmem>>, vector<16xf32>,
      %get3A_1120 = arith.constant 448 : index
      %get3A_1121 = tpu.vector_load %arg13[%get3A_1120] {strides = array<i32>} : memref<640xf32, #tpu.memory_space<vmem>>, vector<16xf32>,
      %add3A_1122 = arith.addf %get3A_1119, %get3A_1121 : vector<16xf32>
      %swap3A_1123 = arith.constant 448 : index
      %swap3A_1124 = tpu.vector_load %arg11[%swap3A_1123] {strides = array<i32>} : memref<640xf32, #tpu.memory_space<vmem>>, vector<16xf32>,
      tpu.vector_store %arg11[%swap3A_1123], %add3A_1122 {strides = array<i32>} : memref<640xf32, #tpu.memory_space<vmem>>, vector<16xf32>,
      %get3A_1125 = arith.constant 464 : index
      %get3A_1126 = tpu.vector_load %arg11[%get3A_1125] {strides = array<i32>} : memref<640xf32, #tpu.memory_space<vmem>>, vector<16xf32>,
      %get3A_1127 = arith.constant 464 : index
      %get3A_1128 = tpu.vector_load %arg13[%get3A_1127] {strides = array<i32>} : memref<640xf32, #tpu.memory_space<vmem>>, vector<16xf32>,
      %add3A_1129 = arith.addf %get3A_1126, %get3A_1128 : vector<16xf32>
      %swap3A_1130 = arith.constant 464 : index
      %swap3A_1131 = tpu.vector_load %arg11[%swap3A_1130] {strides = array<i32>} : memref<640xf32, #tpu.memory_space<vmem>>, vector<16xf32>,
      tpu.vector_store %arg11[%swap3A_1130], %add3A_1129 {strides = array<i32>} : memref<640xf32, #tpu.memory_space<vmem>>, vector<16xf32>,
      %get3A_1132 = arith.constant 480 : index
      %get3A_1133 = tpu.vector_load %arg11[%get3A_1132] {strides = array<i32>} : memref<640xf32, #tpu.memory_space<vmem>>, vector<16xf32>,
      %get3A_1134 = arith.constant 480 : index
      %get3A_1135 = tpu.vector_load %arg13[%get3A_1134] {strides = array<i32>} : memref<640xf32, #tpu.memory_space<vmem>>, vector<16xf32>,
      %add3A_1136 = arith.addf %get3A_1133, %get3A_1135 : vector<16xf32>
      %swap3A_1137 = arith.constant 480 : index
      %swap3A_1138 = tpu.vector_load %arg11[%swap3A_1137] {strides = array<i32>} : memref<640xf32, #tpu.memory_space<vmem>>, vector<16xf32>,
      tpu.vector_store %arg11[%swap3A_1137], %add3A_1136 {strides = array<i32>} : memref<640xf32, #tpu.memory_space<vmem>>, vector<16xf32>,
      %get3A_1139 = arith.constant 496 : index
      %get3A_1140 = tpu.vector_load %arg11[%get3A_1139] {strides = array<i32>} : memref<640xf32, #tpu.memory_space<vmem>>, vector<16xf32>,
      %get3A_1141 = arith.constant 496 : index
      %get3A_1142 = tpu.vector_load %arg13[%get3A_1141] {strides = array<i32>} : memref<640xf32, #tpu.memory_space<vmem>>, vector<16xf32>,
      %add3A_1143 = arith.addf %get3A_1140, %get3A_1142 : vector<16xf32>
      %swap3A_1144 = arith.constant 496 : index
      %swap3A_1145 = tpu.vector_load %arg11[%swap3A_1144] {strides = array<i32>} : memref<640xf32, #tpu.memory_space<vmem>>, vector<16xf32>,
      tpu.vector_store %arg11[%swap3A_1144], %add3A_1143 {strides = array<i32>} : memref<640xf32, #tpu.memory_space<vmem>>, vector<16xf32>,
      %get3A_1146 = arith.constant 512 : index
      %get3A_1147 = tpu.vector_load %arg11[%get3A_1146] {strides = array<i32>} : memref<640xf32, #tpu.memory_space<vmem>>, vector<16xf32>,
      %get3A_1148 = arith.constant 512 : index
      %get3A_1149 = tpu.vector_load %arg13[%get3A_1148] {strides = array<i32>} : memref<640xf32, #tpu.memory_space<vmem>>, vector<16xf32>,
      %add3A_1150 = arith.addf %get3A_1147, %get3A_1149 : vector<16xf32>
      %swap3A_1151 = arith.constant 512 : index
      %swap3A_1152 = tpu.vector_load %arg11[%swap3A_1151] {strides = array<i32>} : memref<640xf32, #tpu.memory_space<vmem>>, vector<16xf32>,
      tpu.vector_store %arg11[%swap3A_1151], %add3A_1150 {strides = array<i32>} : memref<640xf32, #tpu.memory_space<vmem>>, vector<16xf32>,
      %get3A_1153 = arith.constant 528 : index
      %get3A_1154 = tpu.vector_load %arg11[%get3A_1153] {strides = array<i32>} : memref<640xf32, #tpu.memory_space<vmem>>, vector<16xf32>,
      %get3A_1155 = arith.constant 528 : index
      %get3A_1156 = tpu.vector_load %arg13[%get3A_1155] {strides = array<i32>} : memref<640xf32, #tpu.memory_space<vmem>>, vector<16xf32>,
      %add3A_1157 = arith.addf %get3A_1154, %get3A_1156 : vector<16xf32>
      %swap3A_1158 = arith.constant 528 : index
      %swap3A_1159 = tpu.vector_load %arg11[%swap3A_1158] {strides = array<i32>} : memref<640xf32, #tpu.memory_space<vmem>>, vector<16xf32>,
      tpu.vector_store %arg11[%swap3A_1158], %add3A_1157 {strides = array<i32>} : memref<640xf32, #tpu.memory_space<vmem>>, vector<16xf32>,
      %get3A_1160 = arith.constant 544 : index
      %get3A_1161 = tpu.vector_load %arg11[%get3A_1160] {strides = array<i32>} : memref<640xf32, #tpu.memory_space<vmem>>, vector<16xf32>,
      %get3A_1162 = arith.constant 544 : index
      %get3A_1163 = tpu.vector_load %arg13[%get3A_1162] {strides = array<i32>} : memref<640xf32, #tpu.memory_space<vmem>>, vector<16xf32>,
      %add3A_1164 = arith.addf %get3A_1161, %get3A_1163 : vector<16xf32>
      %swap3A_1165 = arith.constant 544 : index
      %swap3A_1166 = tpu.vector_load %arg11[%swap3A_1165] {strides = array<i32>} : memref<640xf32, #tpu.memory_space<vmem>>, vector<16xf32>,
      tpu.vector_store %arg11[%swap3A_1165], %add3A_1164 {strides = array<i32>} : memref<640xf32, #tpu.memory_space<vmem>>, vector<16xf32>,
      %get3A_1167 = arith.constant 560 : index
      %get3A_1168 = tpu.vector_load %arg11[%get3A_1167] {strides = array<i32>} : memref<640xf32, #tpu.memory_space<vmem>>, vector<16xf32>,
      %get3A_1169 = arith.constant 560 : index
      %get3A_1170 = tpu.vector_load %arg13[%get3A_1169] {strides = array<i32>} : memref<640xf32, #tpu.memory_space<vmem>>, vector<16xf32>,
      %add3A_1171 = arith.addf %get3A_1168, %get3A_1170 : vector<16xf32>
      %swap3A_1172 = arith.constant 560 : index
      %swap3A_1173 = tpu.vector_load %arg11[%swap3A_1172] {strides = array<i32>} : memref<640xf32, #tpu.memory_space<vmem>>, vector<16xf32>,
      tpu.vector_store %arg11[%swap3A_1172], %add3A_1171 {strides = array<i32>} : memref<640xf32, #tpu.memory_space<vmem>>, vector<16xf32>,
      %get3A_1174 = arith.constant 576 : index
      %get3A_1175 = tpu.vector_load %arg11[%get3A_1174] {strides = array<i32>} : memref<640xf32, #tpu.memory_space<vmem>>, vector<16xf32>,
      %get3A_1176 = arith.constant 576 : index
      %get3A_1177 = tpu.vector_load %arg13[%get3A_1176] {strides = array<i32>} : memref<640xf32, #tpu.memory_space<vmem>>, vector<16xf32>,
      %add3A_1178 = arith.addf %get3A_1175, %get3A_1177 : vector<16xf32>
      %swap3A_1179 = arith.constant 576 : index
      %swap3A_1180 = tpu.vector_load %arg11[%swap3A_1179] {strides = array<i32>} : memref<640xf32, #tpu.memory_space<vmem>>, vector<16xf32>,
      tpu.vector_store %arg11[%swap3A_1179], %add3A_1178 {strides = array<i32>} : memref<640xf32, #tpu.memory_space<vmem>>, vector<16xf32>,
      %get3A_1181 = arith.constant 592 : index
      %get3A_1182 = tpu.vector_load %arg11[%get3A_1181] {strides = array<i32>} : memref<640xf32, #tpu.memory_space<vmem>>, vector<16xf32>,
      %get3A_1183 = arith.constant 592 : index
      %get3A_1184 = tpu.vector_load %arg13[%get3A_1183] {strides = array<i32>} : memref<640xf32, #tpu.memory_space<vmem>>, vector<16xf32>,
      %add3A_1185 = arith.addf %get3A_1182, %get3A_1184 : vector<16xf32>
      %swap3A_1186 = arith.constant 592 : index
      %swap3A_1187 = tpu.vector_load %arg11[%swap3A_1186] {strides = array<i32>} : memref<640xf32, #tpu.memory_space<vmem>>, vector<16xf32>,
      tpu.vector_store %arg11[%swap3A_1186], %add3A_1185 {strides = array<i32>} : memref<640xf32, #tpu.memory_space<vmem>>, vector<16xf32>,
      %get3A_1188 = arith.constant 608 : index
      %get3A_1189 = tpu.vector_load %arg11[%get3A_1188] {strides = array<i32>} : memref<640xf32, #tpu.memory_space<vmem>>, vector<16xf32>,
      %get3A_1190 = arith.constant 608 : index
      %get3A_1191 = tpu.vector_load %arg13[%get3A_1190] {strides = array<i32>} : memref<640xf32, #tpu.memory_space<vmem>>, vector<16xf32>,
      %add3A_1192 = arith.addf %get3A_1189, %get3A_1191 : vector<16xf32>
      %swap3A_1193 = arith.constant 608 : index
      %swap3A_1194 = tpu.vector_load %arg11[%swap3A_1193] {strides = array<i32>} : memref<640xf32, #tpu.memory_space<vmem>>, vector<16xf32>,
      tpu.vector_store %arg11[%swap3A_1193], %add3A_1192 {strides = array<i32>} : memref<640xf32, #tpu.memory_space<vmem>>, vector<16xf32>,
      %get3A_1195 = arith.constant 624 : index
      %get3A_1196 = tpu.vector_load %arg11[%get3A_1195] {strides = array<i32>} : memref<640xf32, #tpu.memory_space<vmem>>, vector<16xf32>,
      %get3A_1197 = arith.constant 624 : index
      %get3A_1198 = tpu.vector_load %arg13[%get3A_1197] {strides = array<i32>} : memref<640xf32, #tpu.memory_space<vmem>>, vector<16xf32>,
      %add3A_1199 = arith.addf %get3A_1196, %get3A_1198 : vector<16xf32>
      %swap3A_1200 = arith.constant 624 : index
      %swap3A_1201 = tpu.vector_load %arg11[%swap3A_1200] {strides = array<i32>} : memref<640xf32, #tpu.memory_space<vmem>>, vector<16xf32>,
      tpu.vector_store %arg11[%swap3A_1200], %add3A_1199 {strides = array<i32>} : memref<640xf32, #tpu.memory_space<vmem>>, vector<16xf32>,
      %get3A_1202 = arith.constant 0 : index
      %get3A_1203 = tpu.vector_load %arg11[%get3A_1202] {strides = array<i32>} : memref<640xf32, #tpu.memory_space<vmem>>, vector<16xf32>,
      %get3A_1204 = arith.constant 0 : index
      %get3A_1205 = tpu.vector_load %arg10[%get3A_1204] {strides = array<i32>} : memref<640xf32, #tpu.memory_space<vmem>>, vector<16xf32>,
      %min3A = arith.minimumf %get3A_1203, %get3A_1205 : vector<16xf32>
      %swap3A_1206 = arith.constant 0 : index
      %swap3A_1207 = tpu.vector_load %arg11[%swap3A_1206] {strides = array<i32>} : memref<640xf32, #tpu.memory_space<vmem>>, vector<16xf32>,
      tpu.vector_store %arg11[%swap3A_1206], %min3A {strides = array<i32>} : memref<640xf32, #tpu.memory_space<vmem>>, vector<16xf32>,
      %get3A_1208 = arith.constant 16 : index
      %get3A_1209 = tpu.vector_load %arg11[%get3A_1208] {strides = array<i32>} : memref<640xf32, #tpu.memory_space<vmem>>, vector<16xf32>,
      %get3A_1210 = arith.constant 16 : index
      %get3A_1211 = tpu.vector_load %arg10[%get3A_1210] {strides = array<i32>} : memref<640xf32, #tpu.memory_space<vmem>>, vector<16xf32>,
      %min3A_1212 = arith.minimumf %get3A_1209, %get3A_1211 : vector<16xf32>
      %swap3A_1213 = arith.constant 16 : index
      %swap3A_1214 = tpu.vector_load %arg11[%swap3A_1213] {strides = array<i32>} : memref<640xf32, #tpu.memory_space<vmem>>, vector<16xf32>,
      tpu.vector_store %arg11[%swap3A_1213], %min3A_1212 {strides = array<i32>} : memref<640xf32, #tpu.memory_space<vmem>>, vector<16xf32>,
      %get3A_1215 = arith.constant 32 : index
      %get3A_1216 = tpu.vector_load %arg11[%get3A_1215] {strides = array<i32>} : memref<640xf32, #tpu.memory_space<vmem>>, vector<16xf32>,
      %get3A_1217 = arith.constant 32 : index
      %get3A_1218 = tpu.vector_load %arg10[%get3A_1217] {strides = array<i32>} : memref<640xf32, #tpu.memory_space<vmem>>, vector<16xf32>,
      %min3A_1219 = arith.minimumf %get3A_1216, %get3A_1218 : vector<16xf32>
      %swap3A_1220 = arith.constant 32 : index
      %swap3A_1221 = tpu.vector_load %arg11[%swap3A_1220] {strides = array<i32>} : memref<640xf32, #tpu.memory_space<vmem>>, vector<16xf32>,
      tpu.vector_store %arg11[%swap3A_1220], %min3A_1219 {strides = array<i32>} : memref<640xf32, #tpu.memory_space<vmem>>, vector<16xf32>,
      %get3A_1222 = arith.constant 48 : index
      %get3A_1223 = tpu.vector_load %arg11[%get3A_1222] {strides = array<i32>} : memref<640xf32, #tpu.memory_space<vmem>>, vector<16xf32>,
      %get3A_1224 = arith.constant 48 : index
      %get3A_1225 = tpu.vector_load %arg10[%get3A_1224] {strides = array<i32>} : memref<640xf32, #tpu.memory_space<vmem>>, vector<16xf32>,
      %min3A_1226 = arith.minimumf %get3A_1223, %get3A_1225 : vector<16xf32>
      %swap3A_1227 = arith.constant 48 : index
      %swap3A_1228 = tpu.vector_load %arg11[%swap3A_1227] {strides = array<i32>} : memref<640xf32, #tpu.memory_space<vmem>>, vector<16xf32>,
      tpu.vector_store %arg11[%swap3A_1227], %min3A_1226 {strides = array<i32>} : memref<640xf32, #tpu.memory_space<vmem>>, vector<16xf32>,
      %get3A_1229 = arith.constant 64 : index
      %get3A_1230 = tpu.vector_load %arg11[%get3A_1229] {strides = array<i32>} : memref<640xf32, #tpu.memory_space<vmem>>, vector<16xf32>,
      %get3A_1231 = arith.constant 64 : index
      %get3A_1232 = tpu.vector_load %arg10[%get3A_1231] {strides = array<i32>} : memref<640xf32, #tpu.memory_space<vmem>>, vector<16xf32>,
      %min3A_1233 = arith.minimumf %get3A_1230, %get3A_1232 : vector<16xf32>
      %swap3A_1234 = arith.constant 64 : index
      %swap3A_1235 = tpu.vector_load %arg11[%swap3A_1234] {strides = array<i32>} : memref<640xf32, #tpu.memory_space<vmem>>, vector<16xf32>,
      tpu.vector_store %arg11[%swap3A_1234], %min3A_1233 {strides = array<i32>} : memref<640xf32, #tpu.memory_space<vmem>>, vector<16xf32>,
      %get3A_1236 = arith.constant 80 : index
      %get3A_1237 = tpu.vector_load %arg11[%get3A_1236] {strides = array<i32>} : memref<640xf32, #tpu.memory_space<vmem>>, vector<16xf32>,
      %get3A_1238 = arith.constant 80 : index
      %get3A_1239 = tpu.vector_load %arg10[%get3A_1238] {strides = array<i32>} : memref<640xf32, #tpu.memory_space<vmem>>, vector<16xf32>,
      %min3A_1240 = arith.minimumf %get3A_1237, %get3A_1239 : vector<16xf32>
      %swap3A_1241 = arith.constant 80 : index
      %swap3A_1242 = tpu.vector_load %arg11[%swap3A_1241] {strides = array<i32>} : memref<640xf32, #tpu.memory_space<vmem>>, vector<16xf32>,
      tpu.vector_store %arg11[%swap3A_1241], %min3A_1240 {strides = array<i32>} : memref<640xf32, #tpu.memory_space<vmem>>, vector<16xf32>,
      %get3A_1243 = arith.constant 96 : index
      %get3A_1244 = tpu.vector_load %arg11[%get3A_1243] {strides = array<i32>} : memref<640xf32, #tpu.memory_space<vmem>>, vector<16xf32>,
      %get3A_1245 = arith.constant 96 : index
      %get3A_1246 = tpu.vector_load %arg10[%get3A_1245] {strides = array<i32>} : memref<640xf32, #tpu.memory_space<vmem>>, vector<16xf32>,
      %min3A_1247 = arith.minimumf %get3A_1244, %get3A_1246 : vector<16xf32>
      %swap3A_1248 = arith.constant 96 : index
      %swap3A_1249 = tpu.vector_load %arg11[%swap3A_1248] {strides = array<i32>} : memref<640xf32, #tpu.memory_space<vmem>>, vector<16xf32>,
      tpu.vector_store %arg11[%swap3A_1248], %min3A_1247 {strides = array<i32>} : memref<640xf32, #tpu.memory_space<vmem>>, vector<16xf32>,
      %get3A_1250 = arith.constant 112 : index
      %get3A_1251 = tpu.vector_load %arg11[%get3A_1250] {strides = array<i32>} : memref<640xf32, #tpu.memory_space<vmem>>, vector<16xf32>,
      %get3A_1252 = arith.constant 112 : index
      %get3A_1253 = tpu.vector_load %arg10[%get3A_1252] {strides = array<i32>} : memref<640xf32, #tpu.memory_space<vmem>>, vector<16xf32>,
      %min3A_1254 = arith.minimumf %get3A_1251, %get3A_1253 : vector<16xf32>
      %swap3A_1255 = arith.constant 112 : index
      %swap3A_1256 = tpu.vector_load %arg11[%swap3A_1255] {strides = array<i32>} : memref<640xf32, #tpu.memory_space<vmem>>, vector<16xf32>,
      tpu.vector_store %arg11[%swap3A_1255], %min3A_1254 {strides = array<i32>} : memref<640xf32, #tpu.memory_space<vmem>>, vector<16xf32>,
      %get3A_1257 = arith.constant 128 : index
      %get3A_1258 = tpu.vector_load %arg11[%get3A_1257] {strides = array<i32>} : memref<640xf32, #tpu.memory_space<vmem>>, vector<16xf32>,
      %get3A_1259 = arith.constant 128 : index
      %get3A_1260 = tpu.vector_load %arg10[%get3A_1259] {strides = array<i32>} : memref<640xf32, #tpu.memory_space<vmem>>, vector<16xf32>,
      %min3A_1261 = arith.minimumf %get3A_1258, %get3A_1260 : vector<16xf32>
      %swap3A_1262 = arith.constant 128 : index
      %swap3A_1263 = tpu.vector_load %arg11[%swap3A_1262] {strides = array<i32>} : memref<640xf32, #tpu.memory_space<vmem>>, vector<16xf32>,
      tpu.vector_store %arg11[%swap3A_1262], %min3A_1261 {strides = array<i32>} : memref<640xf32, #tpu.memory_space<vmem>>, vector<16xf32>,
      %get3A_1264 = arith.constant 144 : index
      %get3A_1265 = tpu.vector_load %arg11[%get3A_1264] {strides = array<i32>} : memref<640xf32, #tpu.memory_space<vmem>>, vector<16xf32>,
      %get3A_1266 = arith.constant 144 : index
      %get3A_1267 = tpu.vector_load %arg10[%get3A_1266] {strides = array<i32>} : memref<640xf32, #tpu.memory_space<vmem>>, vector<16xf32>,
      %min3A_1268 = arith.minimumf %get3A_1265, %get3A_1267 : vector<16xf32>
      %swap3A_1269 = arith.constant 144 : index
      %swap3A_1270 = tpu.vector_load %arg11[%swap3A_1269] {strides = array<i32>} : memref<640xf32, #tpu.memory_space<vmem>>, vector<16xf32>,
      tpu.vector_store %arg11[%swap3A_1269], %min3A_1268 {strides = array<i32>} : memref<640xf32, #tpu.memory_space<vmem>>, vector<16xf32>,
      %get3A_1271 = arith.constant 160 : index
      %get3A_1272 = tpu.vector_load %arg11[%get3A_1271] {strides = array<i32>} : memref<640xf32, #tpu.memory_space<vmem>>, vector<16xf32>,
      %get3A_1273 = arith.constant 160 : index
      %get3A_1274 = tpu.vector_load %arg10[%get3A_1273] {strides = array<i32>} : memref<640xf32, #tpu.memory_space<vmem>>, vector<16xf32>,
      %min3A_1275 = arith.minimumf %get3A_1272, %get3A_1274 : vector<16xf32>
      %swap3A_1276 = arith.constant 160 : index
      %swap3A_1277 = tpu.vector_load %arg11[%swap3A_1276] {strides = array<i32>} : memref<640xf32, #tpu.memory_space<vmem>>, vector<16xf32>,
      tpu.vector_store %arg11[%swap3A_1276], %min3A_1275 {strides = array<i32>} : memref<640xf32, #tpu.memory_space<vmem>>, vector<16xf32>,
      %get3A_1278 = arith.constant 176 : index
      %get3A_1279 = tpu.vector_load %arg11[%get3A_1278] {strides = array<i32>} : memref<640xf32, #tpu.memory_space<vmem>>, vector<16xf32>,
      %get3A_1280 = arith.constant 176 : index
      %get3A_1281 = tpu.vector_load %arg10[%get3A_1280] {strides = array<i32>} : memref<640xf32, #tpu.memory_space<vmem>>, vector<16xf32>,
      %min3A_1282 = arith.minimumf %get3A_1279, %get3A_1281 : vector<16xf32>
      %swap3A_1283 = arith.constant 176 : index
      %swap3A_1284 = tpu.vector_load %arg11[%swap3A_1283] {strides = array<i32>} : memref<640xf32, #tpu.memory_space<vmem>>, vector<16xf32>,
      tpu.vector_store %arg11[%swap3A_1283], %min3A_1282 {strides = array<i32>} : memref<640xf32, #tpu.memory_space<vmem>>, vector<16xf32>,
      %get3A_1285 = arith.constant 192 : index
      %get3A_1286 = tpu.vector_load %arg11[%get3A_1285] {strides = array<i32>} : memref<640xf32, #tpu.memory_space<vmem>>, vector<16xf32>,
      %get3A_1287 = arith.constant 192 : index
      %get3A_1288 = tpu.vector_load %arg10[%get3A_1287] {strides = array<i32>} : memref<640xf32, #tpu.memory_space<vmem>>, vector<16xf32>,
      %min3A_1289 = arith.minimumf %get3A_1286, %get3A_1288 : vector<16xf32>
      %swap3A_1290 = arith.constant 192 : index
      %swap3A_1291 = tpu.vector_load %arg11[%swap3A_1290] {strides = array<i32>} : memref<640xf32, #tpu.memory_space<vmem>>, vector<16xf32>,
      tpu.vector_store %arg11[%swap3A_1290], %min3A_1289 {strides = array<i32>} : memref<640xf32, #tpu.memory_space<vmem>>, vector<16xf32>,
      %get3A_1292 = arith.constant 208 : index
      %get3A_1293 = tpu.vector_load %arg11[%get3A_1292] {strides = array<i32>} : memref<640xf32, #tpu.memory_space<vmem>>, vector<16xf32>,
      %get3A_1294 = arith.constant 208 : index
      %get3A_1295 = tpu.vector_load %arg10[%get3A_1294] {strides = array<i32>} : memref<640xf32, #tpu.memory_space<vmem>>, vector<16xf32>,
      %min3A_1296 = arith.minimumf %get3A_1293, %get3A_1295 : vector<16xf32>
      %swap3A_1297 = arith.constant 208 : index
      %swap3A_1298 = tpu.vector_load %arg11[%swap3A_1297] {strides = array<i32>} : memref<640xf32, #tpu.memory_space<vmem>>, vector<16xf32>,
      tpu.vector_store %arg11[%swap3A_1297], %min3A_1296 {strides = array<i32>} : memref<640xf32, #tpu.memory_space<vmem>>, vector<16xf32>,
      %get3A_1299 = arith.constant 224 : index
      %get3A_1300 = tpu.vector_load %arg11[%get3A_1299] {strides = array<i32>} : memref<640xf32, #tpu.memory_space<vmem>>, vector<16xf32>,
      %get3A_1301 = arith.constant 224 : index
      %get3A_1302 = tpu.vector_load %arg10[%get3A_1301] {strides = array<i32>} : memref<640xf32, #tpu.memory_space<vmem>>, vector<16xf32>,
      %min3A_1303 = arith.minimumf %get3A_1300, %get3A_1302 : vector<16xf32>
      %swap3A_1304 = arith.constant 224 : index
      %swap3A_1305 = tpu.vector_load %arg11[%swap3A_1304] {strides = array<i32>} : memref<640xf32, #tpu.memory_space<vmem>>, vector<16xf32>,
      tpu.vector_store %arg11[%swap3A_1304], %min3A_1303 {strides = array<i32>} : memref<640xf32, #tpu.memory_space<vmem>>, vector<16xf32>,
      %get3A_1306 = arith.constant 240 : index
      %get3A_1307 = tpu.vector_load %arg11[%get3A_1306] {strides = array<i32>} : memref<640xf32, #tpu.memory_space<vmem>>, vector<16xf32>,
      %get3A_1308 = arith.constant 240 : index
      %get3A_1309 = tpu.vector_load %arg10[%get3A_1308] {strides = array<i32>} : memref<640xf32, #tpu.memory_space<vmem>>, vector<16xf32>,
      %min3A_1310 = arith.minimumf %get3A_1307, %get3A_1309 : vector<16xf32>
      %swap3A_1311 = arith.constant 240 : index
      %swap3A_1312 = tpu.vector_load %arg11[%swap3A_1311] {strides = array<i32>} : memref<640xf32, #tpu.memory_space<vmem>>, vector<16xf32>,
      tpu.vector_store %arg11[%swap3A_1311], %min3A_1310 {strides = array<i32>} : memref<640xf32, #tpu.memory_space<vmem>>, vector<16xf32>,
      %get3A_1313 = arith.constant 256 : index
      %get3A_1314 = tpu.vector_load %arg11[%get3A_1313] {strides = array<i32>} : memref<640xf32, #tpu.memory_space<vmem>>, vector<16xf32>,
      %get3A_1315 = arith.constant 256 : index
      %get3A_1316 = tpu.vector_load %arg10[%get3A_1315] {strides = array<i32>} : memref<640xf32, #tpu.memory_space<vmem>>, vector<16xf32>,
      %min3A_1317 = arith.minimumf %get3A_1314, %get3A_1316 : vector<16xf32>
      %swap3A_1318 = arith.constant 256 : index
      %swap3A_1319 = tpu.vector_load %arg11[%swap3A_1318] {strides = array<i32>} : memref<640xf32, #tpu.memory_space<vmem>>, vector<16xf32>,
      tpu.vector_store %arg11[%swap3A_1318], %min3A_1317 {strides = array<i32>} : memref<640xf32, #tpu.memory_space<vmem>>, vector<16xf32>,
      %get3A_1320 = arith.constant 272 : index
      %get3A_1321 = tpu.vector_load %arg11[%get3A_1320] {strides = array<i32>} : memref<640xf32, #tpu.memory_space<vmem>>, vector<16xf32>,
      %get3A_1322 = arith.constant 272 : index
      %get3A_1323 = tpu.vector_load %arg10[%get3A_1322] {strides = array<i32>} : memref<640xf32, #tpu.memory_space<vmem>>, vector<16xf32>,
      %min3A_1324 = arith.minimumf %get3A_1321, %get3A_1323 : vector<16xf32>
      %swap3A_1325 = arith.constant 272 : index
      %swap3A_1326 = tpu.vector_load %arg11[%swap3A_1325] {strides = array<i32>} : memref<640xf32, #tpu.memory_space<vmem>>, vector<16xf32>,
      tpu.vector_store %arg11[%swap3A_1325], %min3A_1324 {strides = array<i32>} : memref<640xf32, #tpu.memory_space<vmem>>, vector<16xf32>,
      %get3A_1327 = arith.constant 288 : index
      %get3A_1328 = tpu.vector_load %arg11[%get3A_1327] {strides = array<i32>} : memref<640xf32, #tpu.memory_space<vmem>>, vector<16xf32>,
      %get3A_1329 = arith.constant 288 : index
      %get3A_1330 = tpu.vector_load %arg10[%get3A_1329] {strides = array<i32>} : memref<640xf32, #tpu.memory_space<vmem>>, vector<16xf32>,
      %min3A_1331 = arith.minimumf %get3A_1328, %get3A_1330 : vector<16xf32>
      %swap3A_1332 = arith.constant 288 : index
      %swap3A_1333 = tpu.vector_load %arg11[%swap3A_1332] {strides = array<i32>} : memref<640xf32, #tpu.memory_space<vmem>>, vector<16xf32>,
      tpu.vector_store %arg11[%swap3A_1332], %min3A_1331 {strides = array<i32>} : memref<640xf32, #tpu.memory_space<vmem>>, vector<16xf32>,
      %get3A_1334 = arith.constant 304 : index
      %get3A_1335 = tpu.vector_load %arg11[%get3A_1334] {strides = array<i32>} : memref<640xf32, #tpu.memory_space<vmem>>, vector<16xf32>,
      %get3A_1336 = arith.constant 304 : index
      %get3A_1337 = tpu.vector_load %arg10[%get3A_1336] {strides = array<i32>} : memref<640xf32, #tpu.memory_space<vmem>>, vector<16xf32>,
      %min3A_1338 = arith.minimumf %get3A_1335, %get3A_1337 : vector<16xf32>
      %swap3A_1339 = arith.constant 304 : index
      %swap3A_1340 = tpu.vector_load %arg11[%swap3A_1339] {strides = array<i32>} : memref<640xf32, #tpu.memory_space<vmem>>, vector<16xf32>,
      tpu.vector_store %arg11[%swap3A_1339], %min3A_1338 {strides = array<i32>} : memref<640xf32, #tpu.memory_space<vmem>>, vector<16xf32>,
      %get3A_1341 = arith.constant 320 : index
      %get3A_1342 = tpu.vector_load %arg11[%get3A_1341] {strides = array<i32>} : memref<640xf32, #tpu.memory_space<vmem>>, vector<16xf32>,
      %get3A_1343 = arith.constant 320 : index
      %get3A_1344 = tpu.vector_load %arg10[%get3A_1343] {strides = array<i32>} : memref<640xf32, #tpu.memory_space<vmem>>, vector<16xf32>,
      %min3A_1345 = arith.minimumf %get3A_1342, %get3A_1344 : vector<16xf32>
      %swap3A_1346 = arith.constant 320 : index
      %swap3A_1347 = tpu.vector_load %arg11[%swap3A_1346] {strides = array<i32>} : memref<640xf32, #tpu.memory_space<vmem>>, vector<16xf32>,
      tpu.vector_store %arg11[%swap3A_1346], %min3A_1345 {strides = array<i32>} : memref<640xf32, #tpu.memory_space<vmem>>, vector<16xf32>,
      %get3A_1348 = arith.constant 336 : index
      %get3A_1349 = tpu.vector_load %arg11[%get3A_1348] {strides = array<i32>} : memref<640xf32, #tpu.memory_space<vmem>>, vector<16xf32>,
      %get3A_1350 = arith.constant 336 : index
      %get3A_1351 = tpu.vector_load %arg10[%get3A_1350] {strides = array<i32>} : memref<640xf32, #tpu.memory_space<vmem>>, vector<16xf32>,
      %min3A_1352 = arith.minimumf %get3A_1349, %get3A_1351 : vector<16xf32>
      %swap3A_1353 = arith.constant 336 : index
      %swap3A_1354 = tpu.vector_load %arg11[%swap3A_1353] {strides = array<i32>} : memref<640xf32, #tpu.memory_space<vmem>>, vector<16xf32>,
      tpu.vector_store %arg11[%swap3A_1353], %min3A_1352 {strides = array<i32>} : memref<640xf32, #tpu.memory_space<vmem>>, vector<16xf32>,
      %get3A_1355 = arith.constant 352 : index
      %get3A_1356 = tpu.vector_load %arg11[%get3A_1355] {strides = array<i32>} : memref<640xf32, #tpu.memory_space<vmem>>, vector<16xf32>,
      %get3A_1357 = arith.constant 352 : index
      %get3A_1358 = tpu.vector_load %arg10[%get3A_1357] {strides = array<i32>} : memref<640xf32, #tpu.memory_space<vmem>>, vector<16xf32>,
      %min3A_1359 = arith.minimumf %get3A_1356, %get3A_1358 : vector<16xf32>
      %swap3A_1360 = arith.constant 352 : index
      %swap3A_1361 = tpu.vector_load %arg11[%swap3A_1360] {strides = array<i32>} : memref<640xf32, #tpu.memory_space<vmem>>, vector<16xf32>,
      tpu.vector_store %arg11[%swap3A_1360], %min3A_1359 {strides = array<i32>} : memref<640xf32, #tpu.memory_space<vmem>>, vector<16xf32>,
      %get3A_1362 = arith.constant 368 : index
      %get3A_1363 = tpu.vector_load %arg11[%get3A_1362] {strides = array<i32>} : memref<640xf32, #tpu.memory_space<vmem>>, vector<16xf32>,
      %get3A_1364 = arith.constant 368 : index
      %get3A_1365 = tpu.vector_load %arg10[%get3A_1364] {strides = array<i32>} : memref<640xf32, #tpu.memory_space<vmem>>, vector<16xf32>,
      %min3A_1366 = arith.minimumf %get3A_1363, %get3A_1365 : vector<16xf32>
      %swap3A_1367 = arith.constant 368 : index
      %swap3A_1368 = tpu.vector_load %arg11[%swap3A_1367] {strides = array<i32>} : memref<640xf32, #tpu.memory_space<vmem>>, vector<16xf32>,
      tpu.vector_store %arg11[%swap3A_1367], %min3A_1366 {strides = array<i32>} : memref<640xf32, #tpu.memory_space<vmem>>, vector<16xf32>,
      %get3A_1369 = arith.constant 384 : index
      %get3A_1370 = tpu.vector_load %arg11[%get3A_1369] {strides = array<i32>} : memref<640xf32, #tpu.memory_space<vmem>>, vector<16xf32>,
      %get3A_1371 = arith.constant 384 : index
      %get3A_1372 = tpu.vector_load %arg10[%get3A_1371] {strides = array<i32>} : memref<640xf32, #tpu.memory_space<vmem>>, vector<16xf32>,
      %min3A_1373 = arith.minimumf %get3A_1370, %get3A_1372 : vector<16xf32>
      %swap3A_1374 = arith.constant 384 : index
      %swap3A_1375 = tpu.vector_load %arg11[%swap3A_1374] {strides = array<i32>} : memref<640xf32, #tpu.memory_space<vmem>>, vector<16xf32>,
      tpu.vector_store %arg11[%swap3A_1374], %min3A_1373 {strides = array<i32>} : memref<640xf32, #tpu.memory_space<vmem>>, vector<16xf32>,
      %get3A_1376 = arith.constant 400 : index
      %get3A_1377 = tpu.vector_load %arg11[%get3A_1376] {strides = array<i32>} : memref<640xf32, #tpu.memory_space<vmem>>, vector<16xf32>,
      %get3A_1378 = arith.constant 400 : index
      %get3A_1379 = tpu.vector_load %arg10[%get3A_1378] {strides = array<i32>} : memref<640xf32, #tpu.memory_space<vmem>>, vector<16xf32>,
      %min3A_1380 = arith.minimumf %get3A_1377, %get3A_1379 : vector<16xf32>
      %swap3A_1381 = arith.constant 400 : index
      %swap3A_1382 = tpu.vector_load %arg11[%swap3A_1381] {strides = array<i32>} : memref<640xf32, #tpu.memory_space<vmem>>, vector<16xf32>,
      tpu.vector_store %arg11[%swap3A_1381], %min3A_1380 {strides = array<i32>} : memref<640xf32, #tpu.memory_space<vmem>>, vector<16xf32>,
      %get3A_1383 = arith.constant 416 : index
      %get3A_1384 = tpu.vector_load %arg11[%get3A_1383] {strides = array<i32>} : memref<640xf32, #tpu.memory_space<vmem>>, vector<16xf32>,
      %get3A_1385 = arith.constant 416 : index
      %get3A_1386 = tpu.vector_load %arg10[%get3A_1385] {strides = array<i32>} : memref<640xf32, #tpu.memory_space<vmem>>, vector<16xf32>,
      %min3A_1387 = arith.minimumf %get3A_1384, %get3A_1386 : vector<16xf32>
      %swap3A_1388 = arith.constant 416 : index
      %swap3A_1389 = tpu.vector_load %arg11[%swap3A_1388] {strides = array<i32>} : memref<640xf32, #tpu.memory_space<vmem>>, vector<16xf32>,
      tpu.vector_store %arg11[%swap3A_1388], %min3A_1387 {strides = array<i32>} : memref<640xf32, #tpu.memory_space<vmem>>, vector<16xf32>,
      %get3A_1390 = arith.constant 432 : index
      %get3A_1391 = tpu.vector_load %arg11[%get3A_1390] {strides = array<i32>} : memref<640xf32, #tpu.memory_space<vmem>>, vector<16xf32>,
      %get3A_1392 = arith.constant 432 : index
      %get3A_1393 = tpu.vector_load %arg10[%get3A_1392] {strides = array<i32>} : memref<640xf32, #tpu.memory_space<vmem>>, vector<16xf32>,
      %min3A_1394 = arith.minimumf %get3A_1391, %get3A_1393 : vector<16xf32>
      %swap3A_1395 = arith.constant 432 : index
      %swap3A_1396 = tpu.vector_load %arg11[%swap3A_1395] {strides = array<i32>} : memref<640xf32, #tpu.memory_space<vmem>>, vector<16xf32>,
      tpu.vector_store %arg11[%swap3A_1395], %min3A_1394 {strides = array<i32>} : memref<640xf32, #tpu.memory_space<vmem>>, vector<16xf32>,
      %get3A_1397 = arith.constant 448 : index
      %get3A_1398 = tpu.vector_load %arg11[%get3A_1397] {strides = array<i32>} : memref<640xf32, #tpu.memory_space<vmem>>, vector<16xf32>,
      %get3A_1399 = arith.constant 448 : index
      %get3A_1400 = tpu.vector_load %arg10[%get3A_1399] {strides = array<i32>} : memref<640xf32, #tpu.memory_space<vmem>>, vector<16xf32>,
      %min3A_1401 = arith.minimumf %get3A_1398, %get3A_1400 : vector<16xf32>
      %swap3A_1402 = arith.constant 448 : index
      %swap3A_1403 = tpu.vector_load %arg11[%swap3A_1402] {strides = array<i32>} : memref<640xf32, #tpu.memory_space<vmem>>, vector<16xf32>,
      tpu.vector_store %arg11[%swap3A_1402], %min3A_1401 {strides = array<i32>} : memref<640xf32, #tpu.memory_space<vmem>>, vector<16xf32>,
      %get3A_1404 = arith.constant 464 : index
      %get3A_1405 = tpu.vector_load %arg11[%get3A_1404] {strides = array<i32>} : memref<640xf32, #tpu.memory_space<vmem>>, vector<16xf32>,
      %get3A_1406 = arith.constant 464 : index
      %get3A_1407 = tpu.vector_load %arg10[%get3A_1406] {strides = array<i32>} : memref<640xf32, #tpu.memory_space<vmem>>, vector<16xf32>,
      %min3A_1408 = arith.minimumf %get3A_1405, %get3A_1407 : vector<16xf32>
      %swap3A_1409 = arith.constant 464 : index
      %swap3A_1410 = tpu.vector_load %arg11[%swap3A_1409] {strides = array<i32>} : memref<640xf32, #tpu.memory_space<vmem>>, vector<16xf32>,
      tpu.vector_store %arg11[%swap3A_1409], %min3A_1408 {strides = array<i32>} : memref<640xf32, #tpu.memory_space<vmem>>, vector<16xf32>,
      %get3A_1411 = arith.constant 480 : index
      %get3A_1412 = tpu.vector_load %arg11[%get3A_1411] {strides = array<i32>} : memref<640xf32, #tpu.memory_space<vmem>>, vector<16xf32>,
      %get3A_1413 = arith.constant 480 : index
      %get3A_1414 = tpu.vector_load %arg10[%get3A_1413] {strides = array<i32>} : memref<640xf32, #tpu.memory_space<vmem>>, vector<16xf32>,
      %min3A_1415 = arith.minimumf %get3A_1412, %get3A_1414 : vector<16xf32>
      %swap3A_1416 = arith.constant 480 : index
      %swap3A_1417 = tpu.vector_load %arg11[%swap3A_1416] {strides = array<i32>} : memref<640xf32, #tpu.memory_space<vmem>>, vector<16xf32>,
      tpu.vector_store %arg11[%swap3A_1416], %min3A_1415 {strides = array<i32>} : memref<640xf32, #tpu.memory_space<vmem>>, vector<16xf32>,
      %get3A_1418 = arith.constant 496 : index
      %get3A_1419 = tpu.vector_load %arg11[%get3A_1418] {strides = array<i32>} : memref<640xf32, #tpu.memory_space<vmem>>, vector<16xf32>,
      %get3A_1420 = arith.constant 496 : index
      %get3A_1421 = tpu.vector_load %arg10[%get3A_1420] {strides = array<i32>} : memref<640xf32, #tpu.memory_space<vmem>>, vector<16xf32>,
      %min3A_1422 = arith.minimumf %get3A_1419, %get3A_1421 : vector<16xf32>
      %swap3A_1423 = arith.constant 496 : index
      %swap3A_1424 = tpu.vector_load %arg11[%swap3A_1423] {strides = array<i32>} : memref<640xf32, #tpu.memory_space<vmem>>, vector<16xf32>,
      tpu.vector_store %arg11[%swap3A_1423], %min3A_1422 {strides = array<i32>} : memref<640xf32, #tpu.memory_space<vmem>>, vector<16xf32>,
      %get3A_1425 = arith.constant 512 : index
      %get3A_1426 = tpu.vector_load %arg11[%get3A_1425] {strides = array<i32>} : memref<640xf32, #tpu.memory_space<vmem>>, vector<16xf32>,
      %get3A_1427 = arith.constant 512 : index
      %get3A_1428 = tpu.vector_load %arg10[%get3A_1427] {strides = array<i32>} : memref<640xf32, #tpu.memory_space<vmem>>, vector<16xf32>,
      %min3A_1429 = arith.minimumf %get3A_1426, %get3A_1428 : vector<16xf32>
      %swap3A_1430 = arith.constant 512 : index
      %swap3A_1431 = tpu.vector_load %arg11[%swap3A_1430] {strides = array<i32>} : memref<640xf32, #tpu.memory_space<vmem>>, vector<16xf32>,
      tpu.vector_store %arg11[%swap3A_1430], %min3A_1429 {strides = array<i32>} : memref<640xf32, #tpu.memory_space<vmem>>, vector<16xf32>,
      %get3A_1432 = arith.constant 528 : index
      %get3A_1433 = tpu.vector_load %arg11[%get3A_1432] {strides = array<i32>} : memref<640xf32, #tpu.memory_space<vmem>>, vector<16xf32>,
      %get3A_1434 = arith.constant 528 : index
      %get3A_1435 = tpu.vector_load %arg10[%get3A_1434] {strides = array<i32>} : memref<640xf32, #tpu.memory_space<vmem>>, vector<16xf32>,
      %min3A_1436 = arith.minimumf %get3A_1433, %get3A_1435 : vector<16xf32>
      %swap3A_1437 = arith.constant 528 : index
      %swap3A_1438 = tpu.vector_load %arg11[%swap3A_1437] {strides = array<i32>} : memref<640xf32, #tpu.memory_space<vmem>>, vector<16xf32>,
      tpu.vector_store %arg11[%swap3A_1437], %min3A_1436 {strides = array<i32>} : memref<640xf32, #tpu.memory_space<vmem>>, vector<16xf32>,
      %get3A_1439 = arith.constant 544 : index
      %get3A_1440 = tpu.vector_load %arg11[%get3A_1439] {strides = array<i32>} : memref<640xf32, #tpu.memory_space<vmem>>, vector<16xf32>,
      %get3A_1441 = arith.constant 544 : index
      %get3A_1442 = tpu.vector_load %arg10[%get3A_1441] {strides = array<i32>} : memref<640xf32, #tpu.memory_space<vmem>>, vector<16xf32>,
      %min3A_1443 = arith.minimumf %get3A_1440, %get3A_1442 : vector<16xf32>
      %swap3A_1444 = arith.constant 544 : index
      %swap3A_1445 = tpu.vector_load %arg11[%swap3A_1444] {strides = array<i32>} : memref<640xf32, #tpu.memory_space<vmem>>, vector<16xf32>,
      tpu.vector_store %arg11[%swap3A_1444], %min3A_1443 {strides = array<i32>} : memref<640xf32, #tpu.memory_space<vmem>>, vector<16xf32>,
      %get3A_1446 = arith.constant 560 : index
      %get3A_1447 = tpu.vector_load %arg11[%get3A_1446] {strides = array<i32>} : memref<640xf32, #tpu.memory_space<vmem>>, vector<16xf32>,
      %get3A_1448 = arith.constant 560 : index
      %get3A_1449 = tpu.vector_load %arg10[%get3A_1448] {strides = array<i32>} : memref<640xf32, #tpu.memory_space<vmem>>, vector<16xf32>,
      %min3A_1450 = arith.minimumf %get3A_1447, %get3A_1449 : vector<16xf32>
      %swap3A_1451 = arith.constant 560 : index
      %swap3A_1452 = tpu.vector_load %arg11[%swap3A_1451] {strides = array<i32>} : memref<640xf32, #tpu.memory_space<vmem>>, vector<16xf32>,
      tpu.vector_store %arg11[%swap3A_1451], %min3A_1450 {strides = array<i32>} : memref<640xf32, #tpu.memory_space<vmem>>, vector<16xf32>,
      %get3A_1453 = arith.constant 576 : index
      %get3A_1454 = tpu.vector_load %arg11[%get3A_1453] {strides = array<i32>} : memref<640xf32, #tpu.memory_space<vmem>>, vector<16xf32>,
      %get3A_1455 = arith.constant 576 : index
      %get3A_1456 = tpu.vector_load %arg10[%get3A_1455] {strides = array<i32>} : memref<640xf32, #tpu.memory_space<vmem>>, vector<16xf32>,
      %min3A_1457 = arith.minimumf %get3A_1454, %get3A_1456 : vector<16xf32>
      %swap3A_1458 = arith.constant 576 : index
      %swap3A_1459 = tpu.vector_load %arg11[%swap3A_1458] {strides = array<i32>} : memref<640xf32, #tpu.memory_space<vmem>>, vector<16xf32>,
      tpu.vector_store %arg11[%swap3A_1458], %min3A_1457 {strides = array<i32>} : memref<640xf32, #tpu.memory_space<vmem>>, vector<16xf32>,
      %get3A_1460 = arith.constant 592 : index
      %get3A_1461 = tpu.vector_load %arg11[%get3A_1460] {strides = array<i32>} : memref<640xf32, #tpu.memory_space<vmem>>, vector<16xf32>,
      %get3A_1462 = arith.constant 592 : index
      %get3A_1463 = tpu.vector_load %arg10[%get3A_1462] {strides = array<i32>} : memref<640xf32, #tpu.memory_space<vmem>>, vector<16xf32>,
      %min3A_1464 = arith.minimumf %get3A_1461, %get3A_1463 : vector<16xf32>
      %swap3A_1465 = arith.constant 592 : index
      %swap3A_1466 = tpu.vector_load %arg11[%swap3A_1465] {strides = array<i32>} : memref<640xf32, #tpu.memory_space<vmem>>, vector<16xf32>,
      tpu.vector_store %arg11[%swap3A_1465], %min3A_1464 {strides = array<i32>} : memref<640xf32, #tpu.memory_space<vmem>>, vector<16xf32>,
      %get3A_1467 = arith.constant 608 : index
      %get3A_1468 = tpu.vector_load %arg11[%get3A_1467] {strides = array<i32>} : memref<640xf32, #tpu.memory_space<vmem>>, vector<16xf32>,
      %get3A_1469 = arith.constant 608 : index
      %get3A_1470 = tpu.vector_load %arg10[%get3A_1469] {strides = array<i32>} : memref<640xf32, #tpu.memory_space<vmem>>, vector<16xf32>,
      %min3A_1471 = arith.minimumf %get3A_1468, %get3A_1470 : vector<16xf32>
      %swap3A_1472 = arith.constant 608 : index
      %swap3A_1473 = tpu.vector_load %arg11[%swap3A_1472] {strides = array<i32>} : memref<640xf32, #tpu.memory_space<vmem>>, vector<16xf32>,
      tpu.vector_store %arg11[%swap3A_1472], %min3A_1471 {strides = array<i32>} : memref<640xf32, #tpu.memory_space<vmem>>, vector<16xf32>,
      %get3A_1474 = arith.constant 624 : index
      %get3A_1475 = tpu.vector_load %arg11[%get3A_1474] {strides = array<i32>} : memref<640xf32, #tpu.memory_space<vmem>>, vector<16xf32>,
      %get3A_1476 = arith.constant 624 : index
      %get3A_1477 = tpu.vector_load %arg10[%get3A_1476] {strides = array<i32>} : memref<640xf32, #tpu.memory_space<vmem>>, vector<16xf32>,
      %min3A_1478 = arith.minimumf %get3A_1475, %get3A_1477 : vector<16xf32>
      %swap3A_1479 = arith.constant 624 : index
      %swap3A_1480 = tpu.vector_load %arg11[%swap3A_1479] {strides = array<i32>} : memref<640xf32, #tpu.memory_space<vmem>>, vector<16xf32>,
      tpu.vector_store %arg11[%swap3A_1479], %min3A_1478 {strides = array<i32>} : memref<640xf32, #tpu.memory_space<vmem>>, vector<16xf32>,
      %mul3A_1481 = arith.constant 4 : i32
      %mul3A_1482 = arith.muli %arg0, %mul3A_1481 : i32
      %add3A_1483 = arith.addi %mul3A_1482, %rem3A_0 : i32
      %mul3A_1484 = arith.constant 640 : i32
      %mul3A_1485 = arith.muli %add3A_1483, %mul3A_1484 : i32
      "tpu.region"() ({
        %run_scoped3A = tpu.sem_alloc : memref<!tpu.dma_semaphore, #tpu.memory_space<semaphore_mem>>
        %dma_start3A_1486 = tpu.memref_slice %arg6[%mul3A_1485] : memref<5120xf32, #tpu.memory_space<hbm>> -> memref<640xf32, #tpu.memory_space<hbm>>
        %dma_start3A_1487 = tpu.memref_slice %arg6[%mul3A_1485] : memref<5120xf32, #tpu.memory_space<hbm>> -> memref<640xf32, #tpu.memory_space<hbm>>
        tpu.enqueue_dma source(%arg11 : memref<640xf32, #tpu.memory_space<vmem>>) target(%dma_start3A_1487 : memref<640xf32, #tpu.memory_space<hbm>>) target_semaphore(%run_scoped3A : memref<!tpu.dma_semaphore, #tpu.memory_space<semaphore_mem>>)
        %dma_wait3A_1488 = tpu.memref_slice %arg6[%mul3A_1485] : memref<5120xf32, #tpu.memory_space<hbm>> -> memref<640xf32, #tpu.memory_space<hbm>>
        %dma_wait3A_1489 = tpu.memref_slice %arg6[%mul3A_1485] : memref<5120xf32, #tpu.memory_space<hbm>> -> memref<640xf32, #tpu.memory_space<hbm>>
        tpu.wait_dma2 semaphore(%run_scoped3A : memref<!tpu.dma_semaphore, #tpu.memory_space<semaphore_mem>>) src(%arg11 : memref<640xf32, #tpu.memory_space<vmem>>) dst(%dma_wait3A_1489 : memref<640xf32, #tpu.memory_space<hbm>>)
        tpu.yield
      }) : () -> ()
    } else {
    }
    return
  }
}

module attributes {stable_mosaic.version = 14 : i64} {
  func.func @_tc_body(%arg0: i32, %arg1: memref<1xi32, #tpu.memory_space<smem>>, %arg2: memref<2049x1024xf32, #tpu.memory_space<vmem>>, %arg3: memref<7x2049xf32, #tpu.memory_space<vmem>>, %arg4: memref<1x1024xf32, #tpu.memory_space<vmem>>, %arg5: memref<1x1024xf32, #tpu.memory_space<vmem>>) attributes {dimension_semantics = [#tpu.dimension_semantics<arbitrary>], iteration_bounds = array<i64: 11>, scalar_prefetch = 0 : i64, scratch_operands = 0 : i64, tpu.core_type = #tpu.core_type<tc>, window_params = [{transform_indices = @transform_0, window_bounds = array<i64: 1>}, {transform_indices = @transform_1, window_bounds = array<i64: 2049, 1024>}, {pipeline_mode = #tpu.pipeline_mode<synchronous>, transform_indices = @transform_2, window_bounds = array<i64: 7, 2049>}, {transform_indices = @transform_3, window_bounds = array<i64: 1, 1024>}, {transform_indices = @transform_4, window_bounds = array<i64: 1, 1024>}]} {
    %iota3A = tpu.iota {dimensions = array<i32: 1>} : vector<1x7xi32>
    %get3A = arith.constant 0 : index
    %get3A_0 = memref.load %arg1[%get3A] : memref<1xi32, #tpu.memory_space<smem>>
    %eq3A = vector.broadcast %get3A_0 : i32 to vector<1x7xi32>
    %eq3A_1 = arith.cmpi eq, %iota3A, %eq3A : vector<1x7xi32>
    %convert_element_type3A = arith.extui %eq3A_1 : vector<1x7xi1> to vector<1x7xi32>
    %convert_element_type3A_2 = arith.sitofp %convert_element_type3A : vector<1x7xi32> to vector<1x7xf32>
    %get3A_3 = arith.constant 0 : index
    %get3A_4 = arith.constant 0 : index
    %get3A_5 = vector.load %arg3[%get3A_3, %get3A_4] : memref<7x2049xf32, #tpu.memory_space<vmem>>, vector<7x2049xf32>
    %dot_general3A = arith.constant dense<0.000000e+00> : vector<1x2049xf32>
    %dot_general3A_6 = tpu.matmul %convert_element_type3A_2, %get3A_5, %dot_general3A {dimension_numbers = #tpu.dot_dimension_numbers<[1], [0], [0], [1], [0, 0, 1, 1], [], []>, transpose_lhs_hint = false} : vector<1x7xf32>, vector<7x2049xf32>, vector<1x2049xf32> -> vector<1x2049xf32>
    %get3A_7 = arith.constant 0 : index
    %get3A_8 = arith.constant 0 : index
    %get3A_9 = vector.load %arg2[%get3A_7, %get3A_8] : memref<2049x1024xf32, #tpu.memory_space<vmem>>, vector<2049x1024xf32>
    %dot_general3A_10 = arith.constant dense<0.000000e+00> : vector<1x1024xf32>
    %dot_general3A_11 = tpu.matmul %dot_general3A_6, %get3A_9, %dot_general3A_10 {dimension_numbers = #tpu.dot_dimension_numbers<[1], [0], [0], [1], [0, 0, 1, 1], [], []>, transpose_lhs_hint = false} : vector<1x2049xf32>, vector<2049x1024xf32>, vector<1x1024xf32> -> vector<1x1024xf32>
    %get3A_12 = arith.constant 0 : index
    %get3A_13 = arith.constant 0 : index
    %get3A_14 = vector.load %arg4[%get3A_12, %get3A_13] : memref<1x1024xf32, #tpu.memory_space<vmem>>, vector<1x1024xf32>
    %min3A = arith.minimumf %dot_general3A_11, %get3A_14 : vector<1x1024xf32>
    %swap3A = arith.constant 0 : index
    %swap3A_15 = arith.constant 0 : index
    %swap3A_16 = vector.load %arg5[%swap3A, %swap3A_15] : memref<1x1024xf32, #tpu.memory_space<vmem>>, vector<1x1024xf32>
    tpu.vector_store %arg5[%swap3A, %swap3A_15], %min3A {strides = array<i32>} : memref<1x1024xf32, #tpu.memory_space<vmem>>, vector<1x1024xf32>,
    return
  }
  func.func @transform_0(%arg0: i32) -> i32 {
    %c0_i32 = arith.constant 0 : i32
    %c0_i32_0 = arith.constant 0 : i32
    return %c0_i32 : i32
  }
  func.func @transform_1(%arg0: i32) -> (i32, i32) {
    %c0_i32 = arith.constant 0 : i32
    %c0_i32_0 = arith.constant 0 : i32
    return %c0_i32, %arg0 : i32, i32
  }
  func.func @transform_2(%arg0: i32) -> (i32, i32) {
    %c0_i32 = arith.constant 0 : i32
    %c0_i32_0 = arith.constant 0 : i32
    %c0_i32_1 = arith.constant 0 : i32
    return %c0_i32, %c0_i32_0 : i32, i32
  }
  func.func @transform_3(%arg0: i32) -> (i32, i32) {
    %c0_i32 = arith.constant 0 : i32
    %c0_i32_0 = arith.constant 0 : i32
    return %c0_i32, %arg0 : i32, i32
  }
  func.func @transform_4(%arg0: i32) -> (i32, i32) {
    %c0_i32 = arith.constant 0 : i32
    %c0_i32_0 = arith.constant 0 : i32
    return %c0_i32, %arg0 : i32, i32
  }
}

module attributes {stable_mosaic.version = 14 : i64} {
  func.func @_max_body(%arg0: memref<128x128xf32, #tpu.memory_space<vmem>>, %arg1: memref<1x1xf32, #tpu.memory_space<smem>>) attributes {dimension_semantics = [], scalar_prefetch = 0 : i64, scratch_operands = 0 : i64, tpu.core_type = #tpu.core_type<tc>} {
    %get3A = arith.constant 0 : index
    %get3A_0 = arith.constant 0 : index
    %get3A_1 = vector.load %arg0[%get3A, %get3A_0] : memref<128x128xf32, #tpu.memory_space<vmem>>, vector<128x128xf32>
    %reduce_max3A = vector.shape_cast %get3A_1 : vector<128x128xf32> to vector<1x128x128xf32>
    %reduce_max3A_2 = arith.constant dense<0xFF800000> : vector<1xf32>
    %reduce_max3A_3 = vector.multi_reduction <maximumf>, %reduce_max3A, %reduce_max3A_2 [1, 2] : vector<1x128x128xf32> to vector<1xf32>
    %reduce_max3A_4 = vector.shape_cast %reduce_max3A_3 : vector<1xf32> to vector<1x1x1xf32>
    %reduce_max3A_5 = vector.extract %reduce_max3A_4[0, 0, 0] : f32 from vector<1x1x1xf32>
    %swap3A = arith.constant 0 : index
    %swap3A_6 = arith.constant 0 : index
    %swap3A_7 = memref.load %arg1[%swap3A, %swap3A_6] : memref<1x1xf32, #tpu.memory_space<smem>>
    memref.store %reduce_max3A_5, %arg1[%swap3A, %swap3A_6] : memref<1x1xf32, #tpu.memory_space<smem>>
    return
  }
}

</mosaic_0001>

<sc_bundles>
// kernel: kernel.5.cloned.1.call-start
scs
__scs_entry_jumppad:
0x0: {  	(pc) =	sbr.rel $0x88, $3  }
0x1: {  	(tag) =	ssettag $0x0;
	lr =	simm.s32 $0x1  }
0x2: {  	[smem:$0x3F9D] =	sst lr;
	_ =	strace $0xD0000000  }
0x3: {  	_ = 	snop  }
0x4: {  	_ = 	snop  }
0x5: {  	_ = 	snop  }
0x6: {  	_ = 	snop  }
0x7: {  	_ = 	snop  }
__scs_overlays_trampoline_lowered:
0x8: {  	[smem:$0x3FAC] =	sst s0  }
0x9: {  	[smem:$0x3FAD] =	sst s1  }
0xa: {  	[smem:$0x3FAE] =	sst s2  }
0xb: {  	[smem:$0x3FAF] =	sst s3  }
0xc: {  	[smem:$0x3FB0] =	sst s4  }
0xd: {  	[smem:$0x3FB1] =	sst s5  }
0xe: {  	[smem:$0x3FB2] =	sst s6  }
0xf: {  	[smem:$0x3FB3] =	sst s7  }
0x10: {  	[smem:$0x3FB4] =	sst s8  }
0x11: {  	[smem:$0x3FB5] =	sst s9;
	s0 =	simm.s32 @!p0 $0x0  }
0x12: {  	s1 =	sld [smem:$0x3F9B];
	s0 =	simm.s32 @p0 $0x1  }
0x13: {  	[smem:$0x3FB6] =	sst s0;
	s0 =	simm.s32 @!p1 $0x0  }
0x14: {  	s2 =	sld [smem:$0x3F9A];
	s0 =	simm.s32 @p1 $0x1  }
0x15: {  	[smem:$0x3FB7] =	sst s0;
	s0 =	simm.s32 @!p2 $0x0  }
0x16: {  	s3 =	sld [smem:$0x3FDB];
	s0 =	simm.s32 @p2 $0x1  }
0x17: {  	s4 =	simm.s32 $0x1BF5;
	[smem:$0x3FB9] =	sst s0  }
0x18: {  	s0 =	sld [smem:$0x3F9C];
	_ =	swait.ge [sflag:s4], $0x0  }
0x19: {  	s7 =	sld [smem:$0x3F9D]  }
0x1a: {  	s8 =	sadd.s32 $0xFFFFE003, lr  }
0x1b: {  	s9 =	sadd.s32 $0xFFFFFEF7, lr;
	s5 =	simm.s32 $0xFFFFFFFF;
	p2 =	slt.u32 s8, $0xFFFFF086  }
0x1c: {  	p1 =	slt.u32 s9, $0xF7A;
	s5 =	simm.s32 @!p2 $0x0  }
0x1d: {  	s5 =	simm.s32 @p1 $0x1;
	p0 =	seq.s32 s7, s2  }
0x1e: {  	s7 =	smul.u32 @!p0 $0xF7A, s2;
	p2 =	seq.s32 @!p0 s5, $0x0  }
0x1f: {  	s9 =	smul.u32 $0xF7A, s1;
	s8 =	simm.s32 @!p0 $0x1BF5;
	p2 =	por !p2, p0  }
0x20: {  	[sflag:s8] =	ssyncset.s32 @!p0 $0xFFFFF086;
	s6 =	sadd.s32 @!p0 s3, s7;
	s7 =	simm.s32 @!p0 $0x108  }
0x21: {  	s3 =	sadd.s32 s3, s9;
	s6 =	sadd.s32 @!p0 $0x88, s6;
	s7 =	simm.s32 @p2 $0x1082  }
0x22: {  	[simem:s7], [sflag:s8] =	dma.local @!p0 [hbm:s6], $0xF7A  }
0x23: {  	s9 =	sor.u32 $0xD0000000, s2;
	s6 =	simm.s32 $0x108;
	_ =	swait.ge @!p0 [sflag:s8], $0x0  }
0x24: {  	s3 =	sadd.s32 $0x88, s3;
	s6 =	simm.s32 @!p1 $0x1082;
	[sflag:s4] =	ssyncset.s32 $0xFFFFF086  }
0x25: {  	[simem:s6], [sflag:s4] =	dma.local [hbm:s3], $0xF7A  }
0x26: {  	[smem:$0x3F9D] =	sst s1;
	(tag) =	ssettag s2;
	_ =	strace s9  }
0x27: {  	s1 =	sld [smem:$0x3FAD]  }
0x28: {  	s2 =	sld [smem:$0x3FAE]  }
0x29: {  	s4 =	sld [smem:$0x3FB0]  }
0x2a: {  	p0 =	seq.s32 s5, $0x0;
	s5 =	sld [smem:$0x3FB1]  }
0x2b: {  	s6 =	sld [smem:$0x3FB2]  }
0x2c: {  	s7 =	sld [smem:$0x3FB3]  }
0x2d: {  	s3 =	simm.s32 $0x108;
	s8 =	sld [smem:$0x3FB4]  }
0x2e: {  	s3 =	simm.s32 @!p0 $0x1082;
	s9 =	sld [smem:$0x3FB5]  }
0x2f: {  	lr =	sadd.s32 s0, s3;
	s0 =	sld [smem:$0x3FAC]  }
0x30: {  	s3 =	sld [smem:$0x3FAF]  }
0x31: {  	[smem:$0x3FB8] =	sst s10  }
0x32: {  	s10 =	sld [smem:$0x3FB6];
	_ =	sdelay $0x3  }
0x33: {  	p0 =	seq.s32 s10, $0x1;
	s10 =	sld [smem:$0x3FB8];
	_ =	sdelay $0x3  }
0x34: {  	[smem:$0x3FB8] =	sst s10  }
0x35: {  	s10 =	sld [smem:$0x3FB7];
	_ =	sdelay $0x3  }
0x36: {  	p1 =	seq.s32 s10, $0x1;
	s10 =	sld [smem:$0x3FB8];
	_ =	sdelay $0x3  }
0x37: {  	[smem:$0x3FB8] =	sst s10  }
0x38: {  	s10 =	sld [smem:$0x3FB9]  }
0x39: {  	_ = 	snop;
	(pc) =	sbr.ind lr, $3  }
0x3a: {  	_ = 	snop  }
0x3b: {  	_ = 	snop  }
0x3c: {  	p2 =	seq.s32 s10, $0x1;
	s10 =	sld [smem:$0x3FB8]  }
0x3d: {  	_ =	shalt  }
0x3e: {  	_ =	shalt  }
0x3f: {  	_ =	shalt  }
0x40: {  	_ =	shalt  }
0x41: {  	_ =	shalt  }
0x42: {  	_ =	shalt  }
0x43: {  	_ =	shalt  }
0x44: {  	_ =	shalt  }
0x45: {  	_ =	shalt  }
0x46: {  	_ =	shalt  }
0x47: {  	_ =	shalt  }
0x48: {  	_ =	shalt  }
0x49: {  	_ =	shalt  }
0x4a: {  	_ =	shalt  }
0x4b: {  	_ =	shalt  }
0x4c: {  	_ =	shalt  }
0x4d: {  	_ =	shalt  }
0x4e: {  	_ =	shalt  }
0x4f: {  	_ =	shalt  }
0x50: {  	_ =	shalt  }
0x51: {  	_ =	shalt  }
0x52: {  	_ =	shalt  }
0x53: {  	_ =	shalt  }
0x54: {  	_ =	shalt  }
0x55: {  	_ =	shalt  }
0x56: {  	_ =	shalt  }
0x57: {  	_ =	shalt  }
0x58: {  	_ =	shalt  }
0x59: {  	_ =	shalt  }
0x5a: {  	_ =	shalt  }
0x5b: {  	_ =	shalt  }
0x5c: {  	_ =	shalt  }
0x5d: {  	_ =	shalt  }
0x5e: {  	_ =	shalt  }
0x5f: {  	_ =	shalt  }
0x60: {  	_ =	shalt  }
0x61: {  	_ =	shalt  }
0x62: {  	_ =	shalt  }
0x63: {  	_ =	shalt  }
0x64: {  	_ =	shalt  }
0x65: {  	_ =	shalt  }
0x66: {  	_ =	shalt  }
0x67: {  	_ =	shalt  }
0x68: {  	_ =	shalt  }
0x69: {  	_ =	shalt  }
0x6a: {  	_ =	shalt  }
0x6b: {  	_ =	shalt  }
0x6c: {  	_ =	shalt  }
0x6d: {  	_ =	shalt  }
0x6e: {  	_ =	shalt  }
0x6f: {  	_ =	shalt  }
0x70: {  	_ =	shalt  }
0x71: {  	_ =	shalt  }
0x72: {  	_ =	shalt  }
0x73: {  	_ =	shalt  }
0x74: {  	_ =	shalt  }
0x75: {  	_ =	shalt  }
0x76: {  	_ =	shalt  }
0x77: {  	_ =	shalt  }
0x78: {  	_ =	shalt  }
0x79: {  	_ =	shalt  }
0x7a: {  	_ =	shalt  }
0x7b: {  	_ =	shalt  }
0x7c: {  	_ =	shalt  }
0x7d: {  	_ =	shalt  }
0x7e: {  	_ =	shalt  }
0x7f: {  	_ =	shalt  }
0x80: {  	_ =	shalt  }
0x81: {  	_ =	shalt  }
0x82: {  	_ =	shalt  }
0x83: {  	_ =	shalt  }
0x84: {  	_ =	shalt  }
0x85: {  	_ =	shalt  }
0x86: {  	_ =	shalt  }
0x87: {  	_ =	shalt  }
.Lfunc_end0:
.L_simem_size_0:
called_computation_lowered:
.L_overlay_start_0:
0x88: {  	s2 =	sld [smem:$0x3FD9]  }
0x89: {  	s3 =	sld [smem:$0x3FFE];
	_ =	sdelay $0x1  }
0x8a: {  	s1 =	srdreg.scid  }
0x8b: {  	s0 =	sand.u32 $0x1, s1  }
0x8c: {  	s17 =	sshll.u32 s0, $0xA;
	s2 =	sadd.s32 s3, s2  }
0x8d: {  	s2 =	sadd.s32 s2, s17  }
0x8e: {  	[smem:$0x3FC4] =	sst s2  }
0x8f: {  	_ = 	snop  }
0x90: {  	s2 =	sld [smem:$0x3FC9]  }
0x91: {  	s18 =	sld [smem:$0x3FC8]  }
0x92: {  	s4 =	sld [smem:$0x3FC7];
	(tm) =	ssettm $0x1  }
0x93: {  	s5 =	sld [smem:$0x3FFB];
	_ =	sdelay $0x3  }
0x94: {  	_ =	strace s5  }
0x95: {  	s5 =	sld [smem:$0x3FFC];
	_ =	sdelay $0x3  }
0x96: {  	_ =	strace s5  }
0x97: {  	s5 =	sld [smem:$0x3FFD];
	_ =	sdelay $0x3  }
0x98: {  	_ =	strace s5  }
0x99: {  	_ =	strace $0x8FFFFFFF  }
0x9a: {  	s19 =	sld [smem:$0x3FDB];
	_ =	sdelay $0x1  }
0x9b: {  	s6 =	simm.s32 $_scs_section_size  }
0x9c: {  	s7 =	simm.s32 $_size__tile_overlayer_lowered;
	s8 =	simm.s32 $_tile_overlayer_lowered  }
0x9d: {  	s22 =	simm.s32 $0x1BFF;
	s21 =	sshll.u32 s8, $0x1;
	s5 =	sadd.s32 s6, s19  }
0x9e: {  	s9 =	simm.s32 $0x0;
	s20 =	sshll.u32 s7, $0x1;
	s7 =	sadd.s32 s21, s5  }
0x9f: {  	[timem:s9], [sflag:s22] =	dma.local [hbm:s7], s20  }
0xa0: {  	_ =	swait.ge [sflag:s22], s20  }
0xa1: {  	s6 =	ssub.s32 $0x0, s20;
	[sflag:s22] =	ssyncset.done $0x0  }
0xa2: {  	[sflag:s22] =	ssyncadd.s32 s6;
	_ =	sdelay $0x1  }
0xa3: {  	s23 =	simm.s32 $0x1B8B  }
0xa4: {  	_ =	swait.ge [sflag:s23], $0x1  }
0xa5: {  	[sflag:s23] =	ssyncset.done $0x0  }
0xa6: {  	s25 =	simm.s32 $0x1B8E;
	s24 =	sld [smem:$0x3FFE];
	[sflag:s23] =	ssyncadd.s32 $0xFFFFFFFF  }
0xa7: {  	s26 =	simm.s32 $execute0_lowered;
	[smem:$0x3FD2] =	sst s25  }
0xa8: {  	s7 =	sshll.u32 s26, $0x1;
	_ =	strace $0x80000046;
	[dreg:$0x1] =	wrdreg $0xFFFFFFFF  }
0xa9: {  	s28 =	simm.s32 $_size_execute0_lowered;
	s5 =	sadd.s32 s5, s7;
	[dreg:$0x0] =	wrdreg $0x0  }
0xaa: {  	s7 =	sshll.u32 s28, $0x1;
	[dreg:$0x2] =	wrdreg s5  }
0xab: {  	[dreg:$0x3] =	wrdreg s7  }
0xac: {  	[dreg:$0x4] =	wrdreg $0xC0  }
0xad: {  	_ =	task [dreg:s9], $0x5FFFF  }
0xae: {  	[dreg:$0x1] =	wrdreg $0xFFFFFFFF  }
0xaf: {  	[dreg:$0x0] =	wrdreg $0x60  }
0xb0: {  	[dreg:$0x2] =	wrdreg s2  }
0xb1: {  	[dreg:$0x3] =	wrdreg s18  }
0xb2: {  	[dreg:$0x4] =	wrdreg s4  }
0xb3: {  	[dreg:$0x5] =	wrdreg s24  }
0xb4: {  	[dreg:$0x6] =	wrdreg $0x153000  }
0xb5: {  	[dreg:$0x7] =	wrdreg $0x9  }
0xb6: {  	_ =	task.clear_ibuf [dreg:s9], $0x8FFFF;
	_ =	strace $0x90000046  }
0xb7: {  	s29 =	simm.s32 $0x9;
	_ =	strace $0x80000048  }
0xb8: {  	_ =	swait.ge [sflag:s29], $0x1  }
0xb9: {  	[sflag:s29] =	ssyncadd.s32 $0xFFFFFFFF  }
0xba: {  	_ =	strace $0x90000048  }
0xbb: {  	_ =	sfence  }
0xbc: {  	s30 =	sld [smem:$0x0];
	_ =	sdelay $0x2  }
0xbd: {  	s31 =	sshll.u32 s1, $0xD;
	s1 =	sshrl.u32 s1, $0x2  }
0xbe: {  	s3 =	sand.u32 $0x4000, s31;
	s1 =	sadd.s32 s1, s30  }
0xbf: {  	s0 =	sor.u32 s3, s0;
	s1 =	sshll.u32 s1, $0x11  }
0xc0: {  	s0 =	sor.u32 s1, s0  }
0xc1: {  	s0 =	sadd.s32 $0x8F2B, s0  }
0xc2: {  	[sflag:s0] =	ssyncadd.remote.s32 $0x1  }
0xc3: {  	_ =	sfence.sel $0xFFFF  }
0xc4: {  	[dreg:$0x0] =	wrdreg $0xFFFFFFFF;
	(pc) =	sbr.abs _section_cstart, $3  }
0xc5: {  	[dreg:$0x1] =	wrdreg $0xFFFFFFFF  }
0xc6: {  	_ =	task.clear_ibuf [dreg:s9], $0x2FFFF;
	_ =	strace $0x9FFFFFFF  }
0xc7: {  	(tm) =	ssettm $0x7FFFFFFF  }
tec
execute0_lowered:
.L_overlay_start_1:
0x0: {  	(tag) =	ssettag $0x1  }
0x1: {  	s0 =	rddreg [dreg:$0x0]  }
0x2: {  	s1 =	rddreg [dreg:$0x2]  }
0x3: {  	s2 =	srdreg.scid;
	s4 =	rddreg [dreg:$0x3]  }
0x4: {  	s13 =	stileid.u32;
	s5 =	rddreg [dreg:$0x4];
	s3 =	simm.s32 $0x0  }
0x5: {  	s28 =	simm.s32 $0x1;
	s29 =	simm.s32 $0x1400;
	s30 =	simm.s32 $0x20000  }
0x6: {  	s31 =	simm.s32 $0xA000;
	s2 =	sand.u32 $0x1, s2;
	s6 =	sand.u32 $0x3, s13  }
0x7: {  	[smem:$0x7FF] =	sst s3;
	s10 =	sadd.s32 $0xA00, s4;
	s9 =	sshrl.u32 s13, $0x2  }
0x8: {  	s15 =	sadd.s32 $0x1200, s4;
	p0 =	sgt.u32 s13, $0xB;
	s18 =	sshrl.u32 s13, $0x3  }
0x9: {  	s20 =	sshll.u32 s13, $0x7;
	s7 =	sshll.u32 s2, $0x2;
	_ =	strace $0x80000047  }
0xa: {  	s2 =	ssub.s32 $0x2, s2;
	[dreg:$0x6] =	wrdreg s10;
	s24 =	sshll.u32 s9, $0x9  }
0xb: {  	[dreg:$0x9] =	wrdreg s15;
	s19 =	smul.u32 $0x5000, s18;
	s6 =	sor.u32 s6, s7  }
0xc: {  	s16 =	sshll.u32 s9, $0x14;
	s8 =	sshrl.u32 s2, $0x1;
	s6 =	smul.u32 $0x280, s6  }
0xd: {  	s22 =	sand.u32 $0x380, s20;
	s2 =	ssub.s32 s2, s8;
	s21 =	sshrl.u32 s19, $0x2  }
0xe: {  	s19 =	simm.s32 $0x0;
	s11 =	sshrl.u32 s6, $0x3;
	s12 =	sadd.s32 $0x2C00, s6  }
0xf: {  	s6 =	sadd.s32 s6, s0;
	s7 =	sadd.s32 s11, s4;
	s10 =	sshrl.u32 s12, $0x3  }
0x10: {  	s14 =	sadd.s32 $0x402C00, s6;
	s4 =	simm.f32 $1.000000000e+00;
	s17 =	sor.u32 s12, s16  }
0x11: {  	s8 =	sadd.s32 s12, s0;
	s1 =	sadd.s32 s1, s10;
	[dreg:$0x8] =	wrdreg s14  }
0x12: {  	s0 =	sadd.s32 s17, s0;
	s4 =	simm.s32 @!p0 $0x0;
	s11 =	sadd.s32 $0x40000, s8  }
0x13: {  	s26 =	sadd.s32 $0x1400, s7;
	s17 =	smax.u32 s2, $0x1;
	p0 =	sgt.u32 s13, $0x3  }
0x14: {  	s2 =	simm.s32 $0x2;
	[dreg:$0x7] =	wrdreg s1;
	s1 =	sadd.s32 s16, s8  }
0x15: {  	s10 =	sadd.s32 $0x20000, s0;
	s0 =	sadd.s32 s20, s5;
	[dreg:$0xe] =	wrdreg s26  }
.Ltmp0:
0x16: {  	v2 =	vlaneseq.u32;
	[dreg:$0xa] =	wrdreg s1;
	s23 =	sadd.s32 $0x200, s0;
	(pc) =	sbr.rel .LBB2_1-.Ltmp0, $4  }
0x17: {  	v63 =	vmul.u32 $0x8, v2;
	s20 =	simm.s32 $0x3;
	s25 =	sadd.s32 $0x1400, s0;
	[dreg:$0xb] =	wrdreg s23  }
0x18: {  	s1 =	sadd.s32 s21, s5;
	s0 =	sadd.s32 $0x1600, s0;
	[dreg:$0xc] =	wrdreg s25  }
0x19: {  	[tilespmem:$0x1FFF0] =	vst v63;
	v0 =	vmov s4;
	s21 =	sor.u32 $0x40, s24;
	s12 =	sadd.s32 s22, s1;
	[dreg:$0xd] =	wrdreg s0  }
0x1a: {  	vm0 =	vmmov $0x1;
	vm1 =	vmmov $0xffff;
	[tilespmem:$0x1FFE0] =	vst v0;
	s22 =	simm.s32 $0x80;
	s23 =	simm.s32 $0x400;
	s25 =	simm.s32 $0x14000  }
.LBB2_14:
0x1b: {  	s19 =	sadd.s32 $0x1, s19  }
0x1c: {  	p1 =	sne.s32 s19, s17  }
.Ltmp1:
0x1d: {  	_ = 	snop;
	(pc) =	sbr.rel @!p1 .LBB2_15-.Ltmp1, $1  }
0x1e: {  	_ =	sdelay $0x3  }
.LBB2_1:
0x1f: {  	s0 =	rddreg [dreg:$0x1];
	s1 =	simm.s32 $0x15280  }
0x20: {  	[tilespmem:s1], [sflag:$0x3] =	stream.linear.gather [hbm4b:s0+s3], $0x80, $0x38;
	[tilespmem:$0x15580] =	vst v63  }
0x21: {  	_ =	swait.ge [sflag:s20], $0x80  }
0x22: {  	[sflag:s20] =	ssyncset.done $0x0  }
0x23: {  	s9 =	simm.s32 $0x14880;
	s8 =	rddreg [dreg:$0x7];
	[sflag:s20] =	ssyncadd.s32 $0xFFFFFF80  }
0x24: {  	[tilespmem:s9], [sflag:$0x3] =	stream.linear.gather [hbm4b:s8+s3], $0x280, $0x38;
	[tilespmem:$0x15580] =	vst v63  }
0x25: {  	_ =	swait.ge [sflag:s20], $0x280  }
0x26: {  	[sflag:s20] =	ssyncset.done $0x0  }
0x27: {  	s14 =	simm.s32 $0x14D80;
	s13 =	rddreg [dreg:$0x8];
	[sflag:s20] =	ssyncadd.s32 $0xFFFFFD80  }
0x28: {  	[tilespmem:s14], [sflag:$0x3] =	stream.strided.gather [hbm4b:s13+s22], $0x280, s23, s22, $0x38;
	[tilespmem:$0x15580] =	vst v63  }
0x29: {  	_ =	swait.ge [sflag:s20], $0x280  }
0x2a: {  	[sflag:s20] =	ssyncset.done $0x0  }
0x2b: {  	[sflag:s20] =	ssyncadd.s32 $0xFFFFFD80  }
0x2c: {  	v4 =	vld.msk [tilespmem:$0x15280], $0x1;
	_ =	sdelay $0x4  }
0x2d: {  	v5 =	vshrl.u32 v4, $0x3  }
0x2e: {  	v5 =	vmul.u32 $0x88, v5  }
0x2f: {  	v4 =	vand.u32 $0x7, v4  }
0x30: {  	v0 =	vimm.s32 $0x0;
	v4 =	vor.u32 v4, v5  }
0x31: {  	v4 =	vperm.xlane v4, v0;
	v0 =	vld [tilespmem:$0x1FFF0];
	_ =	sdelay $0x4  }
0x32: {  	v4 =	vadd.s32 v0, v4;
	_ =	sdelay $0x2  }
0x33: {  	v20 =	vimm.f32 $0.0e+00;
	v6 =	vimm.f32 $0.0e+00  }
0x34: {  	v7 =	vimm.f32 $0.0e+00;
	v8 =	vimm.f32 $0.0e+00;
	v9 =	vimm.f32 $0.0e+00;
	s15 =	rddreg [dreg:$0x6]  }
0x35: {  	v10 =	vimm.f32 $0.0e+00;
	v11 =	vimm.f32 $0.0e+00;
	v12 =	vimm.f32 $0.0e+00;
	[tilespmem:s25], [sflag:$0x1] =	stream.indirect_vreg.gather [hbm4b:s15+s3], $0x80, v4, vm1, $0xb8;
	[tilespmem:$0x15580] =	vst v63  }
0x36: {  	v13 =	vimm.f32 $0.0e+00;
	s18 =	simm.s32 $0x14800;
	v14 =	vimm.f32 $0.0e+00;
	s16 =	rddreg [dreg:$0x9];
	v0 =	vimm.s32 $0x800  }
0x37: {  	v15 =	vimm.f32 $0.0e+00;
	v16 =	vimm.f32 $0.0e+00;
	v30 =	vimm.f32 $0.0e+00;
	[tilespmem:s18], [sflag:$0x1] =	stream.indirect_vreg.gather [hbm4b:s16+s3], $0x80, v4, vm0, $0xb8;
	[tilespmem:$0x15580] =	vst v63  }
0x38: {  	v31 =	vimm.f32 $0.0e+00;
	v32 =	vimm.f32 $0.0e+00;
	v33 =	vimm.f32 $0.0e+00;
	_ =	swait.ge [sflag:s28], $0x880  }
0x39: {  	v34 =	vimm.f32 $0.0e+00;
	v35 =	vimm.f32 $0.0e+00;
	v36 =	vimm.f32 $0.0e+00;
	[sflag:s28] =	ssyncset.done $0x0  }
0x3a: {  	v56 =	vimm.f32 $0.0e+00;
	v17 =	vimm.f32 $0.0e+00;
	v18 =	vimm.f32 $0.0e+00;
	[sflag:s28] =	ssyncadd.s32 $0xFFFFF780  }
0x3b: {  	v19 =	vimm.f32 $0.0e+00;
	v21 =	vimm.f32 $0.0e+00;
	v22 =	vimm.f32 $0.0e+00;
	v0 =	vld.idx.msk [tilespmem:v0+s25+$0x0], $0xffff  }
0x3c: {  	v23 =	vimm.f32 $0.0e+00;
	v24 =	vimm.f32 $0.0e+00;
	v25 =	vimm.f32 $0.0e+00;
	s26 =	rddreg [dreg:$0xa]  }
0x3d: {  	v26 =	vimm.f32 $0.0e+00;
	v27 =	vimm.f32 $0.0e+00;
	v28 =	vimm.f32 $0.0e+00;
	[tilespmem:s3], [sflag:$0x1] =	stream.strided.gather [hbm4b:s26+s29], $0xA000, s30, s29, $0x38;
	[tilespmem:$0x15580] =	vst v63  }
0x3e: {  	v29 =	vimm.f32 $0.0e+00;
	v38 =	vimm.f32 $0.0e+00;
	v58 =	vimm.f32 $0.0e+00  }
0x3f: {  	v40 =	vimm.f32 $0.0e+00;
	v60 =	vimm.f32 $0.0e+00;
	v59 =	vimm.f32 $0.0e+00;
	[tilespmem:s31], [sflag:$0x2] =	stream.strided.gather [hbm4b:s10+s29], $0xA000, s30, s29, $0x38;
	[tilespmem:$0x15580] =	vst v63  }
0x40: {  	s5 =	smov.u32 s24;
	v1 =	vimm.f32 $0.0e+00;
	v44 =	vimm.f32 $0.0e+00;
	v5 =	vimm.f32 $0.0e+00;
	s18 =	smov.u32 s21;
	s26 =	simm.s32 $0x0;
	[tilespmem:$0x1FFD0] =	vst v0  }
.LBB2_2:
0x41: {  	s16 =	simm.s32 $0x0  }
0x42: {  	s1 =	smul.u32 $0x5000, s16  }
0x43: {  	s0 =	sadd.s32 $0x0, s5;
	_ =	swait.ge [sflag:s28], $0xA000;
	s14 =	simm.s32 $0x0  }
0x44: {  	v45 =	vmov s0;
	[sflag:s28] =	ssyncset.done $0x0;
	s0 =	sand.u32 $0x380, s14;
	s16 =	sshra.s32 s1, $0x2  }
0x45: {  	[sflag:s28] =	ssyncadd.s32 $0xFFFF6000;
	s1 =	sor.u32 s0, s16  }
0x46: {  	v46 =	vld [tilespmem:s1+$0x830]  }
0x47: {  	v48 =	vld [tilespmem:s1+$0x0]  }
0x48: {  	v49 =	vld [tilespmem:s1+$0x10]  }
0x49: {  	v50 =	vld [tilespmem:s1+$0x20]  }
0x4a: {  	v47 =	vld.idx.msk [tilespmem:v45+s25+$0x0], $0xffff  }
0x4b: {  	v51 =	vld [tilespmem:s1+$0x30]  }
0x4c: {  	v52 =	vld [tilespmem:s1+$0x40]  }
0x4d: {  	v53 =	vld [tilespmem:s1+$0x50]  }
0x4e: {  	v54 =	vld [tilespmem:s1+$0x60]  }
0x4f: {  	v55 =	vld [tilespmem:s1+$0x70];
	v46 =	vmul.f32 v46, v47;
	v48 =	vmul.f32 v48, v47  }
0x50: {  	v2 =	vld [tilespmem:s1+$0x400];
	v49 =	vmul.f32 v49, v47;
	v39 =	vmul.f32 v50, v47  }
0x51: {  	v57 =	vmul.f32 v51, v47;
	v50 =	vld [tilespmem:s1+$0x410];
	v61 =	vmul.f32 v52, v47  }
0x52: {  	v62 =	vmul.f32 v53, v47;
	v51 =	vld [tilespmem:s1+$0x420];
	v46 =	vadd.f32 v46, v56;
	v37 =	vadd.f32 v48, v44  }
0x53: {  	s4 =	sshll.u32 s26, $0x7;
	v63 =	vmul.f32 v54, v47;
	v43 =	vadd.f32 v49, v1;
	v48 =	vadd.f32 v39, v59;
	v44 =	vld [tilespmem:s1+$0x430]  }
0x54: {  	s15 =	simm.s32 $0x1;
	s8 =	sadd.s32 $0x1, s5;
	s6 =	simm.s32 $0x2;
	v52 =	vmul.f32 v55, v47;
	v41 =	vadd.f32 v57, v60;
	v42 =	vadd.f32 v61, v40;
	v40 =	vld [tilespmem:s1+$0x440]  }
0x55: {  	s7 =	simm.s32 $0x1;
	s13 =	sor.u32 s24, s4;
	s4 =	simm.s32 $0x0;
	v53 =	vmul.f32 v2, v47;
	v39 =	vadd.f32 v62, v58;
	v49 =	vadd.f32 v63, v38;
	v38 =	vld [tilespmem:s1+$0x450]  }
.LBB2_3:
0x56: {  	p1 =	sne.s32 s6, $0x3F;
	v54 =	vmov s8;
	v29 =	vadd.f32 v52, v29;
	v50 =	vmul.f32 v50, v47;
	v52 =	vld [tilespmem:s1+$0x460]  }
0x57: {  	s8 =	sshrl.u32 s7, $0x3;
	s7 =	smov.u32 s6;
	v28 =	vadd.f32 v53, v28;
	v51 =	vmul.f32 v51, v47;
	v53 =	vld [tilespmem:s1+$0x470]  }
0x58: {  	s8 =	smul.u32 $0x5000, s8;
	v27 =	vadd.f32 v50, v27;
	v44 =	vmul.f32 v44, v47;
	v50 =	vld [tilespmem:s1+$0x800]  }
0x59: {  	s4 =	sadd.s32 $0x80, s4;
	v26 =	vadd.f32 v51, v26;
	v40 =	vmul.f32 v40, v47;
	v51 =	vld [tilespmem:s1+$0x810]  }
0x5a: {  	s9 =	sand.u32 $0x380, s4;
	s8 =	sshra.s32 s8, $0x2;
	v25 =	vadd.f32 v44, v25;
	v38 =	vmul.f32 v38, v47;
	v44 =	vld [tilespmem:s1+$0x820]  }
0x5b: {  	s1 =	sor.u32 s9, s8;
	v54 =	vld.idx.msk [tilespmem:v54+s25+$0x0], $0xffff;
	v24 =	vadd.f32 v40, v24;
	v40 =	vmul.f32 v52, v47  }
0x5c: {  	v52 =	vld [tilespmem:s1+$0x830];
	v23 =	vadd.f32 v38, v23;
	v38 =	vmul.f32 v53, v47  }
0x5d: {  	v53 =	vld [tilespmem:s1+$0x0];
	v22 =	vadd.f32 v40, v22;
	v40 =	vmul.f32 v50, v47  }
0x5e: {  	v50 =	vld [tilespmem:s1+$0x10];
	v21 =	vadd.f32 v38, v21;
	v38 =	vmul.f32 v51, v47  }
0x5f: {  	v51 =	vld [tilespmem:s1+$0x20];
	v19 =	vadd.f32 v40, v19;
	v40 =	vmul.f32 v44, v47  }
0x60: {  	v44 =	vld [tilespmem:s1+$0x30];
	v18 =	vadd.f32 v38, v18  }
0x61: {  	v47 =	vmov v54;
	v38 =	vld [tilespmem:s1+$0x40];
	v52 =	vmul.f32 v52, v54;
	v17 =	vadd.f32 v40, v17  }
0x62: {  	v40 =	vmul.f32 v53, v47;
	v53 =	vld [tilespmem:s1+$0x50]  }
0x63: {  	v50 =	vmul.f32 v50, v47;
	v54 =	vld [tilespmem:s1+$0x60];
	v46 =	vadd.f32 v52, v46  }
0x64: {  	v37 =	vadd.f32 v40, v37;
	v40 =	vmul.f32 v51, v47;
	v52 =	vld [tilespmem:s1+$0x70]  }
0x65: {  	v43 =	vadd.f32 v50, v43;
	v44 =	vmul.f32 v44, v47;
	v55 =	vld [tilespmem:s1+$0x400]  }
.Ltmp2:
0x66: {  	v48 =	vadd.f32 v40, v48;
	v38 =	vmul.f32 v38, v47;
	v50 =	vld [tilespmem:s1+$0x410];
	(pc) =	sbr.rel @p1 .LBB2_3-.Ltmp2, $4  }
0x67: {  	v41 =	vadd.f32 v44, v41;
	v40 =	vmul.f32 v53, v47;
	v51 =	vld [tilespmem:s1+$0x420]  }
0x68: {  	v42 =	vadd.f32 v38, v42;
	v38 =	vmul.f32 v54, v47;
	v44 =	vld [tilespmem:s1+$0x430]  }
0x69: {  	v39 =	vadd.f32 v40, v39;
	v52 =	vmul.f32 v52, v47;
	v40 =	vld [tilespmem:s1+$0x440]  }
0x6a: {  	s6 =	sadd.s32 $0x1, s6;
	s8 =	sadd.s32 s7, s5;
	v49 =	vadd.f32 v38, v49;
	v53 =	vmul.f32 v55, v47;
	v38 =	vld [tilespmem:s1+$0x450]  }
0x6b: {  	v55 =	vld [tilespmem:s1+$0x460]  }
0x6c: {  	v54 =	vmov s8;
	v56 =	vld [tilespmem:s1+$0x470]  }
0x6d: {  	s6 =	sshrl.u32 s7, $0x3;
	v57 =	vld [tilespmem:s1+$0x800]  }
0x6e: {  	v58 =	vld [tilespmem:s1+$0x810];
	s6 =	smul.u32 $0x5000, s6  }
0x6f: {  	s4 =	sadd.s32 $0x80, s4;
	v59 =	vld [tilespmem:s1+$0x820]  }
0x70: {  	v45 =	vld.idx.msk [tilespmem:v45+s25+$0x0], $0xffff;
	s4 =	sand.u32 $0x380, s4;
	s6 =	sshra.s32 s6, $0x2  }
0x71: {  	s9 =	sor.u32 s4, s6;
	v54 =	vld.idx.msk [tilespmem:v54+s25+$0x0], $0xffff  }
0x72: {  	v60 =	vld [tilespmem:s9+$0x830]  }
0x73: {  	v61 =	vld [tilespmem:s9+$0x0]  }
0x74: {  	v62 =	vld [tilespmem:s9+$0x10]  }
0x75: {  	v63 =	vld [tilespmem:s9+$0x20]  }
0x76: {  	v1 =	vld [tilespmem:s9+$0x30]  }
0x77: {  	v3 =	vld [tilespmem:s9+$0x40]  }
0x78: {  	v0 =	vld [tilespmem:s9+$0x50]  }
0x79: {  	v50 =	vmul.f32 v50, v47;
	v2 =	vld [tilespmem:s9+$0x60]  }
0x7a: {  	v29 =	vadd.f32 v52, v29;
	v51 =	vmul.f32 v51, v47;
	v4 =	vld [tilespmem:s9+$0x70]  }
0x7b: {  	v28 =	vadd.f32 v53, v28;
	v27 =	vadd.f32 v50, v27;
	v44 =	vmul.f32 v44, v47;
	v52 =	vld [tilespmem:s9+$0x400]  }
0x7c: {  	v51 =	vadd.f32 v51, v26;
	v26 =	vmul.f32 v40, v47;
	v38 =	vmul.f32 v38, v47;
	v50 =	vld [tilespmem:s9+$0x410]  }
0x7d: {  	v25 =	vadd.f32 v44, v25;
	v53 =	vld [tilespmem:s9+$0x420];
	v40 =	vmul.f32 v55, v47;
	v44 =	vmul.f32 v56, v47  }
0x7e: {  	v55 =	vld [tilespmem:s9+$0x430];
	v56 =	vadd.f32 v26, v24;
	v24 =	vmul.f32 v57, v47;
	v23 =	vadd.f32 v38, v23  }
0x7f: {  	v57 =	vld [tilespmem:s9+$0x440];
	v22 =	vadd.f32 v40, v22;
	v38 =	vadd.f32 v44, v21;
	v21 =	vmul.f32 v58, v47  }
0x80: {  	v58 =	vld [tilespmem:s9+$0x450];
	v40 =	vadd.f32 v24, v19;
	v19 =	vmul.f32 v59, v47;
	v24 =	vmul.f32 v60, v54  }
0x81: {  	v47 =	vld [tilespmem:s9+$0x460];
	v59 =	vadd.f32 v21, v18;
	v18 =	vmul.f32 v61, v54;
	v3 =	vmul.f32 v3, v54  }
0x82: {  	v21 =	vmul.f32 v62, v54;
	v62 =	vld [tilespmem:s9+$0x470];
	v61 =	vadd.f32 v19, v17;
	v1 =	vmul.f32 v1, v54  }
0x83: {  	v0 =	vmul.f32 v0, v54;
	v17 =	vadd.f32 v24, v46;
	v46 =	vld [tilespmem:s9+$0x800];
	v3 =	vadd.f32 v3, v42  }
0x84: {  	s0 =	sor.u32 s0, s16;
	v44 =	vadd.f32 v18, v37;
	v37 =	vld [tilespmem:s9+$0x810];
	v1 =	vadd.f32 v1, v41;
	v41 =	vmul.f32 v4, v54  }
0x85: {  	v18 =	vadd.f32 v21, v43;
	v43 =	vmul.f32 v52, v54;
	v4 =	vmul.f32 v55, v54;
	[tilespmem:$0x1FFA0] =	vst v3;
	v3 =	vld [tilespmem:s0+$0x1070]  }
0x86: {  	[tilespmem:$0x1FF60] =	vst v17;
	v17 =	vmul.f32 v63, v54;
	v63 =	vmul.f32 v2, v54;
	v2 =	vld [tilespmem:s0+$0x840]  }
0x87: {  	v53 =	vmul.f32 v53, v54;
	v60 =	vmul.f32 v57, v54;
	v24 =	vadd.f32 v4, v25;
	v4 =	vld [tilespmem:s0+$0x870]  }
0x88: {  	v0 =	vadd.f32 v0, v39;
	v52 =	vmul.f32 v50, v54;
	[tilespmem:$0x1FF70] =	vst v18;
	v18 =	vadd.f32 v43, v28;
	v43 =	vld [tilespmem:s0+$0xC00]  }
0x89: {  	v21 =	vmul.f32 v58, v54;
	v19 =	vadd.f32 v60, v56;
	v28 =	vadd.f32 v53, v51;
	v53 =	vld [tilespmem:s0+$0xC10]  }
0x8a: {  	v26 =	vadd.f32 v52, v27;
	v42 =	vmul.f32 v62, v54;
	v17 =	vadd.f32 v17, v48;
	v48 =	vld [tilespmem:s9+$0x820]  }
0x8b: {  	[tilespmem:$0x1FF90] =	vst v1;
	v21 =	vadd.f32 v21, v23;
	v1 =	vadd.f32 v63, v49;
	v49 =	vld [tilespmem:s0+$0x850];
	v52 =	vmul.f32 v46, v54  }
0x8c: {  	v63 =	vld [tilespmem:s0+$0x860];
	v23 =	vmul.f32 v37, v54;
	v27 =	vadd.f32 v42, v38;
	[tilespmem:$0x1FF80] =	vst v17;
	v17 =	vadd.f32 v41, v29  }
0x8d: {  	v56 =	vld [tilespmem:s0+$0xC20];
	v41 =	vmul.f32 v47, v54;
	v3 =	vmul.f32 v3, v45;
	v29 =	vadd.f32 v52, v40  }
0x8e: {  	v58 =	vld [tilespmem:s0+$0xC30];
	v25 =	vadd.f32 v23, v59;
	v57 =	vmul.f32 v2, v45;
	v4 =	vmul.f32 v4, v45  }
0x8f: {  	v62 =	vmul.f32 v53, v45;
	v55 =	vmul.f32 v48, v54;
	v46 =	vadd.f32 v3, v20;
	v3 =	vld [tilespmem:s0+$0xC40]  }
0x90: {  	v22 =	vadd.f32 v41, v22;
	v59 =	vmul.f32 v49, v45;
	v20 =	vadd.f32 v57, v36;
	v49 =	vld [tilespmem:s0+$0xC50]  }
0x91: {  	v51 =	vld [tilespmem:s0+$0xC60];
	v60 =	vmul.f32 v63, v45;
	v23 =	vadd.f32 v55, v61;
	v61 =	vmul.f32 v43, v45  }
0x92: {  	v50 =	vld [tilespmem:s0+$0xC70];
	v33 =	vadd.f32 v4, v33;
	v63 =	vmul.f32 v56, v45;
	v36 =	vadd.f32 v62, v31  }
0x93: {  	[tilespmem:$0x1FFB0] =	vst v0;
	v31 =	vld [tilespmem:s0+$0x1000];
	v48 =	vadd.f32 v60, v34;
	v34 =	vadd.f32 v61, v32;
	v32 =	vmul.f32 v58, v45  }
0x94: {  	s1 =	simm.s32 $0x2;
	s4 =	sadd.s32 $0x1, s5;
	[tilespmem:$0x1FFC0] =	vst v1;
	v35 =	vadd.f32 v59, v35;
	v47 =	vadd.f32 v63, v30;
	v30 =	vld [tilespmem:s0+$0x1010];
	v52 =	vmul.f32 v3, v45  }
.LBB2_5:
0x95: {  	p1 =	sne.s32 s1, $0x3F;
	v0 =	vmov s4;
	v16 =	vadd.f32 v32, v16;
	v1 =	vmul.f32 v49, v45;
	v2 =	vld [tilespmem:s0+$0x1020]  }
0x96: {  	s4 =	sshrl.u32 s15, $0x3;
	s15 =	smov.u32 s1;
	v15 =	vadd.f32 v52, v15;
	v3 =	vmul.f32 v51, v45;
	v4 =	vld [tilespmem:s0+$0x1030]  }
0x97: {  	s4 =	smul.u32 $0x5000, s4;
	v14 =	vadd.f32 v1, v14;
	v1 =	vmul.f32 v50, v45;
	v32 =	vld [tilespmem:s0+$0x1040]  }
0x98: {  	s14 =	sadd.s32 $0x80, s14;
	v13 =	vadd.f32 v3, v13;
	v3 =	vmul.f32 v31, v45;
	v31 =	vld [tilespmem:s0+$0x1050]  }
0x99: {  	s6 =	sand.u32 $0x380, s14;
	s4 =	sshra.s32 s4, $0x2;
	v12 =	vadd.f32 v1, v12;
	v1 =	vmul.f32 v30, v45;
	v30 =	vld [tilespmem:s0+$0x1060]  }
0x9a: {  	s0 =	sor.u32 s6, s4;
	v0 =	vld.idx.msk [tilespmem:v0+s25+$0x0], $0xffff;
	v11 =	vadd.f32 v3, v11;
	v2 =	vmul.f32 v2, v45  }
0x9b: {  	v3 =	vld [tilespmem:s0+$0x1070];
	v10 =	vadd.f32 v1, v10;
	v1 =	vmul.f32 v4, v45  }
0x9c: {  	v4 =	vld [tilespmem:s0+$0x840];
	v9 =	vadd.f32 v2, v9;
	v2 =	vmul.f32 v32, v45  }
0x9d: {  	v32 =	vld [tilespmem:s0+$0x850];
	v8 =	vadd.f32 v1, v8;
	v1 =	vmul.f32 v31, v45  }
0x9e: {  	v31 =	vld [tilespmem:s0+$0x860];
	v7 =	vadd.f32 v2, v7;
	v2 =	vmul.f32 v30, v45  }
0x9f: {  	v30 =	vld [tilespmem:s0+$0x870];
	v6 =	vadd.f32 v1, v6  }
0xa0: {  	v45 =	vmov v0;
	v1 =	vld [tilespmem:s0+$0xC00];
	v3 =	vmul.f32 v3, v0;
	v5 =	vadd.f32 v2, v5  }
0xa1: {  	v0 =	vmul.f32 v4, v45;
	v2 =	vld [tilespmem:s0+$0xC10]  }
0xa2: {  	v4 =	vmul.f32 v32, v45;
	v32 =	vld [tilespmem:s0+$0xC20];
	v46 =	vadd.f32 v3, v46  }
0xa3: {  	v20 =	vadd.f32 v0, v20;
	v0 =	vmul.f32 v31, v45;
	v3 =	vld [tilespmem:s0+$0xC30]  }
0xa4: {  	v35 =	vadd.f32 v4, v35;
	v4 =	vmul.f32 v30, v45;
	v30 =	vld [tilespmem:s0+$0xC40]  }
.Ltmp3:
0xa5: {  	v48 =	vadd.f32 v0, v48;
	v0 =	vmul.f32 v1, v45;
	v49 =	vld [tilespmem:s0+$0xC50];
	(pc) =	sbr.rel @p1 .LBB2_5-.Ltmp3, $4  }
0xa6: {  	v33 =	vadd.f32 v4, v33;
	v1 =	vmul.f32 v2, v45;
	v51 =	vld [tilespmem:s0+$0xC60]  }
0xa7: {  	v34 =	vadd.f32 v0, v34;
	v0 =	vmul.f32 v32, v45;
	v50 =	vld [tilespmem:s0+$0xC70]  }
0xa8: {  	v36 =	vadd.f32 v1, v36;
	v32 =	vmul.f32 v3, v45;
	v31 =	vld [tilespmem:s0+$0x1000]  }
0xa9: {  	s1 =	sadd.s32 $0x1, s1;
	s4 =	sadd.s32 s15, s5;
	v47 =	vadd.f32 v0, v47;
	v52 =	vmul.f32 v30, v45;
	v30 =	vld [tilespmem:s0+$0x1010]  }
0xaa: {  	v0 =	vmov s4;
	v1 =	vld [tilespmem:s0+$0x1020]  }
0xab: {  	s1 =	sshrl.u32 s15, $0x3;
	v2 =	vld [tilespmem:s0+$0x1030]  }
0xac: {  	v3 =	vld [tilespmem:s0+$0x1040];
	s1 =	smul.u32 $0x5000, s1  }
0xad: {  	v4 =	vld [tilespmem:s0+$0x1050];
	s14 =	sadd.s32 $0x80, s14  }
0xae: {  	v37 =	vld [tilespmem:s0+$0x1060];
	s4 =	sand.u32 $0x380, s14;
	s1 =	sshra.s32 s1, $0x2  }
0xaf: {  	s15 =	sor.u32 s4, s1;
	v0 =	vld.idx.msk [tilespmem:v0+s25+$0x0], $0xffff  }
0xb0: {  	v38 =	vld [tilespmem:s15+$0x1070]  }
0xb1: {  	v40 =	vld [tilespmem:s15+$0x840]  }
0xb2: {  	v53 =	vld [tilespmem:s15+$0x850]  }
0xb3: {  	v54 =	vld [tilespmem:s15+$0x860]  }
0xb4: {  	v55 =	vld [tilespmem:s15+$0x870]  }
0xb5: {  	v56 =	vld [tilespmem:s15+$0xC00]  }
0xb6: {  	v57 =	vld [tilespmem:s15+$0xC10]  }
0xb7: {  	v58 =	vld [tilespmem:s15+$0xC20]  }
0xb8: {  	v59 =	vld [tilespmem:s15+$0xC30]  }
0xb9: {  	v61 =	vld [tilespmem:s15+$0xC40]  }
0xba: {  	v49 =	vmul.f32 v49, v45;
	v51 =	vmul.f32 v51, v45;
	v62 =	vld [tilespmem:s15+$0xC50]  }
0xbb: {  	v16 =	vadd.f32 v32, v16;
	v15 =	vadd.f32 v52, v15;
	v60 =	vmul.f32 v50, v45;
	v39 =	vld [tilespmem:s15+$0xC60]  }
0xbc: {  	v14 =	vadd.f32 v49, v14;
	v49 =	vadd.f32 v51, v13;
	v13 =	vmul.f32 v31, v45;
	v63 =	vld [tilespmem:s15+$0xC70]  }
0xbd: {  	v12 =	vadd.f32 v60, v12;
	v30 =	vmul.f32 v30, v45;
	v41 =	vld [tilespmem:s15+$0x1000];
	v1 =	vmul.f32 v1, v45  }
0xbe: {  	v50 =	vld [tilespmem:s15+$0x1010];
	v11 =	vadd.f32 v13, v11;
	v2 =	vmul.f32 v2, v45;
	v3 =	vmul.f32 v3, v45  }
0xbf: {  	v51 =	vld [tilespmem:s15+$0x1020];
	v43 =	vadd.f32 v30, v10;
	v1 =	vadd.f32 v1, v9  }
0xc0: {  	p1 =	seq.s32 s26, $0x3;
	s7 =	sadd.s32 $0x0, s18;
	v52 =	vld [tilespmem:s15+$0x1030];
	v4 =	vmul.f32 v4, v45;
	v2 =	vadd.f32 v2, v8;
	v3 =	vadd.f32 v3, v7  }
0xc1: {  	s16 =	simm.s32 $0x0;
	s0 =	simm.s32 @!p1 $0x20000;
	s1 =	sshll.u32 @!p1 s13, $0xB;
	v42 =	vld [tilespmem:s15+$0x1040];
	v7 =	vmul.f32 v37, v45;
	v45 =	vmov s7;
	v9 =	vmul.f32 v38, v0  }
0xc2: {  	s6 =	simm.s32 @!p1 $0x0;
	s4 =	simm.s32 @!p1 $0x1400;
	v60 =	vld [tilespmem:s15+$0x1050];
	s1 =	sadd.s32 @!p1 s1, s11;
	v4 =	vadd.f32 v4, v6;
	v6 =	vmul.f32 v40, v0;
	v10 =	vmul.f32 v53, v0  }
0xc3: {  	v8 =	vld [tilespmem:s15+$0x1060];
	[tilespmem:s6], [sflag:$0x1] =	stream.strided.gather @!p1 [hbm4b:s1+s4], $0xA000, s0, s4, $0x38;
	v37 =	vadd.f32 v7, v5;
	v5 =	vmul.f32 v54, v0;
	v7 =	vmul.f32 v57, v0  }
0xc4: {  	s0 =	smul.u32 $0x5000, s16;
	v31 =	vadd.f32 v9, v46;
	v32 =	vadd.f32 v6, v20;
	v6 =	vmul.f32 v55, v0  }
0xc5: {  	s14 =	simm.s32 $0x0;
	_ =	swait.ge [sflag:s2], $0xA000;
	v20 =	vadd.f32 v10, v35;
	v30 =	vadd.f32 v5, v48;
	v5 =	vmul.f32 v56, v0  }
0xc6: {  	s16 =	sand.u32 $0x380, s14;
	[sflag:s2] =	ssyncset.done $0x0;
	s0 =	sshra.s32 s0, $0x2;
	v9 =	vmul.f32 v59, v0;
	v33 =	vadd.f32 v6, v33;
	v6 =	vmul.f32 v58, v0  }
0xc7: {  	[sflag:s2] =	ssyncadd.s32 $0xFFFF6000;
	s1 =	sor.u32 s16, s0;
	v36 =	vadd.f32 v7, v36;
	v7 =	vmul.f32 v61, v0;
	v10 =	vmul.f32 v63, v0  }
0xc8: {  	v53 =	vld [tilespmem:s1+$0xA000];
	v35 =	vadd.f32 v5, v34;
	v34 =	vadd.f32 v6, v47;
	v6 =	vmul.f32 v62, v0  }
0xc9: {  	v54 =	vld [tilespmem:s1+$0xA010];
	v5 =	vadd.f32 v9, v16;
	v9 =	vadd.f32 v7, v15;
	v15 =	vmul.f32 v41, v0  }
0xca: {  	v57 =	vld [tilespmem:s1+$0xA040];
	v13 =	vadd.f32 v6, v14;
	v6 =	vadd.f32 v10, v12;
	v12 =	vmul.f32 v51, v0  }
0xcb: {  	v46 =	vld.idx.msk [tilespmem:v45+s25+$0x0], $0xffff;
	v7 =	vmul.f32 v39, v0  }
0xcc: {  	v61 =	vld [tilespmem:s1+$0xA830];
	v10 =	vadd.f32 v15, v11;
	v11 =	vadd.f32 v12, v1;
	v12 =	vmul.f32 v60, v0  }
0xcd: {  	v59 =	vld [tilespmem:s1+$0xA050];
	v16 =	vmul.f32 v50, v0;
	v58 =	vmul.f32 v42, v0  }
0xce: {  	v15 =	vmul.f32 v52, v0;
	v0 =	vmul.f32 v8, v0;
	v8 =	vadd.f32 v12, v4;
	v4 =	vld [tilespmem:$0x1FF60]  }
0xcf: {  	v56 =	vld [tilespmem:s1+$0xA030]  }
0xd0: {  	v55 =	vld [tilespmem:s1+$0xA020]  }
0xd1: {  	v14 =	vadd.f32 v7, v49;
	v49 =	vld [tilespmem:s1+$0xA060];
	v60 =	vmul.f32 v61, v46  }
0xd2: {  	v7 =	vadd.f32 v16, v43;
	v16 =	vadd.f32 v58, v3;
	v58 =	vmul.f32 v59, v46;
	v59 =	vld [tilespmem:$0x1FF80]  }
0xd3: {  	v47 =	vadd.f32 v60, v4;
	v60 =	vld [tilespmem:$0x1FF90]  }
0xd4: {  	v4 =	vmul.f32 v56, v46;
	v56 =	vld [tilespmem:$0x1FF70]  }
0xd5: {  	v63 =	vmul.f32 v55, v46;
	v3 =	vld [tilespmem:s1+$0xA070]  }
0xd6: {  	v15 =	vadd.f32 v15, v2;
	v2 =	vld [tilespmem:s1+$0xA400]  }
0xd7: {  	v62 =	vmul.f32 v54, v46;
	v52 =	vadd.f32 v63, v59;
	v63 =	vld [tilespmem:$0x1FFC0]  }
0xd8: {  	v61 =	vmul.f32 v53, v46;
	v38 =	vadd.f32 v4, v60;
	v4 =	vld [tilespmem:$0x1FFA0]  }
0xd9: {  	v50 =	vadd.f32 v62, v56;
	v62 =	vld [tilespmem:$0x1FFB0]  }
0xda: {  	v40 =	vadd.f32 v61, v44;
	v44 =	vld [tilespmem:s1+$0xA410]  }
0xdb: {  	v53 =	vld [tilespmem:s1+$0xA420];
	v61 =	vmul.f32 v49, v46  }
0xdc: {  	v57 =	vmul.f32 v57, v46;
	v12 =	vadd.f32 v0, v37;
	v37 =	vld [tilespmem:s1+$0xA430]  }
0xdd: {  	s8 =	sadd.s32 $0x1, s18;
	s13 =	sor.u32 $0x40, s13;
	s15 =	simm.s32 $0x1;
	v41 =	vld [tilespmem:s1+$0xA440];
	v42 =	vmul.f32 v3, v46;
	v51 =	vadd.f32 v61, v63  }
0xde: {  	s6 =	simm.s32 $0x2;
	s7 =	simm.s32 $0x1;
	s4 =	simm.s32 $0x0;
	v39 =	vld [tilespmem:s1+$0xA450];
	v43 =	vmul.f32 v2, v46;
	v48 =	vadd.f32 v57, v4;
	v49 =	vadd.f32 v58, v62  }
.LBB2_7:
0xdf: {  	p2 =	sne.s32 s6, $0x3F;
	v0 =	vmov s8;
	v17 =	vadd.f32 v42, v17;
	v1 =	vmul.f32 v44, v46;
	v2 =	vld [tilespmem:s1+$0xA460]  }
0xe0: {  	s8 =	sshrl.u32 s7, $0x3;
	s7 =	smov.u32 s6;
	v18 =	vadd.f32 v43, v18;
	v3 =	vmul.f32 v53, v46;
	v4 =	vld [tilespmem:s1+$0xA470]  }
0xe1: {  	s8 =	smul.u32 $0x5000, s8;
	v26 =	vadd.f32 v1, v26;
	v1 =	vmul.f32 v37, v46;
	v37 =	vld [tilespmem:s1+$0xA800]  }
0xe2: {  	s4 =	sadd.s32 $0x80, s4;
	v28 =	vadd.f32 v3, v28;
	v3 =	vmul.f32 v41, v46;
	v41 =	vld [tilespmem:s1+$0xA810]  }
0xe3: {  	s9 =	sand.u32 $0x380, s4;
	s8 =	sshra.s32 s8, $0x2;
	v24 =	vadd.f32 v1, v24;
	v1 =	vmul.f32 v39, v46;
	v39 =	vld [tilespmem:s1+$0xA820]  }
0xe4: {  	s1 =	sor.u32 s9, s8;
	v0 =	vld.idx.msk [tilespmem:v0+s25+$0x0], $0xffff;
	v19 =	vadd.f32 v3, v19;
	v2 =	vmul.f32 v2, v46  }
0xe5: {  	v3 =	vld [tilespmem:s1+$0xA830];
	v21 =	vadd.f32 v1, v21;
	v1 =	vmul.f32 v4, v46  }
0xe6: {  	v4 =	vld [tilespmem:s1+$0xA000];
	v22 =	vadd.f32 v2, v22;
	v2 =	vmul.f32 v37, v46  }
0xe7: {  	v37 =	vld [tilespmem:s1+$0xA010];
	v27 =	vadd.f32 v1, v27;
	v1 =	vmul.f32 v41, v46  }
0xe8: {  	v41 =	vld [tilespmem:s1+$0xA020];
	v29 =	vadd.f32 v2, v29;
	v2 =	vmul.f32 v39, v46  }
0xe9: {  	v39 =	vld [tilespmem:s1+$0xA030];
	v25 =	vadd.f32 v1, v25  }
0xea: {  	v46 =	vmov v0;
	v1 =	vld [tilespmem:s1+$0xA040];
	v3 =	vmul.f32 v3, v0;
	v23 =	vadd.f32 v2, v23  }
0xeb: {  	v0 =	vmul.f32 v4, v46;
	v2 =	vld [tilespmem:s1+$0xA050]  }
0xec: {  	v4 =	vmul.f32 v37, v46;
	v37 =	vld [tilespmem:s1+$0xA060];
	v47 =	vadd.f32 v3, v47  }
0xed: {  	v40 =	vadd.f32 v0, v40;
	v0 =	vmul.f32 v41, v46;
	v3 =	vld [tilespmem:s1+$0xA070]  }
0xee: {  	v50 =	vadd.f32 v4, v50;
	v4 =	vmul.f32 v39, v46;
	v39 =	vld [tilespmem:s1+$0xA400]  }
.Ltmp4:
0xef: {  	v52 =	vadd.f32 v0, v52;
	v0 =	vmul.f32 v1, v46;
	v44 =	vld [tilespmem:s1+$0xA410];
	(pc) =	sbr.rel @p2 .LBB2_7-.Ltmp4, $4  }
0xf0: {  	v38 =	vadd.f32 v4, v38;
	v1 =	vmul.f32 v2, v46;
	v53 =	vld [tilespmem:s1+$0xA420]  }
0xf1: {  	v48 =	vadd.f32 v0, v48;
	v0 =	vmul.f32 v37, v46;
	v37 =	vld [tilespmem:s1+$0xA430]  }
0xf2: {  	v49 =	vadd.f32 v1, v49;
	v42 =	vmul.f32 v3, v46;
	v41 =	vld [tilespmem:s1+$0xA440]  }
0xf3: {  	s6 =	sadd.s32 $0x1, s6;
	s8 =	sadd.s32 s7, s18;
	v51 =	vadd.f32 v0, v51;
	v43 =	vmul.f32 v39, v46;
	v39 =	vld [tilespmem:s1+$0xA450]  }
0xf4: {  	v1 =	vld [tilespmem:s1+$0xA460]  }
0xf5: {  	v0 =	vmov s8;
	v2 =	vld [tilespmem:s1+$0xA470]  }
0xf6: {  	s6 =	sshrl.u32 s7, $0x3;
	v3 =	vld [tilespmem:s1+$0xA800]  }
0xf7: {  	v4 =	vld [tilespmem:s1+$0xA810];
	s6 =	smul.u32 $0x5000, s6  }
0xf8: {  	s4 =	sadd.s32 $0x80, s4;
	v54 =	vld [tilespmem:s1+$0xA820]  }
0xf9: {  	v45 =	vld.idx.msk [tilespmem:v45+s25+$0x0], $0xffff;
	s4 =	sand.u32 $0x380, s4;
	s6 =	sshra.s32 s6, $0x2  }
0xfa: {  	s9 =	sor.u32 s4, s6;
	v0 =	vld.idx.msk [tilespmem:v0+s25+$0x0], $0xffff  }
0xfb: {  	v55 =	vld [tilespmem:s9+$0xA830]  }
0xfc: {  	v56 =	vld [tilespmem:s9+$0xA000]  }
0xfd: {  	v57 =	vld [tilespmem:s9+$0xA010]  }
0xfe: {  	v58 =	vld [tilespmem:s9+$0xA020]  }
0xff: {  	v59 =	vld [tilespmem:s9+$0xA030]  }
0x100: {  	v60 =	vld [tilespmem:s9+$0xA040]  }
0x101: {  	v61 =	vld [tilespmem:s9+$0xA050]  }
0x102: {  	v44 =	vmul.f32 v44, v46;
	v62 =	vld [tilespmem:s9+$0xA060]  }
0x103: {  	v17 =	vadd.f32 v42, v17;
	v42 =	vmul.f32 v53, v46;
	v63 =	vld [tilespmem:s9+$0xA070]  }
0x104: {  	v18 =	vadd.f32 v43, v18;
	v26 =	vadd.f32 v44, v26;
	v37 =	vmul.f32 v37, v46;
	v53 =	vld [tilespmem:s9+$0xA400]  }
0x105: {  	v42 =	vadd.f32 v42, v28;
	v28 =	vmul.f32 v41, v46;
	v39 =	vmul.f32 v39, v46;
	v43 =	vld [tilespmem:s9+$0xA410]  }
0x106: {  	v24 =	vadd.f32 v37, v24;
	v41 =	vld [tilespmem:s9+$0xA420];
	v1 =	vmul.f32 v1, v46;
	v2 =	vmul.f32 v2, v46  }
0x107: {  	v37 =	vld [tilespmem:s9+$0xA430];
	v19 =	vadd.f32 v28, v19;
	v3 =	vmul.f32 v3, v46;
	v21 =	vadd.f32 v39, v21  }
0x108: {  	v39 =	vld [tilespmem:s9+$0xA440];
	v22 =	vadd.f32 v1, v22;
	v2 =	vadd.f32 v2, v27;
	v1 =	vmul.f32 v4, v46  }
0x109: {  	v4 =	vld [tilespmem:s9+$0xA450];
	v3 =	vadd.f32 v3, v29;
	v27 =	vmul.f32 v54, v46;
	v28 =	vmul.f32 v55, v0  }
0x10a: {  	v46 =	vld [tilespmem:s9+$0xA460];
	v54 =	vadd.f32 v1, v25;
	v1 =	vmul.f32 v56, v0;
	v25 =	vmul.f32 v57, v0  }
0x10b: {  	s0 =	sor.u32 s16, s0;
	v55 =	vld [tilespmem:s9+$0xA470];
	v57 =	vadd.f32 v27, v23;
	v23 =	vmul.f32 v58, v0;
	v56 =	vadd.f32 v28, v47  }
0x10c: {  	v27 =	vmul.f32 v61, v0;
	v61 =	vld [tilespmem:s0+$0xAC10];
	v44 =	vadd.f32 v1, v40;
	v1 =	vadd.f32 v25, v50  }
0x10d: {  	v47 =	vld [tilespmem:s9+$0xA800];
	v25 =	vmul.f32 v59, v0;
	v59 =	vadd.f32 v23, v52;
	v23 =	vmul.f32 v60, v0  }
0x10e: {  	v50 =	vld [tilespmem:s9+$0xA810];
	v28 =	vmul.f32 v63, v0;
	v58 =	vadd.f32 v27, v49;
	v4 =	vmul.f32 v4, v0  }
0x10f: {  	v52 =	vld [tilespmem:s9+$0xA820];
	v60 =	vadd.f32 v25, v38;
	v40 =	vadd.f32 v23, v48;
	v23 =	vmul.f32 v53, v0  }
0x110: {  	v49 =	vld [tilespmem:s0+$0xA850];
	v25 =	vmul.f32 v62, v0;
	v29 =	vadd.f32 v28, v17;
	v17 =	vmul.f32 v43, v0  }
0x111: {  	v48 =	vld [tilespmem:s0+$0xB070];
	v28 =	vadd.f32 v23, v18;
	v18 =	vmul.f32 v41, v0;
	v23 =	vmul.f32 v37, v0  }
0x112: {  	v62 =	vld [tilespmem:s0+$0xA840];
	v38 =	vadd.f32 v25, v51;
	v27 =	vadd.f32 v17, v26;
	v17 =	vmul.f32 v39, v0  }
0x113: {  	v63 =	vld [tilespmem:s0+$0xAC00];
	v26 =	vadd.f32 v18, v42;
	v25 =	vadd.f32 v23, v24;
	v18 =	vmul.f32 v46, v0  }
0x114: {  	v51 =	vld [tilespmem:s0+$0xA860];
	v24 =	vadd.f32 v17, v19;
	v23 =	vadd.f32 v4, v21;
	v4 =	vmul.f32 v55, v0  }
0x115: {  	v53 =	vld [tilespmem:s0+$0xA870];
	v17 =	vmul.f32 v47, v0;
	v22 =	vadd.f32 v18, v22;
	v18 =	vmul.f32 v50, v0  }
0x116: {  	v21 =	vadd.f32 v4, v2;
	v0 =	vmul.f32 v52, v0;
	v2 =	vmul.f32 v48, v45;
	v4 =	vld [tilespmem:s0+$0xAC20]  }
0x117: {  	v19 =	vadd.f32 v17, v3;
	v3 =	vmul.f32 v62, v45;
	v62 =	vld [tilespmem:s0+$0xAC30]  }
0x118: {  	v17 =	vadd.f32 v0, v57;
	v0 =	vmul.f32 v49, v45;
	v46 =	vadd.f32 v2, v31;
	v2 =	vld [tilespmem:s0+$0xAC40]  }
0x119: {  	v52 =	vld [tilespmem:s0+$0xAC50];
	v18 =	vadd.f32 v18, v54;
	v32 =	vadd.f32 v3, v32;
	v3 =	vmul.f32 v51, v45  }
0x11a: {  	v31 =	vmul.f32 v53, v45;
	v51 =	vld [tilespmem:s0+$0xAC60];
	v48 =	vadd.f32 v0, v20;
	v0 =	vmul.f32 v63, v45  }
0x11b: {  	v63 =	vmul.f32 v61, v45;
	v49 =	vadd.f32 v3, v30;
	v20 =	vld [tilespmem:s0+$0xAC70];
	v3 =	vmul.f32 v4, v45  }
0x11c: {  	v30 =	vadd.f32 v31, v33;
	v33 =	vld [tilespmem:s0+$0xB000];
	v47 =	vadd.f32 v0, v35;
	v35 =	vmul.f32 v62, v45  }
0x11d: {  	s1 =	simm.s32 $0x2;
	s4 =	sadd.s32 $0x1, s18;
	v31 =	vadd.f32 v63, v36;
	v50 =	vadd.f32 v3, v34;
	v36 =	vmul.f32 v2, v45;
	v34 =	vld [tilespmem:s0+$0xB010]  }
.LBB2_9:
0x11e: {  	p2 =	sne.s32 s1, $0x3F;
	v0 =	vmov s4;
	v5 =	vadd.f32 v35, v5;
	v2 =	vmul.f32 v52, v45;
	v3 =	vld [tilespmem:s0+$0xB020]  }
0x11f: {  	s4 =	sshrl.u32 s15, $0x3;
	s15 =	smov.u32 s1;
	v9 =	vadd.f32 v36, v9;
	v4 =	vmul.f32 v51, v45;
	v35 =	vld [tilespmem:s0+$0xB030]  }
0x120: {  	s4 =	smul.u32 $0x5000, s4;
	v13 =	vadd.f32 v2, v13;
	v2 =	vmul.f32 v20, v45;
	v20 =	vld [tilespmem:s0+$0xB040]  }
0x121: {  	s14 =	sadd.s32 $0x80, s14;
	v14 =	vadd.f32 v4, v14;
	v4 =	vmul.f32 v33, v45;
	v33 =	vld [tilespmem:s0+$0xB050]  }
0x122: {  	s6 =	sand.u32 $0x380, s14;
	s4 =	sshra.s32 s4, $0x2;
	v6 =	vadd.f32 v2, v6;
	v2 =	vmul.f32 v34, v45;
	v34 =	vld [tilespmem:s0+$0xB060]  }
0x123: {  	s0 =	sor.u32 s6, s4;
	v0 =	vld.idx.msk [tilespmem:v0+s25+$0x0], $0xffff;
	v10 =	vadd.f32 v4, v10;
	v3 =	vmul.f32 v3, v45  }
0x124: {  	v4 =	vld [tilespmem:s0+$0xB070];
	v7 =	vadd.f32 v2, v7;
	v2 =	vmul.f32 v35, v45  }
0x125: {  	v35 =	vld [tilespmem:s0+$0xA840];
	v11 =	vadd.f32 v3, v11;
	v3 =	vmul.f32 v20, v45  }
0x126: {  	v20 =	vld [tilespmem:s0+$0xA850];
	v15 =	vadd.f32 v2, v15;
	v2 =	vmul.f32 v33, v45  }
0x127: {  	v33 =	vld [tilespmem:s0+$0xA860];
	v16 =	vadd.f32 v3, v16;
	v3 =	vmul.f32 v34, v45  }
0x128: {  	v34 =	vld [tilespmem:s0+$0xA870];
	v8 =	vadd.f32 v2, v8  }
0x129: {  	v45 =	vmov v0;
	v2 =	vld [tilespmem:s0+$0xAC00];
	v4 =	vmul.f32 v4, v0;
	v12 =	vadd.f32 v3, v12  }
0x12a: {  	v0 =	vmul.f32 v35, v45;
	v3 =	vld [tilespmem:s0+$0xAC10]  }
0x12b: {  	v20 =	vmul.f32 v20, v45;
	v35 =	vld [tilespmem:s0+$0xAC20];
	v46 =	vadd.f32 v4, v46  }
0x12c: {  	v32 =	vadd.f32 v0, v32;
	v0 =	vmul.f32 v33, v45;
	v4 =	vld [tilespmem:s0+$0xAC30]  }
0x12d: {  	v48 =	vadd.f32 v20, v48;
	v20 =	vmul.f32 v34, v45;
	v34 =	vld [tilespmem:s0+$0xAC40]  }
.Ltmp5:
0x12e: {  	v49 =	vadd.f32 v0, v49;
	v0 =	vmul.f32 v2, v45;
	v52 =	vld [tilespmem:s0+$0xAC50];
	(pc) =	sbr.rel @p2 .LBB2_9-.Ltmp5, $4  }
0x12f: {  	v30 =	vadd.f32 v20, v30;
	v2 =	vmul.f32 v3, v45;
	v51 =	vld [tilespmem:s0+$0xAC60]  }
0x130: {  	v47 =	vadd.f32 v0, v47;
	v0 =	vmul.f32 v35, v45;
	v20 =	vld [tilespmem:s0+$0xAC70]  }
0x131: {  	v31 =	vadd.f32 v2, v31;
	v35 =	vmul.f32 v4, v45;
	v33 =	vld [tilespmem:s0+$0xB000]  }
0x132: {  	s1 =	sadd.s32 $0x1, s1;
	s4 =	sadd.s32 s15, s18;
	v50 =	vadd.f32 v0, v50;
	v36 =	vmul.f32 v34, v45;
	v34 =	vld [tilespmem:s0+$0xB010]  }
0x133: {  	v0 =	vmov s4;
	v2 =	vld [tilespmem:s0+$0xB020]  }
0x134: {  	s1 =	sshrl.u32 s15, $0x3;
	v3 =	vld [tilespmem:s0+$0xB030]  }
0x135: {  	v4 =	vld [tilespmem:s0+$0xB040];
	s1 =	smul.u32 $0x5000, s1  }
0x136: {  	v37 =	vld [tilespmem:s0+$0xB050];
	s15 =	sadd.s32 $0x80, s14  }
0x137: {  	v39 =	vld [tilespmem:s0+$0xB060];
	s4 =	sand.u32 $0x380, s15;
	s1 =	sshra.s32 s1, $0x2  }
0x138: {  	s16 =	sor.u32 s4, s1;
	v0 =	vld.idx.msk [tilespmem:v0+s25+$0x0], $0xffff  }
0x139: {  	v41 =	vld [tilespmem:s16+$0xB070]  }
0x13a: {  	v42 =	vld [tilespmem:s16+$0xA840]  }
0x13b: {  	v43 =	vld [tilespmem:s16+$0xA850]  }
0x13c: {  	v53 =	vld [tilespmem:s16+$0xA860]  }
0x13d: {  	v54 =	vld [tilespmem:s16+$0xA870]  }
0x13e: {  	v52 =	vmul.f32 v52, v45;
	v55 =	vld [tilespmem:s16+$0xAC00]  }
0x13f: {  	v5 =	vadd.f32 v35, v5;
	v62 =	vmul.f32 v51, v45;
	v20 =	vmul.f32 v20, v45;
	v51 =	vld [tilespmem:s16+$0xAC10]  }
0x140: {  	v9 =	vadd.f32 v36, v9;
	v13 =	vadd.f32 v52, v13;
	v33 =	vmul.f32 v33, v45;
	v52 =	vld [tilespmem:s16+$0xAC20]  }
0x141: {  	v57 =	vadd.f32 v62, v14;
	v14 =	vmul.f32 v34, v45;
	v6 =	vadd.f32 v20, v6;
	v61 =	vld [tilespmem:s16+$0xAC30]  }
0x142: {  	v2 =	vmul.f32 v2, v45;
	v10 =	vadd.f32 v33, v10;
	v3 =	vmul.f32 v3, v45;
	v62 =	vld [tilespmem:s16+$0xAC40]  }
0x143: {  	v4 =	vmul.f32 v4, v45;
	v63 =	vld [tilespmem:s16+$0xAC60];
	v7 =	vadd.f32 v14, v7;
	v14 =	vmul.f32 v37, v45  }
0x144: {  	v2 =	vadd.f32 v2, v11;
	v11 =	vld [tilespmem:s16+$0xAC50];
	v3 =	vadd.f32 v3, v15;
	v15 =	vmul.f32 v39, v45  }
0x145: {  	v4 =	vadd.f32 v4, v16;
	v39 =	vld [tilespmem:s16+$0xAC70];
	v16 =	vmul.f32 v41, v0;
	v45 =	vmul.f32 v42, v0  }
0x146: {  	v41 =	vadd.f32 v14, v8;
	v42 =	vadd.f32 v15, v12;
	v8 =	vmul.f32 v43, v0;
	v12 =	vld [tilespmem:s16+$0xB000]  }
0x147: {  	v14 =	vmul.f32 v53, v0;
	v53 =	vld [tilespmem:s16+$0xB010];
	v15 =	vmul.f32 v55, v0;
	v20 =	vadd.f32 v16, v46  }
0x148: {  	v55 =	vld [tilespmem:s16+$0xB030];
	v36 =	vadd.f32 v45, v32;
	v35 =	vadd.f32 v8, v48;
	v8 =	vmul.f32 v54, v0  }
0x149: {  	v54 =	vld [tilespmem:s16+$0xB020];
	v34 =	vadd.f32 v14, v49;
	v14 =	vmul.f32 v51, v0;
	v16 =	vmul.f32 v52, v0  }
0x14a: {  	v32 =	vadd.f32 v15, v47;
	v33 =	vadd.f32 v8, v30;
	v8 =	vmul.f32 v61, v0;
	v61 =	vld [tilespmem:s16+$0xB040]  }
0x14b: {  	v31 =	vadd.f32 v14, v31;
	v30 =	vadd.f32 v16, v50;
	v14 =	vmul.f32 v62, v0;
	v62 =	vld [tilespmem:s16+$0xB050]  }
0x14c: {  	v16 =	vadd.f32 v8, v5;
	v5 =	vmul.f32 v11, v0;
	v8 =	vmul.f32 v63, v0;
	v63 =	vld [tilespmem:s16+$0xB060]  }
0x14d: {  	v15 =	vadd.f32 v14, v9;
	v9 =	vmul.f32 v39, v0;
	v11 =	vmul.f32 v12, v0  }
0x14e: {  	v14 =	vadd.f32 v5, v13;
	v13 =	vadd.f32 v8, v57;
	v5 =	vmul.f32 v53, v0  }
.Ltmp6:
0x14f: {  	v12 =	vadd.f32 v9, v6;
	v11 =	vadd.f32 v11, v10;
	v6 =	vmul.f32 v54, v0;
	(pc) =	sbr.rel @p1 .LBB2_12-.Ltmp6, $4  }
0x150: {  	v10 =	vadd.f32 v5, v7;
	v5 =	vmul.f32 v55, v0;
	v7 =	vmul.f32 v61, v0  }
0x151: {  	v9 =	vadd.f32 v6, v2;
	v2 =	vmul.f32 v62, v0;
	v0 =	vmul.f32 v63, v0  }
0x152: {  	v8 =	vadd.f32 v5, v3;
	v7 =	vadd.f32 v7, v4  }
0x153: {  	v6 =	vadd.f32 v2, v41;
	v5 =	vadd.f32 v0, v42  }
.Ltmp7:
0x154: {  	(pc) =	sbr.rel .LBB2_2-.Ltmp7, $4  }
0x155: {  	_ = 	snop  }
0x156: {  	s0 =	sshll.u32 s13, $0xB;
	s26 =	sadd.s32 $0x1, s26  }
0x157: {  	s5 =	sadd.s32 $0x80, s5;
	s18 =	sadd.s32 $0x80, s18;
	s0 =	sadd.s32 s0, s11  }
0x158: {  	[tilespmem:s31], [sflag:$0x2] =	stream.strided.gather [hbm4b:s0+s29], $0xA000, s30, s29, $0x38;
	[tilespmem:$0x15580] =	vst v63  }
.LBB2_12:
0x159: {  	v4 =	vld [tilespmem:$0x1FFE0]  }
0x15a: {  	v37 =	vld [tilespmem:$0x1FFD0]  }
0x15b: {  	v0 =	vld [tilespmem:$0x14D80]  }
0x15c: {  	v2 =	vld [tilespmem:$0x14D90]  }
0x15d: {  	v3 =	vld [tilespmem:$0x14DA0]  }
0x15e: {  	v45 =	vld [tilespmem:$0x14DB0]  }
0x15f: {  	v39 =	vld [tilespmem:$0x14DC0];
	v4 =	vmul.f32 v37, v4  }
0x160: {  	v41 =	vld [tilespmem:$0x14DD0]  }
0x161: {  	v42 =	vld [tilespmem:$0x14DE0];
	v0 =	vmul.f32 v0, v4  }
0x162: {  	v43 =	vld [tilespmem:$0x14DF0];
	v2 =	vmul.f32 v2, v4  }
0x163: {  	v47 =	vld [tilespmem:$0x14E00];
	v3 =	vmul.f32 v3, v4;
	v0 =	vadd.f32 v0, v44  }
0x164: {  	v50 =	vld [tilespmem:$0x14E10];
	v46 =	vmul.f32 v45, v4;
	v1 =	vadd.f32 v2, v1  }
0x165: {  	v53 =	vld [tilespmem:$0x14E20];
	v49 =	vmul.f32 v39, v4;
	v48 =	vadd.f32 v3, v59;
	[tilespmem:$0x14B00] =	vst v0  }
0x166: {  	v52 =	vmul.f32 v41, v4;
	v51 =	vadd.f32 v46, v60;
	[tilespmem:$0x14B10] =	vst v1  }
0x167: {  	v57 =	vld [tilespmem:$0x14E30];
	v55 =	vmul.f32 v42, v4;
	v54 =	vadd.f32 v49, v40;
	[tilespmem:$0x14B20] =	vst v48  }
0x168: {  	v63 =	vld [tilespmem:$0x14E50];
	v62 =	vmul.f32 v47, v4;
	v58 =	vadd.f32 v52, v58;
	[tilespmem:$0x14B30] =	vst v51  }
0x169: {  	v39 =	vmul.f32 v50, v4;
	v60 =	vld [tilespmem:$0x14E40];
	v61 =	vadd.f32 v55, v38;
	[tilespmem:$0x14B40] =	vst v54  }
0x16a: {  	v45 =	vmul.f32 v53, v4;
	v59 =	vmul.f32 v43, v4;
	v43 =	vld [tilespmem:$0x14E60];
	v44 =	vadd.f32 v62, v28;
	[tilespmem:$0x14B50] =	vst v58  }
0x16b: {  	v46 =	vld [tilespmem:$0x14E70];
	v47 =	vadd.f32 v39, v27;
	[tilespmem:$0x14B60] =	vst v61  }
0x16c: {  	v49 =	vld [tilespmem:$0x14E80];
	v50 =	vadd.f32 v45, v26;
	v48 =	vmul.f32 v57, v4;
	[tilespmem:$0x14B80] =	vst v44  }
0x16d: {  	v52 =	vld [tilespmem:$0x14E90];
	v38 =	vadd.f32 v59, v29;
	[tilespmem:$0x14B90] =	vst v47;
	v54 =	vmul.f32 v63, v4  }
0x16e: {  	v55 =	vld [tilespmem:$0x14EA0];
	[tilespmem:$0x14BA0] =	vst v50;
	v53 =	vadd.f32 v48, v25;
	v51 =	vmul.f32 v60, v4  }
0x16f: {  	v62 =	vld [tilespmem:$0x14EC0];
	[tilespmem:$0x14B70] =	vst v38;
	v58 =	vmul.f32 v43, v4;
	v60 =	vadd.f32 v54, v23  }
0x170: {  	v39 =	vld [tilespmem:$0x14EE0];
	v61 =	vmul.f32 v46, v4;
	[tilespmem:$0x14BB0] =	vst v53;
	v57 =	vadd.f32 v51, v24  }
0x171: {  	v59 =	vld [tilespmem:$0x14EB0];
	v28 =	vmul.f32 v49, v4;
	v63 =	vadd.f32 v58, v22;
	[tilespmem:$0x14BD0] =	vst v60  }
0x172: {  	v29 =	vld [tilespmem:$0x14ED0];
	v38 =	vmul.f32 v52, v4;
	v37 =	vadd.f32 v61, v21;
	[tilespmem:$0x14BC0] =	vst v57  }
0x173: {  	v45 =	vld [tilespmem:$0x14F00];
	v41 =	vmul.f32 v55, v4;
	v40 =	vadd.f32 v28, v19;
	[tilespmem:$0x14BE0] =	vst v63  }
0x174: {  	v26 =	vld [tilespmem:$0x14F70];
	v47 =	vmul.f32 v62, v4;
	v43 =	vadd.f32 v38, v18;
	[tilespmem:$0x14BF0] =	vst v37  }
0x175: {  	v42 =	vld [tilespmem:$0x14EF0];
	v53 =	vmul.f32 v39, v4;
	v46 =	vadd.f32 v41, v17;
	[tilespmem:$0x14C00] =	vst v40  }
0x176: {  	v48 =	vld [tilespmem:$0x14F10];
	v44 =	vmul.f32 v59, v4;
	v52 =	vadd.f32 v47, v36;
	[tilespmem:$0x14C10] =	vst v43  }
0x177: {  	v54 =	vld [tilespmem:$0x14F30];
	v50 =	vmul.f32 v29, v4;
	v58 =	vadd.f32 v53, v34;
	[tilespmem:$0x14C20] =	vst v46  }
0x178: {  	v39 =	vld [tilespmem:$0x14FB0];
	v59 =	vmul.f32 v45, v4;
	v49 =	vadd.f32 v44, v56;
	[tilespmem:$0x14C40] =	vst v52  }
0x179: {  	v51 =	vld [tilespmem:$0x14F20];
	v41 =	vmul.f32 v26, v4;
	v55 =	vadd.f32 v50, v35;
	[tilespmem:$0x14C60] =	vst v58  }
0x17a: {  	v60 =	vld [tilespmem:$0x14F50];
	v56 =	vmul.f32 v42, v4;
	v24 =	vadd.f32 v59, v32;
	[tilespmem:$0x14C30] =	vst v49  }
0x17b: {  	v29 =	vld [tilespmem:$0x14F80];
	v62 =	vmul.f32 v48, v4;
	v46 =	vadd.f32 v41, v12;
	[tilespmem:$0x14C50] =	vst v55  }
0x17c: {  	v36 =	vld [tilespmem:$0x14FA0];
	v28 =	vmul.f32 v54, v4;
	v61 =	vadd.f32 v56, v33;
	[tilespmem:$0x14C80] =	vst v24  }
0x17d: {  	v57 =	vld [tilespmem:$0x14F40];
	v27 =	vadd.f32 v62, v31;
	[tilespmem:$0x14CF0] =	vst v46;
	v53 =	vmul.f32 v39, v4  }
0x17e: {  	v63 =	vld [tilespmem:$0x14F60];
	v25 =	vmul.f32 v51, v4;
	v34 =	vadd.f32 v28, v16;
	[tilespmem:$0x14C70] =	vst v61  }
0x17f: {  	v42 =	vld [tilespmem:$0x14FC0];
	v35 =	vmul.f32 v60, v4;
	[tilespmem:$0x14C90] =	vst v27;
	v56 =	vadd.f32 v53, v8  }
0x180: {  	v45 =	vld [tilespmem:$0x14FD0];
	v44 =	vmul.f32 v29, v4;
	v31 =	vadd.f32 v25, v30;
	[tilespmem:$0x14CB0] =	vst v34  }
0x181: {  	v48 =	vld [tilespmem:$0x14FE0];
	v50 =	vmul.f32 v36, v4;
	v40 =	vadd.f32 v35, v14;
	[tilespmem:$0x14D30] =	vst v56  }
0x182: {  	v33 =	vld [tilespmem:$0x14F90];
	v32 =	vmul.f32 v57, v4;
	v49 =	vadd.f32 v44, v11;
	[tilespmem:$0x14CA0] =	vst v31  }
0x183: {  	v51 =	vld [tilespmem:$0x14FF0];
	v38 =	vmul.f32 v63, v4;
	v54 =	vadd.f32 v50, v9;
	[tilespmem:$0x14CD0] =	vst v40  }
0x184: {  	v55 =	vmul.f32 v42, v4;
	v37 =	vadd.f32 v32, v15;
	[tilespmem:$0x14D00] =	vst v49  }
0x185: {  	v57 =	vmul.f32 v45, v4;
	v43 =	vadd.f32 v38, v13;
	[tilespmem:$0x14D20] =	vst v54  }
0x186: {  	v59 =	vmul.f32 v48, v4;
	v58 =	vadd.f32 v55, v7;
	[tilespmem:$0x14CC0] =	vst v37  }
0x187: {  	v47 =	vmul.f32 v33, v4;
	v60 =	vadd.f32 v57, v6;
	[tilespmem:$0x14CE0] =	vst v43  }
0x188: {  	v62 =	vadd.f32 v59, v5;
	v61 =	vmul.f32 v51, v4;
	[tilespmem:$0x14D40] =	vst v58  }
0x189: {  	v52 =	vadd.f32 v47, v10;
	[tilespmem:$0x14D50] =	vst v60  }
0x18a: {  	[tilespmem:$0x14D60] =	vst v62;
	v63 =	vadd.f32 v61, v20  }
0x18b: {  	[tilespmem:$0x14D10] =	vst v52  }
0x18c: {  	s0 =	simm.s32 $0x14B00;
	[tilespmem:$0x14D70] =	vst v63  }
0x18d: {  	[spmem:s12] =	stream.strided.scatter [tilespmem:s0], [sflag:$0x3], $0x280, s23, s22, $0x38;
	[tilespmem:$0x15580] =	vst v63  }
.Ltmp8:
0x18e: {  	_ =	swait.ge [sflag:s20], $0x280;
	(pc) =	sbr.rel @p0 .LBB2_14-.Ltmp8, $3  }
0x18f: {  	[sflag:s20] =	ssyncset.done $0x0  }
0x190: {  	[sflag:s20] =	ssyncadd.s32 $0xFFFFFD80  }
0x191: {  	[bflag:$0x0] =	sbarrier.arrive $0xFFFF;
	_ =	sdelay $0x1  }
0x192: {  	s0 =	rddreg [dreg:$0xb];
	s1 =	simm.s32 $0x15000  }
0x193: {  	[tilespmem:s1], [sflag:$0x3] =	stream.strided.gather [spmem:s0], $0x280, s23, s22, $0x38;
	[tilespmem:$0x15580] =	vst v63  }
0x194: {  	_ =	swait.ge [sflag:s20], $0x280  }
0x195: {  	[sflag:s20] =	ssyncset.done $0x0  }
0x196: {  	[sflag:s20] =	ssyncadd.s32 $0xFFFFFD80  }
0x197: {  	v0 =	vld [tilespmem:$0x14B00]  }
0x198: {  	v1 =	vld [tilespmem:$0x15000]  }
0x199: {  	v2 =	vld [tilespmem:$0x14B10]  }
0x19a: {  	v3 =	vld [tilespmem:$0x15010]  }
0x19b: {  	v4 =	vld [tilespmem:$0x14B20]  }
0x19c: {  	v5 =	vld [tilespmem:$0x15020]  }
0x19d: {  	v6 =	vld [tilespmem:$0x14B30]  }
0x19e: {  	v7 =	vld [tilespmem:$0x15030]  }
0x19f: {  	v8 =	vld [tilespmem:$0x14B40]  }
0x1a0: {  	v9 =	vld [tilespmem:$0x15040]  }
0x1a1: {  	v10 =	vld [tilespmem:$0x14B50]  }
0x1a2: {  	v11 =	vld [tilespmem:$0x15050]  }
0x1a3: {  	v12 =	vld [tilespmem:$0x14B60]  }
0x1a4: {  	v13 =	vld [tilespmem:$0x15060]  }
0x1a5: {  	v14 =	vld [tilespmem:$0x14B70]  }
0x1a6: {  	v15 =	vld [tilespmem:$0x15070]  }
0x1a7: {  	v16 =	vld [tilespmem:$0x14B80]  }
0x1a8: {  	v17 =	vld [tilespmem:$0x15080]  }
0x1a9: {  	v18 =	vld [tilespmem:$0x14B90]  }
0x1aa: {  	v19 =	vld [tilespmem:$0x15090]  }
0x1ab: {  	v20 =	vld [tilespmem:$0x14BA0]  }
0x1ac: {  	v21 =	vld [tilespmem:$0x150A0]  }
0x1ad: {  	v22 =	vld [tilespmem:$0x14BB0]  }
0x1ae: {  	v23 =	vld [tilespmem:$0x150B0]  }
0x1af: {  	v24 =	vld [tilespmem:$0x14BC0]  }
0x1b0: {  	v25 =	vld [tilespmem:$0x150C0]  }
0x1b1: {  	v26 =	vld [tilespmem:$0x14BD0]  }
0x1b2: {  	v27 =	vld [tilespmem:$0x150D0]  }
0x1b3: {  	v28 =	vld [tilespmem:$0x14BE0]  }
0x1b4: {  	v29 =	vld [tilespmem:$0x150E0]  }
0x1b5: {  	v30 =	vld [tilespmem:$0x14BF0]  }
0x1b6: {  	v31 =	vld [tilespmem:$0x150F0]  }
0x1b7: {  	v32 =	vld [tilespmem:$0x14C00]  }
0x1b8: {  	v33 =	vld [tilespmem:$0x15100]  }
0x1b9: {  	v34 =	vld [tilespmem:$0x14C10]  }
0x1ba: {  	v35 =	vld [tilespmem:$0x15110]  }
0x1bb: {  	v36 =	vld [tilespmem:$0x14C20]  }
0x1bc: {  	v37 =	vld [tilespmem:$0x15120]  }
0x1bd: {  	v38 =	vld [tilespmem:$0x14C30]  }
0x1be: {  	v39 =	vld [tilespmem:$0x15130]  }
0x1bf: {  	v40 =	vld [tilespmem:$0x14C40]  }
0x1c0: {  	v41 =	vld [tilespmem:$0x15140]  }
0x1c1: {  	v42 =	vld [tilespmem:$0x14C50]  }
0x1c2: {  	v43 =	vld [tilespmem:$0x15150]  }
0x1c3: {  	v44 =	vld [tilespmem:$0x14C60]  }
0x1c4: {  	v45 =	vld [tilespmem:$0x14CB0];
	v0 =	vadd.f32 v1, v0  }
0x1c5: {  	v47 =	vld [tilespmem:$0x151B0];
	v2 =	vadd.f32 v3, v2  }
0x1c6: {  	v49 =	vld [tilespmem:$0x14CC0];
	v60 =	vadd.f32 v5, v4;
	[tilespmem:$0x14B00] =	vst v0  }
0x1c7: {  	v51 =	vld [tilespmem:$0x151C0];
	v61 =	vadd.f32 v7, v6;
	[tilespmem:$0x14B10] =	vst v2  }
0x1c8: {  	v53 =	vld [tilespmem:$0x14CD0];
	v62 =	vadd.f32 v9, v8;
	[tilespmem:$0x14B20] =	vst v60  }
0x1c9: {  	v55 =	vld [tilespmem:$0x151D0];
	v63 =	vadd.f32 v11, v10;
	[tilespmem:$0x14B30] =	vst v61  }
0x1ca: {  	v57 =	vld [tilespmem:$0x14CE0];
	v13 =	vadd.f32 v13, v12;
	[tilespmem:$0x14B40] =	vst v62  }
0x1cb: {  	v59 =	vld [tilespmem:$0x151E0];
	v15 =	vadd.f32 v15, v14;
	[tilespmem:$0x14B50] =	vst v63  }
0x1cc: {  	v1 =	vld [tilespmem:$0x15160];
	v17 =	vadd.f32 v17, v16;
	[tilespmem:$0x14B60] =	vst v13  }
0x1cd: {  	v3 =	vld [tilespmem:$0x14C70];
	v19 =	vadd.f32 v19, v18;
	[tilespmem:$0x14B70] =	vst v15  }
0x1ce: {  	v4 =	vld [tilespmem:$0x15170];
	v46 =	vadd.f32 v21, v20;
	[tilespmem:$0x14B80] =	vst v17  }
0x1cf: {  	v5 =	vld [tilespmem:$0x14C80];
	v48 =	vadd.f32 v23, v22;
	[tilespmem:$0x14B90] =	vst v19  }
0x1d0: {  	v6 =	vld [tilespmem:$0x15180];
	v50 =	vadd.f32 v25, v24;
	[tilespmem:$0x14BA0] =	vst v46  }
0x1d1: {  	v7 =	vld [tilespmem:$0x14C90];
	v52 =	vadd.f32 v27, v26;
	[tilespmem:$0x14BB0] =	vst v48  }
0x1d2: {  	v8 =	vld [tilespmem:$0x15190];
	v54 =	vadd.f32 v29, v28;
	[tilespmem:$0x14BC0] =	vst v50  }
0x1d3: {  	v9 =	vld [tilespmem:$0x14CA0];
	v56 =	vadd.f32 v31, v30;
	[tilespmem:$0x14BD0] =	vst v52  }
0x1d4: {  	v10 =	vld [tilespmem:$0x151A0];
	v58 =	vadd.f32 v33, v32;
	[tilespmem:$0x14BE0] =	vst v54  }
0x1d5: {  	v24 =	vadd.f32 v39, v38;
	v25 =	vld [tilespmem:$0x14D00];
	[tilespmem:$0x14BF0] =	vst v56  }
0x1d6: {  	v26 =	vadd.f32 v41, v40;
	v27 =	vld [tilespmem:$0x15200];
	[tilespmem:$0x14C00] =	vst v58  }
0x1d7: {  	v28 =	vadd.f32 v43, v42;
	v29 =	vld [tilespmem:$0x14D10];
	[tilespmem:$0x14C30] =	vst v24  }
0x1d8: {  	v31 =	vld [tilespmem:$0x15210];
	v40 =	vadd.f32 v47, v45;
	[tilespmem:$0x14C40] =	vst v26  }
0x1d9: {  	v33 =	vld [tilespmem:$0x14D20];
	v42 =	vadd.f32 v51, v49;
	[tilespmem:$0x14C50] =	vst v28  }
0x1da: {  	v39 =	vld [tilespmem:$0x15230];
	v60 =	vadd.f32 v35, v34;
	[tilespmem:$0x14CB0] =	vst v40  }
0x1db: {  	v41 =	vld [tilespmem:$0x14D40];
	v62 =	vadd.f32 v37, v36;
	[tilespmem:$0x14CC0] =	vst v42  }
0x1dc: {  	v43 =	vld [tilespmem:$0x15240];
	v46 =	vadd.f32 v59, v57;
	[tilespmem:$0x14C10] =	vst v60  }
0x1dd: {  	v45 =	vld [tilespmem:$0x14D50];
	[tilespmem:$0x14C20] =	vst v62;
	v30 =	vadd.f32 v1, v44  }
0x1de: {  	v47 =	vld [tilespmem:$0x15250];
	[tilespmem:$0x14CE0] =	vst v46;
	v32 =	vadd.f32 v4, v3  }
0x1df: {  	v49 =	vld [tilespmem:$0x14D60];
	v34 =	vadd.f32 v6, v5;
	[tilespmem:$0x14C60] =	vst v30  }
0x1e0: {  	v51 =	vld [tilespmem:$0x15260];
	v36 =	vadd.f32 v8, v7;
	[tilespmem:$0x14C70] =	vst v32  }
0x1e1: {  	v61 =	vld [tilespmem:$0x14CF0];
	v38 =	vadd.f32 v10, v9;
	[tilespmem:$0x14C80] =	vst v34  }
0x1e2: {  	v63 =	vld [tilespmem:$0x151F0];
	v44 =	vadd.f32 v55, v53;
	[tilespmem:$0x14C90] =	vst v36  }
0x1e3: {  	v35 =	vld [tilespmem:$0x15220];
	v50 =	vadd.f32 v27, v25;
	[tilespmem:$0x14CA0] =	vst v38  }
0x1e4: {  	v37 =	vld [tilespmem:$0x14D30];
	v1 =	vadd.f32 v31, v29;
	[tilespmem:$0x14CD0] =	vst v44  }
0x1e5: {  	v52 =	vld [tilespmem:$0x14D70];
	v56 =	vadd.f32 v43, v41;
	[tilespmem:$0x14D00] =	vst v50  }
0x1e6: {  	v54 =	vld [tilespmem:$0x15270];
	v57 =	vadd.f32 v47, v45;
	[tilespmem:$0x14D10] =	vst v1  }
0x1e7: {  	v58 =	vadd.f32 v51, v49;
	[tilespmem:$0x14D40] =	vst v56  }
0x1e8: {  	v48 =	vadd.f32 v63, v61;
	[tilespmem:$0x14D50] =	vst v57  }
0x1e9: {  	v53 =	vadd.f32 v35, v33;
	[tilespmem:$0x14D60] =	vst v58  }
0x1ea: {  	v55 =	vadd.f32 v39, v37;
	[tilespmem:$0x14CF0] =	vst v48  }
0x1eb: {  	v59 =	vadd.f32 v54, v52;
	[tilespmem:$0x14D20] =	vst v53  }
0x1ec: {  	[tilespmem:$0x14D30] =	vst v55  }
0x1ed: {  	s15 =	rddreg [dreg:$0xc];
	[tilespmem:$0x14D70] =	vst v59  }
0x1ee: {  	[tilespmem:s1], [sflag:$0x3] =	stream.strided.gather [spmem:s15], $0x280, s23, s22, $0x38;
	[tilespmem:$0x15580] =	vst v63  }
0x1ef: {  	_ =	swait.ge [sflag:s20], $0x280  }
0x1f0: {  	[sflag:s20] =	ssyncset.done $0x0  }
0x1f1: {  	[sflag:s20] =	ssyncadd.s32 $0xFFFFFD80  }
0x1f2: {  	v0 =	vld [tilespmem:$0x14B00]  }
0x1f3: {  	v1 =	vld [tilespmem:$0x15000]  }
0x1f4: {  	v2 =	vld [tilespmem:$0x14B10]  }
0x1f5: {  	v3 =	vld [tilespmem:$0x15010]  }
0x1f6: {  	v4 =	vld [tilespmem:$0x14B20]  }
0x1f7: {  	v60 =	vld [tilespmem:$0x15020]  }
0x1f8: {  	v6 =	vld [tilespmem:$0x14B30]  }
0x1f9: {  	v61 =	vld [tilespmem:$0x15030]  }
0x1fa: {  	v8 =	vld [tilespmem:$0x14B40]  }
0x1fb: {  	v62 =	vld [tilespmem:$0x15040]  }
0x1fc: {  	v10 =	vld [tilespmem:$0x14B50]  }
0x1fd: {  	v63 =	vld [tilespmem:$0x15050]  }
0x1fe: {  	v12 =	vld [tilespmem:$0x14B60]  }
0x1ff: {  	v13 =	vld [tilespmem:$0x15060]  }
0x200: {  	v14 =	vld [tilespmem:$0x14B70]  }
0x201: {  	v15 =	vld [tilespmem:$0x15070]  }
0x202: {  	v16 =	vld [tilespmem:$0x14B80]  }
0x203: {  	v17 =	vld [tilespmem:$0x15080]  }
0x204: {  	v18 =	vld [tilespmem:$0x14B90]  }
0x205: {  	v19 =	vld [tilespmem:$0x15090]  }
0x206: {  	v20 =	vld [tilespmem:$0x14BA0]  }
0x207: {  	v21 =	vld [tilespmem:$0x150A0]  }
0x208: {  	v22 =	vld [tilespmem:$0x14BB0]  }
0x209: {  	v23 =	vld [tilespmem:$0x150B0]  }
0x20a: {  	v48 =	vld [tilespmem:$0x14BC0]  }
0x20b: {  	v49 =	vld [tilespmem:$0x150C0]  }
0x20c: {  	v50 =	vld [tilespmem:$0x14BD0]  }
0x20d: {  	v51 =	vld [tilespmem:$0x150D0]  }
0x20e: {  	v52 =	vld [tilespmem:$0x14BE0]  }
0x20f: {  	v53 =	vld [tilespmem:$0x150E0]  }
0x210: {  	v54 =	vld [tilespmem:$0x14BF0]  }
0x211: {  	v55 =	vld [tilespmem:$0x150F0]  }
0x212: {  	v56 =	vld [tilespmem:$0x14C00]  }
0x213: {  	v57 =	vld [tilespmem:$0x15100]  }
0x214: {  	v58 =	vld [tilespmem:$0x14C10]  }
0x215: {  	v59 =	vld [tilespmem:$0x15110]  }
0x216: {  	v36 =	vld [tilespmem:$0x14C20]  }
0x217: {  	v37 =	vld [tilespmem:$0x15120]  }
0x218: {  	v38 =	vld [tilespmem:$0x14C30]  }
0x219: {  	v39 =	vld [tilespmem:$0x15130]  }
0x21a: {  	v40 =	vld [tilespmem:$0x14C40]  }
0x21b: {  	v41 =	vld [tilespmem:$0x15140]  }
0x21c: {  	v42 =	vld [tilespmem:$0x14C50]  }
0x21d: {  	v43 =	vld [tilespmem:$0x15150]  }
0x21e: {  	v44 =	vld [tilespmem:$0x14C60]  }
0x21f: {  	v5 =	vld [tilespmem:$0x14C80];
	v0 =	vadd.f32 v1, v0  }
0x220: {  	v7 =	vld [tilespmem:$0x14C90];
	v2 =	vadd.f32 v3, v2  }
0x221: {  	v9 =	vld [tilespmem:$0x14CA0];
	v60 =	vadd.f32 v60, v4;
	[tilespmem:$0x14B00] =	vst v0  }
0x222: {  	v11 =	vld [tilespmem:$0x14CB0];
	v61 =	vadd.f32 v61, v6;
	[tilespmem:$0x14B10] =	vst v2  }
0x223: {  	v45 =	vld [tilespmem:$0x151B0];
	v62 =	vadd.f32 v62, v8;
	[tilespmem:$0x14B20] =	vst v60  }
0x224: {  	v47 =	vld [tilespmem:$0x14CC0];
	v63 =	vadd.f32 v63, v10;
	[tilespmem:$0x14B30] =	vst v61  }
0x225: {  	v25 =	vld [tilespmem:$0x15200];
	v13 =	vadd.f32 v13, v12;
	[tilespmem:$0x14B40] =	vst v62  }
0x226: {  	v27 =	vld [tilespmem:$0x14D10];
	v15 =	vadd.f32 v15, v14;
	[tilespmem:$0x14B50] =	vst v63  }
0x227: {  	v29 =	vld [tilespmem:$0x15210];
	v17 =	vadd.f32 v17, v16;
	[tilespmem:$0x14B60] =	vst v13  }
0x228: {  	v31 =	vld [tilespmem:$0x14D20];
	v19 =	vadd.f32 v19, v18;
	[tilespmem:$0x14B70] =	vst v15  }
0x229: {  	v33 =	vld [tilespmem:$0x15220];
	v21 =	vadd.f32 v21, v20;
	[tilespmem:$0x14B80] =	vst v17  }
0x22a: {  	v35 =	vld [tilespmem:$0x14D30];
	v46 =	vadd.f32 v23, v22;
	[tilespmem:$0x14B90] =	vst v19  }
0x22b: {  	v1 =	vld [tilespmem:$0x15160];
	v48 =	vadd.f32 v49, v48;
	[tilespmem:$0x14BA0] =	vst v21  }
0x22c: {  	v3 =	vld [tilespmem:$0x14C70];
	v50 =	vadd.f32 v51, v50;
	[tilespmem:$0x14BB0] =	vst v46  }
0x22d: {  	v4 =	vld [tilespmem:$0x15170];
	v52 =	vadd.f32 v53, v52;
	[tilespmem:$0x14BC0] =	vst v48  }
0x22e: {  	v6 =	vld [tilespmem:$0x15180];
	v54 =	vadd.f32 v55, v54;
	[tilespmem:$0x14BD0] =	vst v50  }
0x22f: {  	v8 =	vld [tilespmem:$0x15190];
	v56 =	vadd.f32 v57, v56;
	[tilespmem:$0x14BE0] =	vst v52  }
0x230: {  	v10 =	vld [tilespmem:$0x151A0];
	v58 =	vadd.f32 v59, v58;
	[tilespmem:$0x14BF0] =	vst v54  }
0x231: {  	v49 =	vld [tilespmem:$0x151C0];
	v24 =	vadd.f32 v41, v40;
	[tilespmem:$0x14C00] =	vst v56  }
0x232: {  	v51 =	vld [tilespmem:$0x14CD0];
	v26 =	vadd.f32 v43, v42;
	[tilespmem:$0x14C10] =	vst v58  }
0x233: {  	v53 =	vld [tilespmem:$0x151D0];
	v60 =	vadd.f32 v37, v36;
	[tilespmem:$0x14C40] =	vst v24  }
0x234: {  	v55 =	vld [tilespmem:$0x14CE0];
	v62 =	vadd.f32 v39, v38;
	[tilespmem:$0x14C50] =	vst v26  }
0x235: {  	v57 =	vld [tilespmem:$0x151E0];
	v38 =	vadd.f32 v45, v11;
	[tilespmem:$0x14C20] =	vst v60  }
0x236: {  	v59 =	vld [tilespmem:$0x14CF0];
	[tilespmem:$0x14C30] =	vst v62;
	v28 =	vadd.f32 v1, v44  }
0x237: {  	v41 =	vld [tilespmem:$0x15240];
	[tilespmem:$0x14CB0] =	vst v38;
	v30 =	vadd.f32 v4, v3  }
0x238: {  	v43 =	vld [tilespmem:$0x14D50];
	v32 =	vadd.f32 v6, v5;
	[tilespmem:$0x14C60] =	vst v28  }
0x239: {  	v61 =	vld [tilespmem:$0x151F0];
	v34 =	vadd.f32 v8, v7;
	[tilespmem:$0x14C70] =	vst v30  }
0x23a: {  	v63 =	vld [tilespmem:$0x14D00];
	v36 =	vadd.f32 v10, v9;
	[tilespmem:$0x14C80] =	vst v32  }
0x23b: {  	v37 =	vld [tilespmem:$0x15230];
	v40 =	vadd.f32 v49, v47;
	[tilespmem:$0x14C90] =	vst v34  }
0x23c: {  	v39 =	vld [tilespmem:$0x14D40];
	v42 =	vadd.f32 v53, v51;
	[tilespmem:$0x14CA0] =	vst v36  }
0x23d: {  	v45 =	vld [tilespmem:$0x15250];
	v44 =	vadd.f32 v57, v55;
	[tilespmem:$0x14CC0] =	vst v40  }
0x23e: {  	v50 =	vld [tilespmem:$0x14D70];
	v1 =	vadd.f32 v29, v27;
	[tilespmem:$0x14CD0] =	vst v42  }
0x23f: {  	v52 =	vld [tilespmem:$0x15270];
	v51 =	vadd.f32 v33, v31;
	[tilespmem:$0x14CE0] =	vst v44  }
0x240: {  	v47 =	vld [tilespmem:$0x14D60];
	v46 =	vadd.f32 v61, v59;
	[tilespmem:$0x14D10] =	vst v1  }
0x241: {  	v49 =	vld [tilespmem:$0x15260];
	v48 =	vadd.f32 v25, v63;
	[tilespmem:$0x14D20] =	vst v51  }
0x242: {  	v53 =	vadd.f32 v37, v35;
	[tilespmem:$0x14CF0] =	vst v46  }
0x243: {  	v54 =	vadd.f32 v41, v39;
	[tilespmem:$0x14D00] =	vst v48  }
0x244: {  	v55 =	vadd.f32 v45, v43;
	[tilespmem:$0x14D30] =	vst v53  }
0x245: {  	v57 =	vadd.f32 v52, v50;
	[tilespmem:$0x14D40] =	vst v54  }
0x246: {  	[tilespmem:$0x14D50] =	vst v55;
	v56 =	vadd.f32 v49, v47  }
0x247: {  	[tilespmem:$0x14D70] =	vst v57  }
0x248: {  	s16 =	rddreg [dreg:$0xd];
	[tilespmem:$0x14D60] =	vst v56  }
0x249: {  	[tilespmem:s1], [sflag:$0x3] =	stream.strided.gather [spmem:s16], $0x280, s23, s22, $0x38;
	[tilespmem:$0x15580] =	vst v63  }
0x24a: {  	_ =	swait.ge [sflag:s20], $0x280  }
0x24b: {  	[sflag:s20] =	ssyncset.done $0x0  }
0x24c: {  	[sflag:s20] =	ssyncadd.s32 $0xFFFFFD80  }
0x24d: {  	v0 =	vld [tilespmem:$0x14B00]  }
0x24e: {  	v58 =	vld [tilespmem:$0x15000]  }
0x24f: {  	v2 =	vld [tilespmem:$0x14B10]  }
0x250: {  	v3 =	vld [tilespmem:$0x15010]  }
0x251: {  	v4 =	vld [tilespmem:$0x14B20]  }
0x252: {  	v59 =	vld [tilespmem:$0x15020]  }
0x253: {  	v6 =	vld [tilespmem:$0x14B30]  }
0x254: {  	v7 =	vld [tilespmem:$0x15030]  }
0x255: {  	v8 =	vld [tilespmem:$0x14B40]  }
0x256: {  	v60 =	vld [tilespmem:$0x15040]  }
0x257: {  	v10 =	vld [tilespmem:$0x14B50]  }
0x258: {  	v11 =	vld [tilespmem:$0x15050]  }
0x259: {  	v12 =	vld [tilespmem:$0x14B60]  }
0x25a: {  	v61 =	vld [tilespmem:$0x15060]  }
0x25b: {  	v14 =	vld [tilespmem:$0x14B70]  }
0x25c: {  	v15 =	vld [tilespmem:$0x15070]  }
0x25d: {  	v16 =	vld [tilespmem:$0x14B80]  }
0x25e: {  	v62 =	vld [tilespmem:$0x15080]  }
0x25f: {  	v18 =	vld [tilespmem:$0x14B90]  }
0x260: {  	v19 =	vld [tilespmem:$0x15090]  }
0x261: {  	v20 =	vld [tilespmem:$0x14BA0]  }
0x262: {  	v63 =	vld [tilespmem:$0x150A0]  }
0x263: {  	v22 =	vld [tilespmem:$0x14BB0]  }
0x264: {  	v23 =	vld [tilespmem:$0x150B0]  }
0x265: {  	v24 =	vld [tilespmem:$0x14BC0]  }
0x266: {  	v48 =	vld [tilespmem:$0x150C0]  }
0x267: {  	v26 =	vld [tilespmem:$0x14BD0]  }
0x268: {  	v49 =	vld [tilespmem:$0x150D0]  }
0x269: {  	v28 =	vld [tilespmem:$0x14BE0]  }
0x26a: {  	v50 =	vld [tilespmem:$0x150E0]  }
0x26b: {  	v30 =	vld [tilespmem:$0x14BF0]  }
0x26c: {  	v51 =	vld [tilespmem:$0x150F0]  }
0x26d: {  	v32 =	vld [tilespmem:$0x14C00]  }
0x26e: {  	v52 =	vld [tilespmem:$0x15100]  }
0x26f: {  	v34 =	vld [tilespmem:$0x14C10]  }
0x270: {  	v53 =	vld [tilespmem:$0x15110]  }
0x271: {  	v36 =	vld [tilespmem:$0x14C20]  }
0x272: {  	v54 =	vld [tilespmem:$0x15120]  }
0x273: {  	v38 =	vld [tilespmem:$0x14C30]  }
0x274: {  	v55 =	vld [tilespmem:$0x15130]  }
0x275: {  	v40 =	vld [tilespmem:$0x14C40]  }
0x276: {  	v56 =	vld [tilespmem:$0x15140]  }
0x277: {  	v42 =	vld [tilespmem:$0x14C50]  }
0x278: {  	v57 =	vld [tilespmem:$0x15150]  }
0x279: {  	v44 =	vld [tilespmem:$0x14C60]  }
0x27a: {  	v45 =	vld [tilespmem:$0x148A0]  }
0x27b: {  	v33 =	vld [tilespmem:$0x14920]  }
0x27c: {  	v41 =	vld [tilespmem:$0x14930]  }
0x27d: {  	v46 =	vld [tilespmem:$0x14950];
	v0 =	vadd.f32 v58, v0  }
0x27e: {  	v58 =	vld [tilespmem:$0x15160];
	v2 =	vadd.f32 v3, v2  }
0x27f: {  	v3 =	vld [tilespmem:$0x14C70];
	v4 =	vadd.f32 v59, v4;
	[tilespmem:$0x14B00] =	vst v0  }
0x280: {  	v59 =	vld [tilespmem:$0x15170];
	v6 =	vadd.f32 v7, v6;
	[tilespmem:$0x14B10] =	vst v2  }
0x281: {  	v7 =	vld [tilespmem:$0x14C80];
	v8 =	vadd.f32 v60, v8;
	[tilespmem:$0x14B20] =	vst v4  }
0x282: {  	v60 =	vld [tilespmem:$0x15180];
	v10 =	vadd.f32 v11, v10;
	[tilespmem:$0x14B30] =	vst v6  }
0x283: {  	v11 =	vld [tilespmem:$0x14C90];
	v12 =	vadd.f32 v61, v12;
	[tilespmem:$0x14B40] =	vst v8  }
0x284: {  	v61 =	vld [tilespmem:$0x15190];
	v14 =	vadd.f32 v15, v14;
	[tilespmem:$0x14B50] =	vst v10  }
0x285: {  	v15 =	vld [tilespmem:$0x14CA0];
	v16 =	vadd.f32 v62, v16;
	[tilespmem:$0x14B60] =	vst v12  }
0x286: {  	v62 =	vld [tilespmem:$0x151A0];
	v18 =	vadd.f32 v19, v18;
	[tilespmem:$0x14B70] =	vst v14  }
0x287: {  	v19 =	vld [tilespmem:$0x14CB0];
	v20 =	vadd.f32 v63, v20;
	[tilespmem:$0x14B80] =	vst v16  }
0x288: {  	v63 =	vld [tilespmem:$0x151B0];
	v22 =	vadd.f32 v23, v22;
	[tilespmem:$0x14B90] =	vst v18  }
0x289: {  	v23 =	vld [tilespmem:$0x14CC0];
	v24 =	vadd.f32 v48, v24;
	[tilespmem:$0x14BA0] =	vst v20  }
0x28a: {  	v48 =	vld [tilespmem:$0x151C0];
	v26 =	vadd.f32 v49, v26;
	[tilespmem:$0x14BB0] =	vst v22  }
0x28b: {  	v49 =	vld [tilespmem:$0x14CD0];
	v28 =	vadd.f32 v50, v28;
	[tilespmem:$0x14BC0] =	vst v24  }
0x28c: {  	v50 =	vld [tilespmem:$0x151D0];
	v30 =	vadd.f32 v51, v30;
	[tilespmem:$0x14BD0] =	vst v26  }
0x28d: {  	v51 =	vld [tilespmem:$0x14CE0];
	v32 =	vadd.f32 v52, v32;
	[tilespmem:$0x14BE0] =	vst v28  }
0x28e: {  	v52 =	vld [tilespmem:$0x151E0];
	v34 =	vadd.f32 v53, v34;
	[tilespmem:$0x14BF0] =	vst v30  }
0x28f: {  	v53 =	vld [tilespmem:$0x14CF0];
	v36 =	vadd.f32 v54, v36;
	[tilespmem:$0x14C00] =	vst v32  }
0x290: {  	v54 =	vld [tilespmem:$0x151F0];
	v38 =	vadd.f32 v55, v38;
	[tilespmem:$0x14C10] =	vst v34  }
0x291: {  	v55 =	vld [tilespmem:$0x14D00];
	v40 =	vadd.f32 v56, v40;
	[tilespmem:$0x14C20] =	vst v36  }
0x292: {  	v56 =	vld [tilespmem:$0x15200];
	v42 =	vadd.f32 v57, v42;
	[tilespmem:$0x14C30] =	vst v38  }
0x293: {  	v57 =	vld [tilespmem:$0x14D10];
	[tilespmem:$0x14C40] =	vst v40  }
0x294: {  	[tilespmem:$0x14C50] =	vst v42;
	v4 =	vmin.f32 v4, v45;
	v45 =	vld [tilespmem:$0x14940];
	v1 =	vadd.f32 v58, v44  }
0x295: {  	[tilespmem:$0x14B20] =	vst v4;
	v58 =	vld [tilespmem:$0x15210];
	v3 =	vadd.f32 v59, v3  }
0x296: {  	v59 =	vld [tilespmem:$0x14D20];
	v7 =	vadd.f32 v60, v7;
	[tilespmem:$0x14C60] =	vst v1  }
0x297: {  	v60 =	vld [tilespmem:$0x15220];
	v11 =	vadd.f32 v61, v11;
	[tilespmem:$0x14C70] =	vst v3  }
0x298: {  	v61 =	vld [tilespmem:$0x14D30];
	v15 =	vadd.f32 v62, v15;
	[tilespmem:$0x14C80] =	vst v7  }
0x299: {  	v19 =	vadd.f32 v63, v19;
	v27 =	vadd.f32 v50, v49;
	v49 =	vld [tilespmem:$0x14D50];
	[tilespmem:$0x14C90] =	vst v11  }
0x29a: {  	v23 =	vadd.f32 v48, v23;
	v50 =	vld [tilespmem:$0x15250];
	[tilespmem:$0x14CA0] =	vst v15  }
0x29b: {  	v31 =	vadd.f32 v52, v51;
	v52 =	vld [tilespmem:$0x14880];
	[tilespmem:$0x14CB0] =	vst v19  }
0x29c: {  	v35 =	vadd.f32 v54, v53;
	v54 =	vld [tilespmem:$0x14890];
	[tilespmem:$0x14CC0] =	vst v23  }
0x29d: {  	v51 =	vld [tilespmem:$0x14D60];
	[tilespmem:$0x14CD0] =	vst v27  }
0x29e: {  	v39 =	vadd.f32 v56, v55;
	v53 =	vld [tilespmem:$0x15260];
	[tilespmem:$0x14CE0] =	vst v31  }
0x29f: {  	v55 =	vld [tilespmem:$0x14D70];
	[tilespmem:$0x14CF0] =	vst v35  }
0x2a0: {  	v56 =	vld [tilespmem:$0x15270];
	[tilespmem:$0x14D00] =	vst v39;
	v0 =	vmin.f32 v0, v52  }
0x2a1: {  	v62 =	vld [tilespmem:$0x15230];
	v2 =	vmin.f32 v2, v54;
	[tilespmem:$0x14B00] =	vst v0  }
0x2a2: {  	v63 =	vld [tilespmem:$0x14D40];
	v29 =	vadd.f32 v50, v49;
	v49 =	vmin.f32 v20, v33;
	[tilespmem:$0x14B10] =	vst v2  }
0x2a3: {  	v48 =	vld [tilespmem:$0x15240];
	v9 =	vadd.f32 v53, v51;
	v51 =	vmin.f32 v22, v41;
	[tilespmem:$0x14BA0] =	vst v49  }
0x2a4: {  	v53 =	vmin.f32 v24, v45;
	[tilespmem:$0x14BB0] =	vst v51  }
0x2a5: {  	v43 =	vadd.f32 v58, v57;
	v17 =	vadd.f32 v56, v55;
	v55 =	vmin.f32 v26, v46;
	[tilespmem:$0x14BC0] =	vst v53  }
0x2a6: {  	v5 =	vadd.f32 v60, v59;
	[tilespmem:$0x14BD0] =	vst v55  }
0x2a7: {  	v13 =	vadd.f32 v62, v61;
	[tilespmem:$0x14D10] =	vst v43  }
0x2a8: {  	v21 =	vadd.f32 v48, v63;
	v57 =	vld [tilespmem:$0x148B0];
	[tilespmem:$0x14D20] =	vst v5  }
0x2a9: {  	v58 =	vld [tilespmem:$0x148C0];
	[tilespmem:$0x14D30] =	vst v13  }
0x2aa: {  	v59 =	vld [tilespmem:$0x148D0];
	[tilespmem:$0x14D40] =	vst v21  }
0x2ab: {  	v60 =	vld [tilespmem:$0x148E0];
	[tilespmem:$0x14D50] =	vst v29  }
0x2ac: {  	v61 =	vld [tilespmem:$0x148F0];
	[tilespmem:$0x14D60] =	vst v9  }
0x2ad: {  	v63 =	vld [tilespmem:$0x14910];
	[tilespmem:$0x14D70] =	vst v17;
	v0 =	vmin.f32 v6, v57  }
0x2ae: {  	v48 =	vld [tilespmem:$0x14960];
	v2 =	vmin.f32 v8, v58;
	[tilespmem:$0x14B30] =	vst v0  }
0x2af: {  	v50 =	vld [tilespmem:$0x14970];
	v25 =	vmin.f32 v10, v59;
	[tilespmem:$0x14B40] =	vst v2  }
0x2b0: {  	v52 =	vld [tilespmem:$0x14980];
	v37 =	vmin.f32 v12, v60;
	[tilespmem:$0x14B50] =	vst v25  }
0x2b1: {  	v54 =	vld [tilespmem:$0x14990];
	v44 =	vmin.f32 v14, v61;
	[tilespmem:$0x14B60] =	vst v37  }
0x2b2: {  	v56 =	vld [tilespmem:$0x149A0];
	v47 =	vmin.f32 v18, v63;
	[tilespmem:$0x14B70] =	vst v44  }
0x2b3: {  	v20 =	vld [tilespmem:$0x14A00];
	v57 =	vmin.f32 v28, v48;
	[tilespmem:$0x14B90] =	vst v47  }
0x2b4: {  	v33 =	vld [tilespmem:$0x14A40];
	v59 =	vmin.f32 v30, v50;
	[tilespmem:$0x14BE0] =	vst v57  }
0x2b5: {  	v41 =	vld [tilespmem:$0x14A70];
	v61 =	vmin.f32 v32, v52;
	[tilespmem:$0x14BF0] =	vst v59  }
0x2b6: {  	v46 =	vld [tilespmem:$0x14A90];
	v63 =	vmin.f32 v34, v54;
	[tilespmem:$0x14C00] =	vst v61  }
0x2b7: {  	v62 =	vld [tilespmem:$0x14900];
	v14 =	vmin.f32 v36, v56;
	[tilespmem:$0x14C10] =	vst v63  }
0x2b8: {  	v24 =	vld [tilespmem:$0x14A10];
	v34 =	vmin.f32 v7, v20;
	[tilespmem:$0x14C20] =	vst v14  }
0x2b9: {  	v58 =	vld [tilespmem:$0x149B0];
	v45 =	vmin.f32 v23, v33;
	[tilespmem:$0x14C80] =	vst v34  }
0x2ba: {  	v60 =	vld [tilespmem:$0x149C0];
	v51 =	vmin.f32 v35, v41;
	[tilespmem:$0x14CC0] =	vst v45  }
0x2bb: {  	v12 =	vld [tilespmem:$0x149E0];
	v55 =	vmin.f32 v43, v46;
	[tilespmem:$0x14CF0] =	vst v51  }
0x2bc: {  	v26 =	vld [tilespmem:$0x14A20];
	v0 =	vmin.f32 v16, v62;
	[tilespmem:$0x14D10] =	vst v55  }
0x2bd: {  	v36 =	vld [tilespmem:$0x14A50];
	v37 =	vmin.f32 v11, v24;
	[tilespmem:$0x14B80] =	vst v0  }
0x2be: {  	v48 =	vld [tilespmem:$0x14AA0];
	[tilespmem:$0x14C90] =	vst v37;
	v18 =	vmin.f32 v38, v58  }
0x2bf: {  	v50 =	vld [tilespmem:$0x14AB0];
	v22 =	vmin.f32 v40, v60;
	[tilespmem:$0x14C30] =	vst v18  }
0x2c0: {  	v52 =	vld [tilespmem:$0x14AC0];
	v28 =	vmin.f32 v1, v12;
	[tilespmem:$0x14C40] =	vst v22  }
0x2c1: {  	v54 =	vld [tilespmem:$0x14AD0];
	v40 =	vmin.f32 v15, v26;
	[tilespmem:$0x14C60] =	vst v28  }
0x2c2: {  	v62 =	vld [tilespmem:$0x149D0];
	v47 =	vmin.f32 v27, v36;
	[tilespmem:$0x14CA0] =	vst v40  }
0x2c3: {  	v16 =	vld [tilespmem:$0x149F0];
	v57 =	vmin.f32 v5, v48;
	[tilespmem:$0x14CD0] =	vst v47  }
0x2c4: {  	v30 =	vld [tilespmem:$0x14A30];
	v59 =	vmin.f32 v13, v50;
	[tilespmem:$0x14D20] =	vst v57  }
0x2c5: {  	v44 =	vld [tilespmem:$0x14A80];
	v60 =	vmin.f32 v21, v52;
	[tilespmem:$0x14D30] =	vst v59  }
0x2c6: {  	v56 =	vld [tilespmem:$0x14AE0];
	v61 =	vmin.f32 v29, v54;
	[tilespmem:$0x14D40] =	vst v60  }
0x2c7: {  	v38 =	vld [tilespmem:$0x14A60];
	v25 =	vmin.f32 v42, v62;
	[tilespmem:$0x14D50] =	vst v61  }
0x2c8: {  	v58 =	vld [tilespmem:$0x14AF0];
	v32 =	vmin.f32 v3, v16;
	[tilespmem:$0x14C50] =	vst v25  }
0x2c9: {  	v42 =	vmin.f32 v19, v30;
	[tilespmem:$0x14C70] =	vst v32  }
0x2ca: {  	v53 =	vmin.f32 v39, v44;
	[tilespmem:$0x14CB0] =	vst v42  }
0x2cb: {  	v62 =	vmin.f32 v9, v56;
	[tilespmem:$0x14D00] =	vst v53  }
0x2cc: {  	[tilespmem:$0x14D60] =	vst v62;
	v49 =	vmin.f32 v31, v38  }
0x2cd: {  	v63 =	vmin.f32 v17, v58;
	[tilespmem:$0x14CE0] =	vst v49  }
.Ltmp9:
0x2ce: {  	s26 =	simm.s32 $0x14B00;
	s18 =	rddreg [dreg:$0xe];
	[tilespmem:$0x14D70] =	vst v63;
	(pc) =	sbr.rel .LBB2_14-.Ltmp9, $4  }
0x2cf: {  	[hbm4b:s18+s3] =	stream.linear.scatter [tilespmem:s26], [sflag:$0x3], $0x280, $0x38;
	[tilespmem:$0x15580] =	vst v63  }
0x2d0: {  	_ =	swait.ge [sflag:s20], $0x280  }
0x2d1: {  	[sflag:s20] =	ssyncset.done $0x0  }
0x2d2: {  	[sflag:s20] =	ssyncadd.s32 $0xFFFFFD80  }
.LBB2_15:
0x2d3: {  	_ =	sfence.sel $0x180000  }
0x2d4: {  	[bflag:$0x0] =	sbarrier.arrive $0xFFFF  }
0x2d5: {  	_ =	strace $0x90000047  }
0x2d6: {  	s0 =	stileid.u32;
	[bflag:$0x2] =	sbarrier.arrive $0xFFFF  }
0x2d7: {  	p0 =	sne.s32 s0, $0x0;
	s0 =	rddreg [dreg:$0x5]  }
0x2d8: {  	s0 =	sadd.s32 @!p0 $0x100000, s0  }
0x2d9: {  	[sflag:s0] =	ssyncadd.tile.s32 @!p0 $0x1;
	_ =	shalt  }
.Lfunc_end2:
_tile_overlayer_lowered:
.L_overlay_start_2:
0x2da: {  	(tag) =	ssettag $0x2  }
0x2db: {  	s0 =	rddreg [dreg:$0x0];
	s2 =	stileid.u32  }
0x2dc: {  	s1 =	rddreg [dreg:$0x1];
	p0 =	sne.s32 s2, $0x0  }
0x2dd: {  	s3 =	rddreg [dreg:$0x2];
	[bflag:$0x3] =	sbarrier.arrive $0xFFFF;
	s2 =	simm.s32 @!p0 $0x1C03  }
0x2de: {  	[timem:s3], [sflag:s2] =	dma.local @!p0 [hbm:s0], s1  }
0x2df: {  	s0 =	simm.s32 @!p0 $0x3  }
0x2e0: {  	_ =	swait.ge @!p0 [sflag:s0], s1  }
0x2e1: {  	s1 =	ssub.s32 @!p0 $0x0, s1;
	[sflag:s0] =	ssyncset.done @!p0 $0x0  }
0x2e2: {  	[sflag:s0] =	ssyncadd.s32 @!p0 s1  }
0x2e3: {  	[bflag:$0x3] =	sbarrier.arrive $0xFFFF  }
0x2e4: {  	_ =	shalt  }

</sc_bundles>
